<compile_context>
chip_gen: v7x
topology: tpu7x:2x2x1
jax: 0.10.2.dev20260603
libtpu: 0.0.44.dev20260713+nightly
codegen_flags: <defaults>
</compile_context>

<pallas_src>
import functools

import jax
import jax.numpy as jnp
import numpy as np
from jax import lax
from jax.experimental import pallas as pl
from jax.experimental.pallas import tpu as pltpu
from jax.experimental.pallas import tpu_sc as plsc

N_NODES = 10000
N_EDGES = 320000
D_IN = 128
D_HID = 16
D_OUT = 128

NC = 2
NS = 16
NW = NC * NS
CHUNK = 128
NCHUNK = 80
EPAD = NW * NCHUNK * CHUNK
NPAD = 10240
RPS = NPAD // NS
NP8 = NPAD // 8
NN8 = N_NODES // 8

_PAD_ROW = np.zeros(EPAD - N_EDGES, np.int32)
_PAD_COL = (N_NODES + np.arange(EPAD - N_EDGES) % (NPAD - N_NODES)).astype(
    np.int32)

_mesh = plsc.VectorSubcoreMesh(
    core_axis_name="c", subcore_axis_name="s", num_cores=NC, num_subcores=NS)


def _fill(ref, n_rows, value):
    val = jnp.full((D_HID,), value, jnp.float32)

    def body(i, carry):
        ref[i] = val
        return carry

    lax.fori_loop(0, n_rows, body, 0)


@functools.partial(
    pl.kernel,
    out_type=jax.ShapeDtypeStruct((NC * NPAD, D_HID), jnp.float32),
    mesh=_mesh,
    scratch_types=[
        pltpu.VMEM((NCHUNK, CHUNK), jnp.int32),
        pltpu.VMEM((CHUNK, D_HID), jnp.float32),
        pltpu.VMEM((CHUNK, D_HID), jnp.float32),
        pltpu.VMEM_SHARED((NPAD, D_HID), jnp.float32),
        pltpu.SemaphoreType.DMA,
        pltpu.SemaphoreType.DMA,
        pltpu.SemaphoreType.DMA,
        pltpu.SemaphoreType.DMA,
    ],
    compiler_params=pltpu.CompilerParams(use_tc_tiling_on_sc=False),
)
def _sc_degree(col_hbm, out_hbm, col_v, ones_v, zeros_v, acc_sh,
               sem0, sem1, sem2, sem3):
    cid = lax.axis_index("c")
    sid = lax.axis_index("s")
    wid = sid * NC + cid
    _fill(ones_v, CHUNK, 1.0)
    _fill(zeros_v, CHUNK, 0.0)
    dc = pltpu.async_copy(col_hbm.at[pl.ds(wid * NCHUNK, NCHUNK)], col_v, sem0)
    dz = [pltpu.async_copy(
        zeros_v, acc_sh.at[pl.ds(sid * RPS + k * CHUNK, CHUNK)], sem1)
        for k in range(RPS // CHUNK)]
    dc.wait()
    for d in dz:
        d.wait()
    plsc.subcore_barrier()

    def body(t, carry):
        s0 = pltpu.async_copy(ones_v, acc_sh.at[col_v.at[4 * t]], sem0,
                              add=True)
        s1 = pltpu.async_copy(ones_v, acc_sh.at[col_v.at[4 * t + 1]], sem1,
                              add=True)
        s2 = pltpu.async_copy(ones_v, acc_sh.at[col_v.at[4 * t + 2]], sem2,
                              add=True)
        s3 = pltpu.async_copy(ones_v, acc_sh.at[col_v.at[4 * t + 3]], sem3,
                              add=True)
        s0.wait()
        s1.wait()
        s2.wait()
        s3.wait()
        return carry

    lax.fori_loop(0, NCHUNK // 4, body, 0)
    plsc.subcore_barrier()
    pltpu.sync_copy(acc_sh.at[pl.ds(sid * RPS, RPS)],
                    out_hbm.at[pl.ds(cid * NPAD + sid * RPS, RPS)])


@functools.partial(
    pl.kernel,
    out_type=jax.ShapeDtypeStruct((NC * NPAD, D_HID), jnp.float32),
    mesh=_mesh,
    scratch_types=[
        pltpu.VMEM((NCHUNK, CHUNK), jnp.int32),
        pltpu.VMEM((NCHUNK, CHUNK), jnp.int32),
        pltpu.VMEM((CHUNK, D_HID), jnp.float32),
        pltpu.VMEM((CHUNK, D_HID), jnp.float32),
        pltpu.VMEM((CHUNK, D_HID), jnp.float32),
        pltpu.VMEM((CHUNK, D_HID), jnp.float32),
        pltpu.VMEM((CHUNK, D_HID), jnp.float32),
        pltpu.VMEM_SHARED((NPAD, D_HID), jnp.float32),
        pltpu.VMEM_SHARED((NPAD, D_HID), jnp.float32),
        pltpu.SemaphoreType.DMA,
        pltpu.SemaphoreType.DMA,
        pltpu.SemaphoreType.DMA,
        pltpu.SemaphoreType.DMA,
        pltpu.SemaphoreType.DMA,
        pltpu.SemaphoreType.DMA,
        pltpu.SemaphoreType.DMA,
        pltpu.SemaphoreType.DMA,
    ],
    compiler_params=pltpu.CompilerParams(use_tc_tiling_on_sc=False),
)
def _sc_aggregate(ht_hbm, row_hbm, col_hbm, out_hbm,
                  row_v, col_v, msg0_v, msg1_v, msg2_v, msg3_v, zeros_v,
                  acc_sh, ht_sh,
                  gsem0, gsem1, gsem2, gsem3, ssem0, ssem1, ssem2, ssem3):
    cid = lax.axis_index("c")
    sid = lax.axis_index("s")
    wid = sid * NC + cid
    _fill(zeros_v, CHUNK, 0.0)
    dh = pltpu.async_copy(ht_hbm.at[pl.ds(sid * RPS, RPS)],
                          ht_sh.at[pl.ds(sid * RPS, RPS)], gsem0)
    dr = pltpu.async_copy(row_hbm.at[pl.ds(wid * NCHUNK, NCHUNK)], row_v,
                          gsem1)
    dc = pltpu.async_copy(col_hbm.at[pl.ds(wid * NCHUNK, NCHUNK)], col_v,
                          gsem2)
    dz = [pltpu.async_copy(
        zeros_v, acc_sh.at[pl.ds(sid * RPS + k * CHUNK, CHUNK)], ssem0)
        for k in range(RPS // CHUNK)]
    dh.wait()
    dr.wait()
    dc.wait()
    for d in dz:
        d.wait()
    plsc.subcore_barrier()

    msgs = (msg0_v, msg1_v, msg2_v, msg3_v)
    gsems = (gsem0, gsem1, gsem2, gsem3)
    ssems = (ssem0, ssem1, ssem2, ssem3)

    def body(t, carry):
        gs = [pltpu.async_copy(ht_sh.at[row_v.at[4 * t + k]], msgs[k],
                               gsems[k]) for k in range(4)]
        ss = []
        for k in range(4):
            gs[k].wait()
            ss.append(pltpu.async_copy(
                msgs[k], acc_sh.at[col_v.at[4 * t + k]], ssems[k], add=True))
        for s in ss:
            s.wait()
        return carry

    lax.fori_loop(0, NCHUNK // 4, body, 0)
    plsc.subcore_barrier()
    pltpu.sync_copy(acc_sh.at[pl.ds(sid * RPS, RPS)],
                    out_hbm.at[pl.ds(cid * NPAD + sid * RPS, RPS)])


def _tc_pre(deg_ref, x3_ref, w1p_ref, dinvp_ref, ht1p_ref):
    degp = deg_ref[0:NP8] + deg_ref[NP8:NC * NP8] + 1.0
    dinvp = lax.rsqrt(degp)
    dinvp_ref[...] = dinvp
    xw = jnp.dot(x3_ref[:, 0, :], w1p_ref[0],
                 preferred_element_type=jnp.float32)
    for a in range(1, 8):
        xw = xw + jnp.dot(x3_ref[:, a, :], w1p_ref[a],
                          preferred_element_type=jnp.float32)
    ht1p_ref[0:NN8] = dinvp[0:NN8] * xw
    ht1p_ref[NN8:NP8] = jnp.zeros((NP8 - NN8, 128), jnp.float32)


def _tc_mid(acc_ref, ht1p_ref, dinvp_ref, b1p_ref, ht2p_ref):
    dinvp = dinvp_ref[...]
    s = acc_ref[0:NP8] + acc_ref[NP8:NC * NP8] + ht1p_ref[...]
    out1 = jnp.maximum(dinvp * s + b1p_ref[...], 0.0)
    ht2p_ref[...] = dinvp * out1


def _tc_final(acc_ref, ht2p_ref, dinvp_ref, w2p_ref, b2_ref, out3_ref):
    gp = dinvp_ref[0:NP8] * (
        acc_ref[0:NP8] + acc_ref[NP8:NC * NP8] + ht2p_ref[...])
    gp = gp[0:NN8]
    for a in range(8):
        h = jnp.dot(gp, w2p_ref[a], preferred_element_type=jnp.float32)
        h = h + b2_ref[...]
        m = jnp.max(h, axis=1, keepdims=True)
        lse = m + jnp.log(jnp.sum(jnp.exp(h - m), axis=1, keepdims=True))
        out3_ref[:, a, :] = h - lse


def kernel(x, edge_index, W1, b1, W2, b2):
    ei = edge_index.astype(jnp.int32)
    row = jnp.concatenate([ei[0], jnp.asarray(_PAD_ROW)]).reshape(
        NW * NCHUNK, CHUNK)
    col = jnp.concatenate([ei[1], jnp.asarray(_PAD_COL)]).reshape(
        NW * NCHUNK, CHUNK)
    x3 = x.reshape(NN8, 8, D_IN)

    w1p = jnp.stack(
        [jnp.pad(W1, ((0, 0), (16 * a, 112 - 16 * a))) for a in range(8)])
    w2p = jnp.stack(
        [jnp.pad(W2, ((16 * a, 112 - 16 * a), (0, 0))) for a in range(8)])

    deg2 = _sc_degree(col)

    dinvp, ht1p = pl.pallas_call(
        _tc_pre,
        out_shape=[
            jax.ShapeDtypeStruct((NP8, 128), jnp.float32),
            jax.ShapeDtypeStruct((NP8, 128), jnp.float32),
        ],
    )(deg2.reshape(NC * NP8, 128), x3, w1p)

    acc1 = _sc_aggregate(ht1p.reshape(NPAD, D_HID), row, col)

    ht2p = pl.pallas_call(
        _tc_mid,
        out_shape=jax.ShapeDtypeStruct((NP8, 128), jnp.float32),
    )(acc1.reshape(NC * NP8, 128), ht1p, dinvp,
      jnp.tile(b1.reshape(1, D_HID), (1, 8)))

    acc2 = _sc_aggregate(ht2p.reshape(NPAD, D_HID), row, col)

    out3 = pl.pallas_call(
        _tc_final,
        out_shape=jax.ShapeDtypeStruct((NN8, 8, D_OUT), jnp.float32),
    )(acc2.reshape(NC * NP8, 128), ht2p, dinvp, w2p, b2.reshape(1, D_OUT))

    return out3.reshape(N_NODES, D_OUT)

# --- scband reference (transcript-rebuilt; emitter-appended) ---
"""Pipeline reference for scband-gcnnet-62508954026414 (READ-ONLY COPY).

The authoritative reference and input builder live on the scoring server;
editing this copy changes nothing except your own understanding.
"""

import jax, jax.numpy as jnp
import numpy as np

N_NODES = 10000
N_EDGES = 320000
D_IN = 128
D_HID = 16
D_OUT = 128


def setup_inputs(seed: int = 0) -> dict:
    key = jax.random.key(seed)
    k1, k2, k3, k4, k5, k6 = jax.random.split(key, 6)
    x = jax.random.normal(k1, (N_NODES, D_IN), dtype=jnp.float32)
    edge_index = jax.random.randint(k2, (2, N_EDGES), 0, N_NODES, dtype=jnp.int64)
    # glorot-style init for weights, zeros for biases (PyG GCNConv default)
    W1 = jax.random.normal(k3, (D_IN, D_HID), dtype=jnp.float32) * (1.0 / np.sqrt(D_IN))
    b1 = jnp.zeros((D_HID,), dtype=jnp.float32)
    W2 = jax.random.normal(k4, (D_HID, D_OUT), dtype=jnp.float32) * (1.0 / np.sqrt(D_HID))
    b2 = jnp.zeros((D_OUT,), dtype=jnp.float32)
    return {"x": x, "edge_index": edge_index, "W1": W1, "b1": b1, "W2": W2, "b2": b2}


def _gcn_conv(x, edge_index, W, b, n_nodes):
    # PyG GCNConv: add self loops, symmetric normalization D^-1/2 (A+I) D^-1/2 X W + b
    row = edge_index[0]
    col = edge_index[1]
    loop = jnp.arange(n_nodes, dtype=edge_index.dtype)
    row = jnp.concatenate([row, loop])
    col = jnp.concatenate([col, loop])
    ones = jnp.ones(row.shape[0], dtype=x.dtype)
    deg = jax.ops.segment_sum(ones, col, num_segments=n_nodes)
    deg_inv_sqrt = jnp.where(deg > 0, 1.0 / jnp.sqrt(deg), 0.0)
    norm = deg_inv_sqrt[row] * deg_inv_sqrt[col]
    xw = x @ W
    msg = jnp.take(xw, row, axis=0) * norm[:, None]
    out = jax.ops.segment_sum(msg, col, num_segments=n_nodes)
    return out + b


def reference(x, edge_index, W1, b1, W2, b2):
    h = _gcn_conv(x, edge_index, W1, b1, N_NODES)
    h = jax.nn.relu(h)
    # dropout(p=0.6) is identity in eval mode (training=False)
    h = _gcn_conv(h, edge_index, W2, b2, N_NODES)
    return jax.nn.log_softmax(h, axis=1)

if __name__ == "__main__":
    import jax
    _d = setup_inputs()
    print(jax.jit(kernel)(*tuple(_d.values())))

</pallas_src>

<mosaic_0001>
#map = affine_map<(d0, d1) -> (0, 0)>
module attributes {stable_mosaic.version = 14 : i64} {
  func.func @_sc_degree(%arg0: i32, %arg1: i32, %arg2: memref<2560x128xi32, #tpu.memory_space<hbm>>, %arg3: memref<20480x16xf32, #tpu.memory_space<hbm>>, %arg4: memref<80x128xi32, #tpu.memory_space<vmem>>, %arg5: memref<128x16xf32, #tpu.memory_space<vmem>>, %arg6: memref<128x16xf32, #tpu.memory_space<vmem>>, %arg7: memref<10240x16xf32, #tpu.memory_space<vmem_shared>>, %arg8: memref<!tpu.dma_semaphore, #tpu.memory_space<semaphore_mem>>, %arg9: memref<!tpu.dma_semaphore, #tpu.memory_space<semaphore_mem>>, %arg10: memref<!tpu.dma_semaphore, #tpu.memory_space<semaphore_mem>>, %arg11: memref<!tpu.dma_semaphore, #tpu.memory_space<semaphore_mem>>) attributes {dimension_semantics = [#tpu.dimension_semantics<core_parallel>, #tpu.dimension_semantics<subcore_parallel>], iteration_bounds = array<i64: 2, 16>, scalar_prefetch = 0 : i64, scratch_operands = 8 : i64, tpu.core_type = #tpu.core_type<sc_vector_subcore>, window_params = [{transform_indices = #map}, {transform_indices = #map}]} {
    %mul3A = arith.constant 2 : i32
    %mul3A_0 = arith.muli %arg1, %mul3A : i32
    %add3A = arith.addi %mul3A_0, %arg0 : i32
    %broadcast_in_dim3A = arith.constant 1.000000e+00 : f32
    %broadcast_in_dim3A_1 = vector.broadcast %broadcast_in_dim3A : f32 to vector<16xf32>
    %scan3A = arith.constant 0 : i32
    %scan3A_2 = arith.constant 0 : i32
    %scan3A_3 = arith.constant 128 : i32
    %scan3A_4 = arith.addi %scan3A_2, %scan3A_3 : i32
    %scan3A_5 = arith.constant 1 : i32
    scf.for %scan3A_97 = %scan3A_2 to %scan3A_4 step %scan3A_5  : i32 {
      %swap3A = arith.index_cast %scan3A_97 : i32 to index
      %swap3A_98 = arith.constant 0 : index
      %swap3A_99 = tpu.vector_load %arg5[%swap3A, %swap3A_98] {strides = array<i32>} : memref<128x16xf32, #tpu.memory_space<vmem>>, vector<1x16xf32>,
      %swap3A_100 = vector.shape_cast %swap3A_99 : vector<1x16xf32> to vector<16xf32>
      %swap3A_101 = vector.shape_cast %broadcast_in_dim3A_1 : vector<16xf32> to vector<1x16xf32>
      tpu.vector_store %arg5[%swap3A, %swap3A_98], %swap3A_101 {strides = array<i32>} : memref<128x16xf32, #tpu.memory_space<vmem>>, vector<1x16xf32>,
    }
    %scan3A_6 = arith.constant 128 : i32
    %broadcast_in_dim3A_7 = arith.constant 0.000000e+00 : f32
    %broadcast_in_dim3A_8 = vector.broadcast %broadcast_in_dim3A_7 : f32 to vector<16xf32>
    %scan3A_9 = arith.constant 0 : i32
    %scan3A_10 = arith.constant 0 : i32
    %scan3A_11 = arith.constant 128 : i32
    %scan3A_12 = arith.addi %scan3A_10, %scan3A_11 : i32
    %scan3A_13 = arith.constant 1 : i32
    scf.for %scan3A_97 = %scan3A_10 to %scan3A_12 step %scan3A_13  : i32 {
      %swap3A = arith.index_cast %scan3A_97 : i32 to index
      %swap3A_98 = arith.constant 0 : index
      %swap3A_99 = tpu.vector_load %arg6[%swap3A, %swap3A_98] {strides = array<i32>} : memref<128x16xf32, #tpu.memory_space<vmem>>, vector<1x16xf32>,
      %swap3A_100 = vector.shape_cast %swap3A_99 : vector<1x16xf32> to vector<16xf32>
      %swap3A_101 = vector.shape_cast %broadcast_in_dim3A_8 : vector<16xf32> to vector<1x16xf32>
      tpu.vector_store %arg6[%swap3A, %swap3A_98], %swap3A_101 {strides = array<i32>} : memref<128x16xf32, #tpu.memory_space<vmem>>, vector<1x16xf32>,
    }
    %scan3A_14 = arith.constant 128 : i32
    %mul3A_15 = arith.constant 80 : i32
    %mul3A_16 = arith.muli %add3A, %mul3A_15 : i32
    %dma_start3A = arith.constant 0 : i32
    %dma_start3A_17 = tpu.memref_slice %arg2[%mul3A_16, %dma_start3A] : memref<2560x128xi32, #tpu.memory_space<hbm>> -> memref<80x128xi32, #tpu.memory_space<hbm>>
    %dma_start3A_18 = arith.constant 0 : i32
    %dma_start3A_19 = tpu.memref_slice %arg2[%mul3A_16, %dma_start3A_18] : memref<2560x128xi32, #tpu.memory_space<hbm>> -> memref<80x128xi32, #tpu.memory_space<hbm>>
    tpu.enqueue_dma source(%dma_start3A_19 : memref<80x128xi32, #tpu.memory_space<hbm>>) target(%arg4 : memref<80x128xi32, #tpu.memory_space<vmem>>) target_semaphore(%arg8 : memref<!tpu.dma_semaphore, #tpu.memory_space<semaphore_mem>>)
    %mul3A_20 = arith.constant 640 : i32
    %mul3A_21 = arith.muli %arg1, %mul3A_20 : i32
    %add3A_22 = arith.constant 0 : i32
    %add3A_23 = arith.addi %mul3A_21, %add3A_22 : i32
    %dma_start3A_24 = arith.constant 0 : i32
    %dma_start3A_25 = tpu.memref_slice %arg7[%add3A_23, %dma_start3A_24] : memref<10240x16xf32, #tpu.memory_space<vmem_shared>> -> memref<128x16xf32, #tpu.memory_space<vmem_shared>>
    %dma_start3A_26 = arith.constant 0 : i32
    %dma_start3A_27 = tpu.memref_slice %arg7[%add3A_23, %dma_start3A_26] : memref<10240x16xf32, #tpu.memory_space<vmem_shared>> -> memref<128x16xf32, #tpu.memory_space<vmem_shared>>
    tpu.enqueue_dma source(%arg6 : memref<128x16xf32, #tpu.memory_space<vmem>>) target(%dma_start3A_27 : memref<128x16xf32, #tpu.memory_space<vmem_shared>>) target_semaphore(%arg9 : memref<!tpu.dma_semaphore, #tpu.memory_space<semaphore_mem>>)
    %mul3A_28 = arith.constant 640 : i32
    %mul3A_29 = arith.muli %arg1, %mul3A_28 : i32
    %add3A_30 = arith.constant 128 : i32
    %add3A_31 = arith.addi %mul3A_29, %add3A_30 : i32
    %dma_start3A_32 = arith.constant 0 : i32
    %dma_start3A_33 = tpu.memref_slice %arg7[%add3A_31, %dma_start3A_32] : memref<10240x16xf32, #tpu.memory_space<vmem_shared>> -> memref<128x16xf32, #tpu.memory_space<vmem_shared>>
    %dma_start3A_34 = arith.constant 0 : i32
    %dma_start3A_35 = tpu.memref_slice %arg7[%add3A_31, %dma_start3A_34] : memref<10240x16xf32, #tpu.memory_space<vmem_shared>> -> memref<128x16xf32, #tpu.memory_space<vmem_shared>>
    tpu.enqueue_dma source(%arg6 : memref<128x16xf32, #tpu.memory_space<vmem>>) target(%dma_start3A_35 : memref<128x16xf32, #tpu.memory_space<vmem_shared>>) target_semaphore(%arg9 : memref<!tpu.dma_semaphore, #tpu.memory_space<semaphore_mem>>)
    %mul3A_36 = arith.constant 640 : i32
    %mul3A_37 = arith.muli %arg1, %mul3A_36 : i32
    %add3A_38 = arith.constant 256 : i32
    %add3A_39 = arith.addi %mul3A_37, %add3A_38 : i32
    %dma_start3A_40 = arith.constant 0 : i32
    %dma_start3A_41 = tpu.memref_slice %arg7[%add3A_39, %dma_start3A_40] : memref<10240x16xf32, #tpu.memory_space<vmem_shared>> -> memref<128x16xf32, #tpu.memory_space<vmem_shared>>
    %dma_start3A_42 = arith.constant 0 : i32
    %dma_start3A_43 = tpu.memref_slice %arg7[%add3A_39, %dma_start3A_42] : memref<10240x16xf32, #tpu.memory_space<vmem_shared>> -> memref<128x16xf32, #tpu.memory_space<vmem_shared>>
    tpu.enqueue_dma source(%arg6 : memref<128x16xf32, #tpu.memory_space<vmem>>) target(%dma_start3A_43 : memref<128x16xf32, #tpu.memory_space<vmem_shared>>) target_semaphore(%arg9 : memref<!tpu.dma_semaphore, #tpu.memory_space<semaphore_mem>>)
    %mul3A_44 = arith.constant 640 : i32
    %mul3A_45 = arith.muli %arg1, %mul3A_44 : i32
    %add3A_46 = arith.constant 384 : i32
    %add3A_47 = arith.addi %mul3A_45, %add3A_46 : i32
    %dma_start3A_48 = arith.constant 0 : i32
    %dma_start3A_49 = tpu.memref_slice %arg7[%add3A_47, %dma_start3A_48] : memref<10240x16xf32, #tpu.memory_space<vmem_shared>> -> memref<128x16xf32, #tpu.memory_space<vmem_shared>>
    %dma_start3A_50 = arith.constant 0 : i32
    %dma_start3A_51 = tpu.memref_slice %arg7[%add3A_47, %dma_start3A_50] : memref<10240x16xf32, #tpu.memory_space<vmem_shared>> -> memref<128x16xf32, #tpu.memory_space<vmem_shared>>
    tpu.enqueue_dma source(%arg6 : memref<128x16xf32, #tpu.memory_space<vmem>>) target(%dma_start3A_51 : memref<128x16xf32, #tpu.memory_space<vmem_shared>>) target_semaphore(%arg9 : memref<!tpu.dma_semaphore, #tpu.memory_space<semaphore_mem>>)
    %mul3A_52 = arith.constant 640 : i32
    %mul3A_53 = arith.muli %arg1, %mul3A_52 : i32
    %add3A_54 = arith.constant 512 : i32
    %add3A_55 = arith.addi %mul3A_53, %add3A_54 : i32
    %dma_start3A_56 = arith.constant 0 : i32
    %dma_start3A_57 = tpu.memref_slice %arg7[%add3A_55, %dma_start3A_56] : memref<10240x16xf32, #tpu.memory_space<vmem_shared>> -> memref<128x16xf32, #tpu.memory_space<vmem_shared>>
    %dma_start3A_58 = arith.constant 0 : i32
    %dma_start3A_59 = tpu.memref_slice %arg7[%add3A_55, %dma_start3A_58] : memref<10240x16xf32, #tpu.memory_space<vmem_shared>> -> memref<128x16xf32, #tpu.memory_space<vmem_shared>>
    tpu.enqueue_dma source(%arg6 : memref<128x16xf32, #tpu.memory_space<vmem>>) target(%dma_start3A_59 : memref<128x16xf32, #tpu.memory_space<vmem_shared>>) target_semaphore(%arg9 : memref<!tpu.dma_semaphore, #tpu.memory_space<semaphore_mem>>)
    %dma_wait3A = arith.constant 0 : i32
    %dma_wait3A_60 = tpu.memref_slice %arg2[%mul3A_16, %dma_wait3A] : memref<2560x128xi32, #tpu.memory_space<hbm>> -> memref<80x128xi32, #tpu.memory_space<hbm>>
    %dma_wait3A_61 = arith.constant 0 : i32
    %dma_wait3A_62 = tpu.memref_slice %arg2[%mul3A_16, %dma_wait3A_61] : memref<2560x128xi32, #tpu.memory_space<hbm>> -> memref<80x128xi32, #tpu.memory_space<hbm>>
    tpu.wait_dma2 semaphore(%arg8 : memref<!tpu.dma_semaphore, #tpu.memory_space<semaphore_mem>>) src(%dma_wait3A_62 : memref<80x128xi32, #tpu.memory_space<hbm>>) dst(%arg4 : memref<80x128xi32, #tpu.memory_space<vmem>>)
    %dma_wait3A_63 = arith.constant 0 : i32
    %dma_wait3A_64 = tpu.memref_slice %arg7[%add3A_23, %dma_wait3A_63] : memref<10240x16xf32, #tpu.memory_space<vmem_shared>> -> memref<128x16xf32, #tpu.memory_space<vmem_shared>>
    %dma_wait3A_65 = arith.constant 0 : i32
    %dma_wait3A_66 = tpu.memref_slice %arg7[%add3A_23, %dma_wait3A_65] : memref<10240x16xf32, #tpu.memory_space<vmem_shared>> -> memref<128x16xf32, #tpu.memory_space<vmem_shared>>
    tpu.wait_dma2 semaphore(%arg9 : memref<!tpu.dma_semaphore, #tpu.memory_space<semaphore_mem>>) src(%arg6 : memref<128x16xf32, #tpu.memory_space<vmem>>) dst(%dma_wait3A_66 : memref<128x16xf32, #tpu.memory_space<vmem_shared>>)
    %dma_wait3A_67 = arith.constant 0 : i32
    %dma_wait3A_68 = tpu.memref_slice %arg7[%add3A_31, %dma_wait3A_67] : memref<10240x16xf32, #tpu.memory_space<vmem_shared>> -> memref<128x16xf32, #tpu.memory_space<vmem_shared>>
    %dma_wait3A_69 = arith.constant 0 : i32
    %dma_wait3A_70 = tpu.memref_slice %arg7[%add3A_31, %dma_wait3A_69] : memref<10240x16xf32, #tpu.memory_space<vmem_shared>> -> memref<128x16xf32, #tpu.memory_space<vmem_shared>>
    tpu.wait_dma2 semaphore(%arg9 : memref<!tpu.dma_semaphore, #tpu.memory_space<semaphore_mem>>) src(%arg6 : memref<128x16xf32, #tpu.memory_space<vmem>>) dst(%dma_wait3A_70 : memref<128x16xf32, #tpu.memory_space<vmem_shared>>)
    %dma_wait3A_71 = arith.constant 0 : i32
    %dma_wait3A_72 = tpu.memref_slice %arg7[%add3A_39, %dma_wait3A_71] : memref<10240x16xf32, #tpu.memory_space<vmem_shared>> -> memref<128x16xf32, #tpu.memory_space<vmem_shared>>
    %dma_wait3A_73 = arith.constant 0 : i32
    %dma_wait3A_74 = tpu.memref_slice %arg7[%add3A_39, %dma_wait3A_73] : memref<10240x16xf32, #tpu.memory_space<vmem_shared>> -> memref<128x16xf32, #tpu.memory_space<vmem_shared>>
    tpu.wait_dma2 semaphore(%arg9 : memref<!tpu.dma_semaphore, #tpu.memory_space<semaphore_mem>>) src(%arg6 : memref<128x16xf32, #tpu.memory_space<vmem>>) dst(%dma_wait3A_74 : memref<128x16xf32, #tpu.memory_space<vmem_shared>>)
    %dma_wait3A_75 = arith.constant 0 : i32
    %dma_wait3A_76 = tpu.memref_slice %arg7[%add3A_47, %dma_wait3A_75] : memref<10240x16xf32, #tpu.memory_space<vmem_shared>> -> memref<128x16xf32, #tpu.memory_space<vmem_shared>>
    %dma_wait3A_77 = arith.constant 0 : i32
    %dma_wait3A_78 = tpu.memref_slice %arg7[%add3A_47, %dma_wait3A_77] : memref<10240x16xf32, #tpu.memory_space<vmem_shared>> -> memref<128x16xf32, #tpu.memory_space<vmem_shared>>
    tpu.wait_dma2 semaphore(%arg9 : memref<!tpu.dma_semaphore, #tpu.memory_space<semaphore_mem>>) src(%arg6 : memref<128x16xf32, #tpu.memory_space<vmem>>) dst(%dma_wait3A_78 : memref<128x16xf32, #tpu.memory_space<vmem_shared>>)
    %dma_wait3A_79 = arith.constant 0 : i32
    %dma_wait3A_80 = tpu.memref_slice %arg7[%add3A_55, %dma_wait3A_79] : memref<10240x16xf32, #tpu.memory_space<vmem_shared>> -> memref<128x16xf32, #tpu.memory_space<vmem_shared>>
    %dma_wait3A_81 = arith.constant 0 : i32
    %dma_wait3A_82 = tpu.memref_slice %arg7[%add3A_55, %dma_wait3A_81] : memref<10240x16xf32, #tpu.memory_space<vmem_shared>> -> memref<128x16xf32, #tpu.memory_space<vmem_shared>>
    tpu.wait_dma2 semaphore(%arg9 : memref<!tpu.dma_semaphore, #tpu.memory_space<semaphore_mem>>) src(%arg6 : memref<128x16xf32, #tpu.memory_space<vmem>>) dst(%dma_wait3A_82 : memref<128x16xf32, #tpu.memory_space<vmem_shared>>)
    %barrier3A = arith.constant 0 : index
    tpu.barrier barrier_id(%barrier3A)
    %scan3A_83 = arith.constant 0 : i32
    %scan3A_84 = arith.constant 0 : i32
    %scan3A_85 = arith.constant 20 : i32
    %scan3A_86 = arith.addi %scan3A_84, %scan3A_85 : i32
    %scan3A_87 = arith.constant 1 : i32
    scf.for %scan3A_97 = %scan3A_84 to %scan3A_86 step %scan3A_87  : i32 {
      %mul3A_98 = arith.constant 4 : i32
      %mul3A_99 = arith.muli %mul3A_98, %scan3A_97 : i32
      %dma_start3A_100 = arith.constant 0 : i32
      %dma_start3A_101 = tpu.memref_slice %arg4[%mul3A_99, %dma_start3A_100] : memref<80x128xi32, #tpu.memory_space<vmem>> -> memref<1x128xi32, #tpu.memory_space<vmem>>
      %dma_start3A_102 = tpu.memref_squeeze %dma_start3A_101 : memref<1x128xi32, #tpu.memory_space<vmem>> -> memref<128xi32, #tpu.memory_space<vmem>>
      %dma_start3A_103 = arith.constant 0 : i32
      %dma_start3A_104 = arith.constant 0 : i32
      %dma_start3A_105 = tpu.memref_slice %arg7[%dma_start3A_103, %dma_start3A_104] : memref<10240x16xf32, #tpu.memory_space<vmem_shared>> -> memref<10240x16xf32, #tpu.memory_space<vmem_shared>>
      tpu.enqueue_indirect_dma source(%arg5 : memref<128x16xf32, #tpu.memory_space<vmem>>) target(%dma_start3A_105 : memref<10240x16xf32, #tpu.memory_space<vmem_shared>>) offsets(%dma_start3A_102 : memref<128xi32, #tpu.memory_space<vmem>>) semaphore(%arg8 : memref<!tpu.dma_semaphore, #tpu.memory_space<semaphore_mem>>) {add = true}
      %mul3A_106 = arith.constant 4 : i32
      %mul3A_107 = arith.muli %mul3A_106, %scan3A_97 : i32
      %add3A_108 = arith.constant 1 : i32
      %add3A_109 = arith.addi %mul3A_107, %add3A_108 : i32
      %dma_start3A_110 = arith.constant 0 : i32
      %dma_start3A_111 = tpu.memref_slice %arg4[%add3A_109, %dma_start3A_110] : memref<80x128xi32, #tpu.memory_space<vmem>> -> memref<1x128xi32, #tpu.memory_space<vmem>>
      %dma_start3A_112 = tpu.memref_squeeze %dma_start3A_111 : memref<1x128xi32, #tpu.memory_space<vmem>> -> memref<128xi32, #tpu.memory_space<vmem>>
      %dma_start3A_113 = arith.constant 0 : i32
      %dma_start3A_114 = arith.constant 0 : i32
      %dma_start3A_115 = tpu.memref_slice %arg7[%dma_start3A_113, %dma_start3A_114] : memref<10240x16xf32, #tpu.memory_space<vmem_shared>> -> memref<10240x16xf32, #tpu.memory_space<vmem_shared>>
      tpu.enqueue_indirect_dma source(%arg5 : memref<128x16xf32, #tpu.memory_space<vmem>>) target(%dma_start3A_115 : memref<10240x16xf32, #tpu.memory_space<vmem_shared>>) offsets(%dma_start3A_112 : memref<128xi32, #tpu.memory_space<vmem>>) semaphore(%arg9 : memref<!tpu.dma_semaphore, #tpu.memory_space<semaphore_mem>>) {add = true}
      %mul3A_116 = arith.constant 4 : i32
      %mul3A_117 = arith.muli %mul3A_116, %scan3A_97 : i32
      %add3A_118 = arith.constant 2 : i32
      %add3A_119 = arith.addi %mul3A_117, %add3A_118 : i32
      %dma_start3A_120 = arith.constant 0 : i32
      %dma_start3A_121 = tpu.memref_slice %arg4[%add3A_119, %dma_start3A_120] : memref<80x128xi32, #tpu.memory_space<vmem>> -> memref<1x128xi32, #tpu.memory_space<vmem>>
      %dma_start3A_122 = tpu.memref_squeeze %dma_start3A_121 : memref<1x128xi32, #tpu.memory_space<vmem>> -> memref<128xi32, #tpu.memory_space<vmem>>
      %dma_start3A_123 = arith.constant 0 : i32
      %dma_start3A_124 = arith.constant 0 : i32
      %dma_start3A_125 = tpu.memref_slice %arg7[%dma_start3A_123, %dma_start3A_124] : memref<10240x16xf32, #tpu.memory_space<vmem_shared>> -> memref<10240x16xf32, #tpu.memory_space<vmem_shared>>
      tpu.enqueue_indirect_dma source(%arg5 : memref<128x16xf32, #tpu.memory_space<vmem>>) target(%dma_start3A_125 : memref<10240x16xf32, #tpu.memory_space<vmem_shared>>) offsets(%dma_start3A_122 : memref<128xi32, #tpu.memory_space<vmem>>) semaphore(%arg10 : memref<!tpu.dma_semaphore, #tpu.memory_space<semaphore_mem>>) {add = true}
      %mul3A_126 = arith.constant 4 : i32
      %mul3A_127 = arith.muli %mul3A_126, %scan3A_97 : i32
      %add3A_128 = arith.constant 3 : i32
      %add3A_129 = arith.addi %mul3A_127, %add3A_128 : i32
      %dma_start3A_130 = arith.constant 0 : i32
      %dma_start3A_131 = tpu.memref_slice %arg4[%add3A_129, %dma_start3A_130] : memref<80x128xi32, #tpu.memory_space<vmem>> -> memref<1x128xi32, #tpu.memory_space<vmem>>
      %dma_start3A_132 = tpu.memref_squeeze %dma_start3A_131 : memref<1x128xi32, #tpu.memory_space<vmem>> -> memref<128xi32, #tpu.memory_space<vmem>>
      %dma_start3A_133 = arith.constant 0 : i32
      %dma_start3A_134 = arith.constant 0 : i32
      %dma_start3A_135 = tpu.memref_slice %arg7[%dma_start3A_133, %dma_start3A_134] : memref<10240x16xf32, #tpu.memory_space<vmem_shared>> -> memref<10240x16xf32, #tpu.memory_space<vmem_shared>>
      tpu.enqueue_indirect_dma source(%arg5 : memref<128x16xf32, #tpu.memory_space<vmem>>) target(%dma_start3A_135 : memref<10240x16xf32, #tpu.memory_space<vmem_shared>>) offsets(%dma_start3A_132 : memref<128xi32, #tpu.memory_space<vmem>>) semaphore(%arg11 : memref<!tpu.dma_semaphore, #tpu.memory_space<semaphore_mem>>) {add = true}
      %dma_wait3A_136 = arith.constant 0 : i32
      %dma_wait3A_137 = tpu.memref_slice %arg4[%mul3A_99, %dma_wait3A_136] : memref<80x128xi32, #tpu.memory_space<vmem>> -> memref<1x128xi32, #tpu.memory_space<vmem>>
      %dma_wait3A_138 = tpu.memref_squeeze %dma_wait3A_137 : memref<1x128xi32, #tpu.memory_space<vmem>> -> memref<128xi32, #tpu.memory_space<vmem>>
      %dma_wait3A_139 = arith.constant 0 : i32
      %dma_wait3A_140 = arith.constant 0 : i32
      %dma_wait3A_141 = tpu.memref_slice %arg7[%dma_wait3A_139, %dma_wait3A_140] : memref<10240x16xf32, #tpu.memory_space<vmem_shared>> -> memref<10240x16xf32, #tpu.memory_space<vmem_shared>>
      tpu.wait_indirect_dma semaphore(%arg8 : memref<!tpu.dma_semaphore, #tpu.memory_space<semaphore_mem>>) src(%arg5 : memref<128x16xf32, #tpu.memory_space<vmem>>) dst(%dma_wait3A_141 : memref<10240x16xf32, #tpu.memory_space<vmem_shared>>)
      %dma_wait3A_142 = arith.constant 0 : i32
      %dma_wait3A_143 = tpu.memref_slice %arg4[%add3A_109, %dma_wait3A_142] : memref<80x128xi32, #tpu.memory_space<vmem>> -> memref<1x128xi32, #tpu.memory_space<vmem>>
      %dma_wait3A_144 = tpu.memref_squeeze %dma_wait3A_143 : memref<1x128xi32, #tpu.memory_space<vmem>> -> memref<128xi32, #tpu.memory_space<vmem>>
      %dma_wait3A_145 = arith.constant 0 : i32
      %dma_wait3A_146 = arith.constant 0 : i32
      %dma_wait3A_147 = tpu.memref_slice %arg7[%dma_wait3A_145, %dma_wait3A_146] : memref<10240x16xf32, #tpu.memory_space<vmem_shared>> -> memref<10240x16xf32, #tpu.memory_space<vmem_shared>>
      tpu.wait_indirect_dma semaphore(%arg9 : memref<!tpu.dma_semaphore, #tpu.memory_space<semaphore_mem>>) src(%arg5 : memref<128x16xf32, #tpu.memory_space<vmem>>) dst(%dma_wait3A_147 : memref<10240x16xf32, #tpu.memory_space<vmem_shared>>)
      %dma_wait3A_148 = arith.constant 0 : i32
      %dma_wait3A_149 = tpu.memref_slice %arg4[%add3A_119, %dma_wait3A_148] : memref<80x128xi32, #tpu.memory_space<vmem>> -> memref<1x128xi32, #tpu.memory_space<vmem>>
      %dma_wait3A_150 = tpu.memref_squeeze %dma_wait3A_149 : memref<1x128xi32, #tpu.memory_space<vmem>> -> memref<128xi32, #tpu.memory_space<vmem>>
      %dma_wait3A_151 = arith.constant 0 : i32
      %dma_wait3A_152 = arith.constant 0 : i32
      %dma_wait3A_153 = tpu.memref_slice %arg7[%dma_wait3A_151, %dma_wait3A_152] : memref<10240x16xf32, #tpu.memory_space<vmem_shared>> -> memref<10240x16xf32, #tpu.memory_space<vmem_shared>>
      tpu.wait_indirect_dma semaphore(%arg10 : memref<!tpu.dma_semaphore, #tpu.memory_space<semaphore_mem>>) src(%arg5 : memref<128x16xf32, #tpu.memory_space<vmem>>) dst(%dma_wait3A_153 : memref<10240x16xf32, #tpu.memory_space<vmem_shared>>)
      %dma_wait3A_154 = arith.constant 0 : i32
      %dma_wait3A_155 = tpu.memref_slice %arg4[%add3A_129, %dma_wait3A_154] : memref<80x128xi32, #tpu.memory_space<vmem>> -> memref<1x128xi32, #tpu.memory_space<vmem>>
      %dma_wait3A_156 = tpu.memref_squeeze %dma_wait3A_155 : memref<1x128xi32, #tpu.memory_space<vmem>> -> memref<128xi32, #tpu.memory_space<vmem>>
      %dma_wait3A_157 = arith.constant 0 : i32
      %dma_wait3A_158 = arith.constant 0 : i32
      %dma_wait3A_159 = tpu.memref_slice %arg7[%dma_wait3A_157, %dma_wait3A_158] : memref<10240x16xf32, #tpu.memory_space<vmem_shared>> -> memref<10240x16xf32, #tpu.memory_space<vmem_shared>>
      tpu.wait_indirect_dma semaphore(%arg11 : memref<!tpu.dma_semaphore, #tpu.memory_space<semaphore_mem>>) src(%arg5 : memref<128x16xf32, #tpu.memory_space<vmem>>) dst(%dma_wait3A_159 : memref<10240x16xf32, #tpu.memory_space<vmem_shared>>)
    }
    %scan3A_88 = arith.constant 20 : i32
    %barrier3A_89 = arith.constant 0 : index
    tpu.barrier barrier_id(%barrier3A_89)
    %mul3A_90 = arith.constant 640 : i32
    %mul3A_91 = arith.muli %arg1, %mul3A_90 : i32
    %mul3A_92 = arith.constant 10240 : i32
    %mul3A_93 = arith.muli %arg0, %mul3A_92 : i32
    %mul3A_94 = arith.constant 640 : i32
    %mul3A_95 = arith.muli %arg1, %mul3A_94 : i32
    %add3A_96 = arith.addi %mul3A_93, %mul3A_95 : i32
    "tpu.region"() ({
      %run_scoped3A = tpu.sem_alloc : memref<!tpu.dma_semaphore, #tpu.memory_space<semaphore_mem>>
      %dma_start3A_97 = arith.constant 0 : i32
      %dma_start3A_98 = tpu.memref_slice %arg3[%add3A_96, %dma_start3A_97] : memref<20480x16xf32, #tpu.memory_space<hbm>> -> memref<640x16xf32, #tpu.memory_space<hbm>>
      %dma_start3A_99 = arith.constant 0 : i32
      %dma_start3A_100 = tpu.memref_slice %arg7[%mul3A_91, %dma_start3A_99] : memref<10240x16xf32, #tpu.memory_space<vmem_shared>> -> memref<640x16xf32, #tpu.memory_space<vmem_shared>>
      tpu.enqueue_dma source(%dma_start3A_100 : memref<640x16xf32, #tpu.memory_space<vmem_shared>>) target(%dma_start3A_98 : memref<640x16xf32, #tpu.memory_space<hbm>>) target_semaphore(%run_scoped3A : memref<!tpu.dma_semaphore, #tpu.memory_space<semaphore_mem>>)
      %dma_wait3A_101 = arith.constant 0 : i32
      %dma_wait3A_102 = tpu.memref_slice %arg3[%add3A_96, %dma_wait3A_101] : memref<20480x16xf32, #tpu.memory_space<hbm>> -> memref<640x16xf32, #tpu.memory_space<hbm>>
      %dma_wait3A_103 = arith.constant 0 : i32
      %dma_wait3A_104 = tpu.memref_slice %arg7[%mul3A_91, %dma_wait3A_103] : memref<10240x16xf32, #tpu.memory_space<vmem_shared>> -> memref<640x16xf32, #tpu.memory_space<vmem_shared>>
      tpu.wait_dma2 semaphore(%run_scoped3A : memref<!tpu.dma_semaphore, #tpu.memory_space<semaphore_mem>>) src(%dma_wait3A_104 : memref<640x16xf32, #tpu.memory_space<vmem_shared>>) dst(%dma_wait3A_102 : memref<640x16xf32, #tpu.memory_space<hbm>>)
      tpu.yield
    }) : () -> ()
    return
  }
}

#map = affine_map<(d0, d1) -> (0, 0)>
module attributes {stable_mosaic.version = 14 : i64} {
  func.func @_sc_aggregate(%arg0: i32, %arg1: i32, %arg2: memref<10240x16xf32, #tpu.memory_space<hbm>>, %arg3: memref<2560x128xi32, #tpu.memory_space<hbm>>, %arg4: memref<2560x128xi32, #tpu.memory_space<hbm>>, %arg5: memref<20480x16xf32, #tpu.memory_space<hbm>>, %arg6: memref<80x128xi32, #tpu.memory_space<vmem>>, %arg7: memref<80x128xi32, #tpu.memory_space<vmem>>, %arg8: memref<128x16xf32, #tpu.memory_space<vmem>>, %arg9: memref<128x16xf32, #tpu.memory_space<vmem>>, %arg10: memref<128x16xf32, #tpu.memory_space<vmem>>, %arg11: memref<128x16xf32, #tpu.memory_space<vmem>>, %arg12: memref<128x16xf32, #tpu.memory_space<vmem>>, %arg13: memref<10240x16xf32, #tpu.memory_space<vmem_shared>>, %arg14: memref<10240x16xf32, #tpu.memory_space<vmem_shared>>, %arg15: memref<!tpu.dma_semaphore, #tpu.memory_space<semaphore_mem>>, %arg16: memref<!tpu.dma_semaphore, #tpu.memory_space<semaphore_mem>>, %arg17: memref<!tpu.dma_semaphore, #tpu.memory_space<semaphore_mem>>, %arg18: memref<!tpu.dma_semaphore, #tpu.memory_space<semaphore_mem>>, %arg19: memref<!tpu.dma_semaphore, #tpu.memory_space<semaphore_mem>>, %arg20: memref<!tpu.dma_semaphore, #tpu.memory_space<semaphore_mem>>, %arg21: memref<!tpu.dma_semaphore, #tpu.memory_space<semaphore_mem>>, %arg22: memref<!tpu.dma_semaphore, #tpu.memory_space<semaphore_mem>>) attributes {dimension_semantics = [#tpu.dimension_semantics<core_parallel>, #tpu.dimension_semantics<subcore_parallel>], iteration_bounds = array<i64: 2, 16>, scalar_prefetch = 0 : i64, scratch_operands = 17 : i64, tpu.core_type = #tpu.core_type<sc_vector_subcore>, window_params = [{transform_indices = #map}, {transform_indices = #map}, {transform_indices = #map}, {transform_indices = #map}]} {
    %mul3A = arith.constant 2 : i32
    %mul3A_0 = arith.muli %arg1, %mul3A : i32
    %add3A = arith.addi %mul3A_0, %arg0 : i32
    %broadcast_in_dim3A = arith.constant 0.000000e+00 : f32
    %broadcast_in_dim3A_1 = vector.broadcast %broadcast_in_dim3A : f32 to vector<16xf32>
    %scan3A = arith.constant 0 : i32
    %scan3A_2 = arith.constant 0 : i32
    %scan3A_3 = arith.constant 128 : i32
    %scan3A_4 = arith.addi %scan3A_2, %scan3A_3 : i32
    %scan3A_5 = arith.constant 1 : i32
    scf.for %scan3A_111 = %scan3A_2 to %scan3A_4 step %scan3A_5  : i32 {
      %swap3A = arith.index_cast %scan3A_111 : i32 to index
      %swap3A_112 = arith.constant 0 : index
      %swap3A_113 = tpu.vector_load %arg12[%swap3A, %swap3A_112] {strides = array<i32>} : memref<128x16xf32, #tpu.memory_space<vmem>>, vector<1x16xf32>,
      %swap3A_114 = vector.shape_cast %swap3A_113 : vector<1x16xf32> to vector<16xf32>
      %swap3A_115 = vector.shape_cast %broadcast_in_dim3A_1 : vector<16xf32> to vector<1x16xf32>
      tpu.vector_store %arg12[%swap3A, %swap3A_112], %swap3A_115 {strides = array<i32>} : memref<128x16xf32, #tpu.memory_space<vmem>>, vector<1x16xf32>,
    }
    %scan3A_6 = arith.constant 128 : i32
    %mul3A_7 = arith.constant 640 : i32
    %mul3A_8 = arith.muli %arg1, %mul3A_7 : i32
    %mul3A_9 = arith.constant 640 : i32
    %mul3A_10 = arith.muli %arg1, %mul3A_9 : i32
    %dma_start3A = arith.constant 0 : i32
    %dma_start3A_11 = tpu.memref_slice %arg14[%mul3A_10, %dma_start3A] : memref<10240x16xf32, #tpu.memory_space<vmem_shared>> -> memref<640x16xf32, #tpu.memory_space<vmem_shared>>
    %dma_start3A_12 = arith.constant 0 : i32
    %dma_start3A_13 = tpu.memref_slice %arg2[%mul3A_8, %dma_start3A_12] : memref<10240x16xf32, #tpu.memory_space<hbm>> -> memref<640x16xf32, #tpu.memory_space<hbm>>
    tpu.enqueue_dma source(%dma_start3A_13 : memref<640x16xf32, #tpu.memory_space<hbm>>) target(%dma_start3A_11 : memref<640x16xf32, #tpu.memory_space<vmem_shared>>) target_semaphore(%arg15 : memref<!tpu.dma_semaphore, #tpu.memory_space<semaphore_mem>>)
    %mul3A_14 = arith.constant 80 : i32
    %mul3A_15 = arith.muli %add3A, %mul3A_14 : i32
    %dma_start3A_16 = arith.constant 0 : i32
    %dma_start3A_17 = tpu.memref_slice %arg3[%mul3A_15, %dma_start3A_16] : memref<2560x128xi32, #tpu.memory_space<hbm>> -> memref<80x128xi32, #tpu.memory_space<hbm>>
    %dma_start3A_18 = arith.constant 0 : i32
    %dma_start3A_19 = tpu.memref_slice %arg3[%mul3A_15, %dma_start3A_18] : memref<2560x128xi32, #tpu.memory_space<hbm>> -> memref<80x128xi32, #tpu.memory_space<hbm>>
    tpu.enqueue_dma source(%dma_start3A_19 : memref<80x128xi32, #tpu.memory_space<hbm>>) target(%arg6 : memref<80x128xi32, #tpu.memory_space<vmem>>) target_semaphore(%arg16 : memref<!tpu.dma_semaphore, #tpu.memory_space<semaphore_mem>>)
    %mul3A_20 = arith.constant 80 : i32
    %mul3A_21 = arith.muli %add3A, %mul3A_20 : i32
    %dma_start3A_22 = arith.constant 0 : i32
    %dma_start3A_23 = tpu.memref_slice %arg4[%mul3A_21, %dma_start3A_22] : memref<2560x128xi32, #tpu.memory_space<hbm>> -> memref<80x128xi32, #tpu.memory_space<hbm>>
    %dma_start3A_24 = arith.constant 0 : i32
    %dma_start3A_25 = tpu.memref_slice %arg4[%mul3A_21, %dma_start3A_24] : memref<2560x128xi32, #tpu.memory_space<hbm>> -> memref<80x128xi32, #tpu.memory_space<hbm>>
    tpu.enqueue_dma source(%dma_start3A_25 : memref<80x128xi32, #tpu.memory_space<hbm>>) target(%arg7 : memref<80x128xi32, #tpu.memory_space<vmem>>) target_semaphore(%arg17 : memref<!tpu.dma_semaphore, #tpu.memory_space<semaphore_mem>>)
    %mul3A_26 = arith.constant 640 : i32
    %mul3A_27 = arith.muli %arg1, %mul3A_26 : i32
    %add3A_28 = arith.constant 0 : i32
    %add3A_29 = arith.addi %mul3A_27, %add3A_28 : i32
    %dma_start3A_30 = arith.constant 0 : i32
    %dma_start3A_31 = tpu.memref_slice %arg13[%add3A_29, %dma_start3A_30] : memref<10240x16xf32, #tpu.memory_space<vmem_shared>> -> memref<128x16xf32, #tpu.memory_space<vmem_shared>>
    %dma_start3A_32 = arith.constant 0 : i32
    %dma_start3A_33 = tpu.memref_slice %arg13[%add3A_29, %dma_start3A_32] : memref<10240x16xf32, #tpu.memory_space<vmem_shared>> -> memref<128x16xf32, #tpu.memory_space<vmem_shared>>
    tpu.enqueue_dma source(%arg12 : memref<128x16xf32, #tpu.memory_space<vmem>>) target(%dma_start3A_33 : memref<128x16xf32, #tpu.memory_space<vmem_shared>>) target_semaphore(%arg19 : memref<!tpu.dma_semaphore, #tpu.memory_space<semaphore_mem>>)
    %mul3A_34 = arith.constant 640 : i32
    %mul3A_35 = arith.muli %arg1, %mul3A_34 : i32
    %add3A_36 = arith.constant 128 : i32
    %add3A_37 = arith.addi %mul3A_35, %add3A_36 : i32
    %dma_start3A_38 = arith.constant 0 : i32
    %dma_start3A_39 = tpu.memref_slice %arg13[%add3A_37, %dma_start3A_38] : memref<10240x16xf32, #tpu.memory_space<vmem_shared>> -> memref<128x16xf32, #tpu.memory_space<vmem_shared>>
    %dma_start3A_40 = arith.constant 0 : i32
    %dma_start3A_41 = tpu.memref_slice %arg13[%add3A_37, %dma_start3A_40] : memref<10240x16xf32, #tpu.memory_space<vmem_shared>> -> memref<128x16xf32, #tpu.memory_space<vmem_shared>>
    tpu.enqueue_dma source(%arg12 : memref<128x16xf32, #tpu.memory_space<vmem>>) target(%dma_start3A_41 : memref<128x16xf32, #tpu.memory_space<vmem_shared>>) target_semaphore(%arg19 : memref<!tpu.dma_semaphore, #tpu.memory_space<semaphore_mem>>)
    %mul3A_42 = arith.constant 640 : i32
    %mul3A_43 = arith.muli %arg1, %mul3A_42 : i32
    %add3A_44 = arith.constant 256 : i32
    %add3A_45 = arith.addi %mul3A_43, %add3A_44 : i32
    %dma_start3A_46 = arith.constant 0 : i32
    %dma_start3A_47 = tpu.memref_slice %arg13[%add3A_45, %dma_start3A_46] : memref<10240x16xf32, #tpu.memory_space<vmem_shared>> -> memref<128x16xf32, #tpu.memory_space<vmem_shared>>
    %dma_start3A_48 = arith.constant 0 : i32
    %dma_start3A_49 = tpu.memref_slice %arg13[%add3A_45, %dma_start3A_48] : memref<10240x16xf32, #tpu.memory_space<vmem_shared>> -> memref<128x16xf32, #tpu.memory_space<vmem_shared>>
    tpu.enqueue_dma source(%arg12 : memref<128x16xf32, #tpu.memory_space<vmem>>) target(%dma_start3A_49 : memref<128x16xf32, #tpu.memory_space<vmem_shared>>) target_semaphore(%arg19 : memref<!tpu.dma_semaphore, #tpu.memory_space<semaphore_mem>>)
    %mul3A_50 = arith.constant 640 : i32
    %mul3A_51 = arith.muli %arg1, %mul3A_50 : i32
    %add3A_52 = arith.constant 384 : i32
    %add3A_53 = arith.addi %mul3A_51, %add3A_52 : i32
    %dma_start3A_54 = arith.constant 0 : i32
    %dma_start3A_55 = tpu.memref_slice %arg13[%add3A_53, %dma_start3A_54] : memref<10240x16xf32, #tpu.memory_space<vmem_shared>> -> memref<128x16xf32, #tpu.memory_space<vmem_shared>>
    %dma_start3A_56 = arith.constant 0 : i32
    %dma_start3A_57 = tpu.memref_slice %arg13[%add3A_53, %dma_start3A_56] : memref<10240x16xf32, #tpu.memory_space<vmem_shared>> -> memref<128x16xf32, #tpu.memory_space<vmem_shared>>
    tpu.enqueue_dma source(%arg12 : memref<128x16xf32, #tpu.memory_space<vmem>>) target(%dma_start3A_57 : memref<128x16xf32, #tpu.memory_space<vmem_shared>>) target_semaphore(%arg19 : memref<!tpu.dma_semaphore, #tpu.memory_space<semaphore_mem>>)
    %mul3A_58 = arith.constant 640 : i32
    %mul3A_59 = arith.muli %arg1, %mul3A_58 : i32
    %add3A_60 = arith.constant 512 : i32
    %add3A_61 = arith.addi %mul3A_59, %add3A_60 : i32
    %dma_start3A_62 = arith.constant 0 : i32
    %dma_start3A_63 = tpu.memref_slice %arg13[%add3A_61, %dma_start3A_62] : memref<10240x16xf32, #tpu.memory_space<vmem_shared>> -> memref<128x16xf32, #tpu.memory_space<vmem_shared>>
    %dma_start3A_64 = arith.constant 0 : i32
    %dma_start3A_65 = tpu.memref_slice %arg13[%add3A_61, %dma_start3A_64] : memref<10240x16xf32, #tpu.memory_space<vmem_shared>> -> memref<128x16xf32, #tpu.memory_space<vmem_shared>>
    tpu.enqueue_dma source(%arg12 : memref<128x16xf32, #tpu.memory_space<vmem>>) target(%dma_start3A_65 : memref<128x16xf32, #tpu.memory_space<vmem_shared>>) target_semaphore(%arg19 : memref<!tpu.dma_semaphore, #tpu.memory_space<semaphore_mem>>)
    %dma_wait3A = arith.constant 0 : i32
    %dma_wait3A_66 = tpu.memref_slice %arg14[%mul3A_10, %dma_wait3A] : memref<10240x16xf32, #tpu.memory_space<vmem_shared>> -> memref<640x16xf32, #tpu.memory_space<vmem_shared>>
    %dma_wait3A_67 = arith.constant 0 : i32
    %dma_wait3A_68 = tpu.memref_slice %arg2[%mul3A_8, %dma_wait3A_67] : memref<10240x16xf32, #tpu.memory_space<hbm>> -> memref<640x16xf32, #tpu.memory_space<hbm>>
    tpu.wait_dma2 semaphore(%arg15 : memref<!tpu.dma_semaphore, #tpu.memory_space<semaphore_mem>>) src(%dma_wait3A_68 : memref<640x16xf32, #tpu.memory_space<hbm>>) dst(%dma_wait3A_66 : memref<640x16xf32, #tpu.memory_space<vmem_shared>>)
    %dma_wait3A_69 = arith.constant 0 : i32
    %dma_wait3A_70 = tpu.memref_slice %arg3[%mul3A_15, %dma_wait3A_69] : memref<2560x128xi32, #tpu.memory_space<hbm>> -> memref<80x128xi32, #tpu.memory_space<hbm>>
    %dma_wait3A_71 = arith.constant 0 : i32
    %dma_wait3A_72 = tpu.memref_slice %arg3[%mul3A_15, %dma_wait3A_71] : memref<2560x128xi32, #tpu.memory_space<hbm>> -> memref<80x128xi32, #tpu.memory_space<hbm>>
    tpu.wait_dma2 semaphore(%arg16 : memref<!tpu.dma_semaphore, #tpu.memory_space<semaphore_mem>>) src(%dma_wait3A_72 : memref<80x128xi32, #tpu.memory_space<hbm>>) dst(%arg6 : memref<80x128xi32, #tpu.memory_space<vmem>>)
    %dma_wait3A_73 = arith.constant 0 : i32
    %dma_wait3A_74 = tpu.memref_slice %arg4[%mul3A_21, %dma_wait3A_73] : memref<2560x128xi32, #tpu.memory_space<hbm>> -> memref<80x128xi32, #tpu.memory_space<hbm>>
    %dma_wait3A_75 = arith.constant 0 : i32
    %dma_wait3A_76 = tpu.memref_slice %arg4[%mul3A_21, %dma_wait3A_75] : memref<2560x128xi32, #tpu.memory_space<hbm>> -> memref<80x128xi32, #tpu.memory_space<hbm>>
    tpu.wait_dma2 semaphore(%arg17 : memref<!tpu.dma_semaphore, #tpu.memory_space<semaphore_mem>>) src(%dma_wait3A_76 : memref<80x128xi32, #tpu.memory_space<hbm>>) dst(%arg7 : memref<80x128xi32, #tpu.memory_space<vmem>>)
    %dma_wait3A_77 = arith.constant 0 : i32
    %dma_wait3A_78 = tpu.memref_slice %arg13[%add3A_29, %dma_wait3A_77] : memref<10240x16xf32, #tpu.memory_space<vmem_shared>> -> memref<128x16xf32, #tpu.memory_space<vmem_shared>>
    %dma_wait3A_79 = arith.constant 0 : i32
    %dma_wait3A_80 = tpu.memref_slice %arg13[%add3A_29, %dma_wait3A_79] : memref<10240x16xf32, #tpu.memory_space<vmem_shared>> -> memref<128x16xf32, #tpu.memory_space<vmem_shared>>
    tpu.wait_dma2 semaphore(%arg19 : memref<!tpu.dma_semaphore, #tpu.memory_space<semaphore_mem>>) src(%arg12 : memref<128x16xf32, #tpu.memory_space<vmem>>) dst(%dma_wait3A_80 : memref<128x16xf32, #tpu.memory_space<vmem_shared>>)
    %dma_wait3A_81 = arith.constant 0 : i32
    %dma_wait3A_82 = tpu.memref_slice %arg13[%add3A_37, %dma_wait3A_81] : memref<10240x16xf32, #tpu.memory_space<vmem_shared>> -> memref<128x16xf32, #tpu.memory_space<vmem_shared>>
    %dma_wait3A_83 = arith.constant 0 : i32
    %dma_wait3A_84 = tpu.memref_slice %arg13[%add3A_37, %dma_wait3A_83] : memref<10240x16xf32, #tpu.memory_space<vmem_shared>> -> memref<128x16xf32, #tpu.memory_space<vmem_shared>>
    tpu.wait_dma2 semaphore(%arg19 : memref<!tpu.dma_semaphore, #tpu.memory_space<semaphore_mem>>) src(%arg12 : memref<128x16xf32, #tpu.memory_space<vmem>>) dst(%dma_wait3A_84 : memref<128x16xf32, #tpu.memory_space<vmem_shared>>)
    %dma_wait3A_85 = arith.constant 0 : i32
    %dma_wait3A_86 = tpu.memref_slice %arg13[%add3A_45, %dma_wait3A_85] : memref<10240x16xf32, #tpu.memory_space<vmem_shared>> -> memref<128x16xf32, #tpu.memory_space<vmem_shared>>
    %dma_wait3A_87 = arith.constant 0 : i32
    %dma_wait3A_88 = tpu.memref_slice %arg13[%add3A_45, %dma_wait3A_87] : memref<10240x16xf32, #tpu.memory_space<vmem_shared>> -> memref<128x16xf32, #tpu.memory_space<vmem_shared>>
    tpu.wait_dma2 semaphore(%arg19 : memref<!tpu.dma_semaphore, #tpu.memory_space<semaphore_mem>>) src(%arg12 : memref<128x16xf32, #tpu.memory_space<vmem>>) dst(%dma_wait3A_88 : memref<128x16xf32, #tpu.memory_space<vmem_shared>>)
    %dma_wait3A_89 = arith.constant 0 : i32
    %dma_wait3A_90 = tpu.memref_slice %arg13[%add3A_53, %dma_wait3A_89] : memref<10240x16xf32, #tpu.memory_space<vmem_shared>> -> memref<128x16xf32, #tpu.memory_space<vmem_shared>>
    %dma_wait3A_91 = arith.constant 0 : i32
    %dma_wait3A_92 = tpu.memref_slice %arg13[%add3A_53, %dma_wait3A_91] : memref<10240x16xf32, #tpu.memory_space<vmem_shared>> -> memref<128x16xf32, #tpu.memory_space<vmem_shared>>
    tpu.wait_dma2 semaphore(%arg19 : memref<!tpu.dma_semaphore, #tpu.memory_space<semaphore_mem>>) src(%arg12 : memref<128x16xf32, #tpu.memory_space<vmem>>) dst(%dma_wait3A_92 : memref<128x16xf32, #tpu.memory_space<vmem_shared>>)
    %dma_wait3A_93 = arith.constant 0 : i32
    %dma_wait3A_94 = tpu.memref_slice %arg13[%add3A_61, %dma_wait3A_93] : memref<10240x16xf32, #tpu.memory_space<vmem_shared>> -> memref<128x16xf32, #tpu.memory_space<vmem_shared>>
    %dma_wait3A_95 = arith.constant 0 : i32
    %dma_wait3A_96 = tpu.memref_slice %arg13[%add3A_61, %dma_wait3A_95] : memref<10240x16xf32, #tpu.memory_space<vmem_shared>> -> memref<128x16xf32, #tpu.memory_space<vmem_shared>>
    tpu.wait_dma2 semaphore(%arg19 : memref<!tpu.dma_semaphore, #tpu.memory_space<semaphore_mem>>) src(%arg12 : memref<128x16xf32, #tpu.memory_space<vmem>>) dst(%dma_wait3A_96 : memref<128x16xf32, #tpu.memory_space<vmem_shared>>)
    %barrier3A = arith.constant 0 : index
    tpu.barrier barrier_id(%barrier3A)
    %scan3A_97 = arith.constant 0 : i32
    %scan3A_98 = arith.constant 0 : i32
    %scan3A_99 = arith.constant 20 : i32
    %scan3A_100 = arith.addi %scan3A_98, %scan3A_99 : i32
    %scan3A_101 = arith.constant 1 : i32
    scf.for %scan3A_111 = %scan3A_98 to %scan3A_100 step %scan3A_101  : i32 {
      %mul3A_112 = arith.constant 4 : i32
      %mul3A_113 = arith.muli %mul3A_112, %scan3A_111 : i32
      %add3A_114 = arith.constant 0 : i32
      %add3A_115 = arith.addi %mul3A_113, %add3A_114 : i32
      %dma_start3A_116 = arith.constant 0 : i32
      %dma_start3A_117 = tpu.memref_slice %arg6[%add3A_115, %dma_start3A_116] : memref<80x128xi32, #tpu.memory_space<vmem>> -> memref<1x128xi32, #tpu.memory_space<vmem>>
      %dma_start3A_118 = tpu.memref_squeeze %dma_start3A_117 : memref<1x128xi32, #tpu.memory_space<vmem>> -> memref<128xi32, #tpu.memory_space<vmem>>
      %dma_start3A_119 = arith.constant 0 : i32
      %dma_start3A_120 = arith.constant 0 : i32
      %dma_start3A_121 = tpu.memref_slice %arg14[%dma_start3A_119, %dma_start3A_120] : memref<10240x16xf32, #tpu.memory_space<vmem_shared>> -> memref<10240x16xf32, #tpu.memory_space<vmem_shared>>
      tpu.enqueue_indirect_dma source(%dma_start3A_121 : memref<10240x16xf32, #tpu.memory_space<vmem_shared>>) target(%arg8 : memref<128x16xf32, #tpu.memory_space<vmem>>) offsets(%dma_start3A_118 : memref<128xi32, #tpu.memory_space<vmem>>) semaphore(%arg15 : memref<!tpu.dma_semaphore, #tpu.memory_space<semaphore_mem>>)
      %mul3A_122 = arith.constant 4 : i32
      %mul3A_123 = arith.muli %mul3A_122, %scan3A_111 : i32
      %add3A_124 = arith.constant 1 : i32
      %add3A_125 = arith.addi %mul3A_123, %add3A_124 : i32
      %dma_start3A_126 = arith.constant 0 : i32
      %dma_start3A_127 = tpu.memref_slice %arg6[%add3A_125, %dma_start3A_126] : memref<80x128xi32, #tpu.memory_space<vmem>> -> memref<1x128xi32, #tpu.memory_space<vmem>>
      %dma_start3A_128 = tpu.memref_squeeze %dma_start3A_127 : memref<1x128xi32, #tpu.memory_space<vmem>> -> memref<128xi32, #tpu.memory_space<vmem>>
      %dma_start3A_129 = arith.constant 0 : i32
      %dma_start3A_130 = arith.constant 0 : i32
      %dma_start3A_131 = tpu.memref_slice %arg14[%dma_start3A_129, %dma_start3A_130] : memref<10240x16xf32, #tpu.memory_space<vmem_shared>> -> memref<10240x16xf32, #tpu.memory_space<vmem_shared>>
      tpu.enqueue_indirect_dma source(%dma_start3A_131 : memref<10240x16xf32, #tpu.memory_space<vmem_shared>>) target(%arg9 : memref<128x16xf32, #tpu.memory_space<vmem>>) offsets(%dma_start3A_128 : memref<128xi32, #tpu.memory_space<vmem>>) semaphore(%arg16 : memref<!tpu.dma_semaphore, #tpu.memory_space<semaphore_mem>>)
      %mul3A_132 = arith.constant 4 : i32
      %mul3A_133 = arith.muli %mul3A_132, %scan3A_111 : i32
      %add3A_134 = arith.constant 2 : i32
      %add3A_135 = arith.addi %mul3A_133, %add3A_134 : i32
      %dma_start3A_136 = arith.constant 0 : i32
      %dma_start3A_137 = tpu.memref_slice %arg6[%add3A_135, %dma_start3A_136] : memref<80x128xi32, #tpu.memory_space<vmem>> -> memref<1x128xi32, #tpu.memory_space<vmem>>
      %dma_start3A_138 = tpu.memref_squeeze %dma_start3A_137 : memref<1x128xi32, #tpu.memory_space<vmem>> -> memref<128xi32, #tpu.memory_space<vmem>>
      %dma_start3A_139 = arith.constant 0 : i32
      %dma_start3A_140 = arith.constant 0 : i32
      %dma_start3A_141 = tpu.memref_slice %arg14[%dma_start3A_139, %dma_start3A_140] : memref<10240x16xf32, #tpu.memory_space<vmem_shared>> -> memref<10240x16xf32, #tpu.memory_space<vmem_shared>>
      tpu.enqueue_indirect_dma source(%dma_start3A_141 : memref<10240x16xf32, #tpu.memory_space<vmem_shared>>) target(%arg10 : memref<128x16xf32, #tpu.memory_space<vmem>>) offsets(%dma_start3A_138 : memref<128xi32, #tpu.memory_space<vmem>>) semaphore(%arg17 : memref<!tpu.dma_semaphore, #tpu.memory_space<semaphore_mem>>)
      %mul3A_142 = arith.constant 4 : i32
      %mul3A_143 = arith.muli %mul3A_142, %scan3A_111 : i32
      %add3A_144 = arith.constant 3 : i32
      %add3A_145 = arith.addi %mul3A_143, %add3A_144 : i32
      %dma_start3A_146 = arith.constant 0 : i32
      %dma_start3A_147 = tpu.memref_slice %arg6[%add3A_145, %dma_start3A_146] : memref<80x128xi32, #tpu.memory_space<vmem>> -> memref<1x128xi32, #tpu.memory_space<vmem>>
      %dma_start3A_148 = tpu.memref_squeeze %dma_start3A_147 : memref<1x128xi32, #tpu.memory_space<vmem>> -> memref<128xi32, #tpu.memory_space<vmem>>
      %dma_start3A_149 = arith.constant 0 : i32
      %dma_start3A_150 = arith.constant 0 : i32
      %dma_start3A_151 = tpu.memref_slice %arg14[%dma_start3A_149, %dma_start3A_150] : memref<10240x16xf32, #tpu.memory_space<vmem_shared>> -> memref<10240x16xf32, #tpu.memory_space<vmem_shared>>
      tpu.enqueue_indirect_dma source(%dma_start3A_151 : memref<10240x16xf32, #tpu.memory_space<vmem_shared>>) target(%arg11 : memref<128x16xf32, #tpu.memory_space<vmem>>) offsets(%dma_start3A_148 : memref<128xi32, #tpu.memory_space<vmem>>) semaphore(%arg18 : memref<!tpu.dma_semaphore, #tpu.memory_space<semaphore_mem>>)
      %dma_wait3A_152 = arith.constant 0 : i32
      %dma_wait3A_153 = tpu.memref_slice %arg6[%add3A_115, %dma_wait3A_152] : memref<80x128xi32, #tpu.memory_space<vmem>> -> memref<1x128xi32, #tpu.memory_space<vmem>>
      %dma_wait3A_154 = tpu.memref_squeeze %dma_wait3A_153 : memref<1x128xi32, #tpu.memory_space<vmem>> -> memref<128xi32, #tpu.memory_space<vmem>>
      %dma_wait3A_155 = arith.constant 0 : i32
      %dma_wait3A_156 = arith.constant 0 : i32
      %dma_wait3A_157 = tpu.memref_slice %arg14[%dma_wait3A_155, %dma_wait3A_156] : memref<10240x16xf32, #tpu.memory_space<vmem_shared>> -> memref<10240x16xf32, #tpu.memory_space<vmem_shared>>
      tpu.wait_indirect_dma semaphore(%arg15 : memref<!tpu.dma_semaphore, #tpu.memory_space<semaphore_mem>>) src(%dma_wait3A_157 : memref<10240x16xf32, #tpu.memory_space<vmem_shared>>) dst(%arg8 : memref<128x16xf32, #tpu.memory_space<vmem>>)
      %mul3A_158 = arith.constant 4 : i32
      %mul3A_159 = arith.muli %mul3A_158, %scan3A_111 : i32
      %add3A_160 = arith.constant 0 : i32
      %add3A_161 = arith.addi %mul3A_159, %add3A_160 : i32
      %dma_start3A_162 = arith.constant 0 : i32
      %dma_start3A_163 = tpu.memref_slice %arg7[%add3A_161, %dma_start3A_162] : memref<80x128xi32, #tpu.memory_space<vmem>> -> memref<1x128xi32, #tpu.memory_space<vmem>>
      %dma_start3A_164 = tpu.memref_squeeze %dma_start3A_163 : memref<1x128xi32, #tpu.memory_space<vmem>> -> memref<128xi32, #tpu.memory_space<vmem>>
      %dma_start3A_165 = arith.constant 0 : i32
      %dma_start3A_166 = arith.constant 0 : i32
      %dma_start3A_167 = tpu.memref_slice %arg13[%dma_start3A_165, %dma_start3A_166] : memref<10240x16xf32, #tpu.memory_space<vmem_shared>> -> memref<10240x16xf32, #tpu.memory_space<vmem_shared>>
      tpu.enqueue_indirect_dma source(%arg8 : memref<128x16xf32, #tpu.memory_space<vmem>>) target(%dma_start3A_167 : memref<10240x16xf32, #tpu.memory_space<vmem_shared>>) offsets(%dma_start3A_164 : memref<128xi32, #tpu.memory_space<vmem>>) semaphore(%arg19 : memref<!tpu.dma_semaphore, #tpu.memory_space<semaphore_mem>>) {add = true}
      %dma_wait3A_168 = arith.constant 0 : i32
      %dma_wait3A_169 = tpu.memref_slice %arg6[%add3A_125, %dma_wait3A_168] : memref<80x128xi32, #tpu.memory_space<vmem>> -> memref<1x128xi32, #tpu.memory_space<vmem>>
      %dma_wait3A_170 = tpu.memref_squeeze %dma_wait3A_169 : memref<1x128xi32, #tpu.memory_space<vmem>> -> memref<128xi32, #tpu.memory_space<vmem>>
      %dma_wait3A_171 = arith.constant 0 : i32
      %dma_wait3A_172 = arith.constant 0 : i32
      %dma_wait3A_173 = tpu.memref_slice %arg14[%dma_wait3A_171, %dma_wait3A_172] : memref<10240x16xf32, #tpu.memory_space<vmem_shared>> -> memref<10240x16xf32, #tpu.memory_space<vmem_shared>>
      tpu.wait_indirect_dma semaphore(%arg16 : memref<!tpu.dma_semaphore, #tpu.memory_space<semaphore_mem>>) src(%dma_wait3A_173 : memref<10240x16xf32, #tpu.memory_space<vmem_shared>>) dst(%arg9 : memref<128x16xf32, #tpu.memory_space<vmem>>)
      %mul3A_174 = arith.constant 4 : i32
      %mul3A_175 = arith.muli %mul3A_174, %scan3A_111 : i32
      %add3A_176 = arith.constant 1 : i32
      %add3A_177 = arith.addi %mul3A_175, %add3A_176 : i32
      %dma_start3A_178 = arith.constant 0 : i32
      %dma_start3A_179 = tpu.memref_slice %arg7[%add3A_177, %dma_start3A_178] : memref<80x128xi32, #tpu.memory_space<vmem>> -> memref<1x128xi32, #tpu.memory_space<vmem>>
      %dma_start3A_180 = tpu.memref_squeeze %dma_start3A_179 : memref<1x128xi32, #tpu.memory_space<vmem>> -> memref<128xi32, #tpu.memory_space<vmem>>
      %dma_start3A_181 = arith.constant 0 : i32
      %dma_start3A_182 = arith.constant 0 : i32
      %dma_start3A_183 = tpu.memref_slice %arg13[%dma_start3A_181, %dma_start3A_182] : memref<10240x16xf32, #tpu.memory_space<vmem_shared>> -> memref<10240x16xf32, #tpu.memory_space<vmem_shared>>
      tpu.enqueue_indirect_dma source(%arg9 : memref<128x16xf32, #tpu.memory_space<vmem>>) target(%dma_start3A_183 : memref<10240x16xf32, #tpu.memory_space<vmem_shared>>) offsets(%dma_start3A_180 : memref<128xi32, #tpu.memory_space<vmem>>) semaphore(%arg20 : memref<!tpu.dma_semaphore, #tpu.memory_space<semaphore_mem>>) {add = true}
      %dma_wait3A_184 = arith.constant 0 : i32
      %dma_wait3A_185 = tpu.memref_slice %arg6[%add3A_135, %dma_wait3A_184] : memref<80x128xi32, #tpu.memory_space<vmem>> -> memref<1x128xi32, #tpu.memory_space<vmem>>
      %dma_wait3A_186 = tpu.memref_squeeze %dma_wait3A_185 : memref<1x128xi32, #tpu.memory_space<vmem>> -> memref<128xi32, #tpu.memory_space<vmem>>
      %dma_wait3A_187 = arith.constant 0 : i32
      %dma_wait3A_188 = arith.constant 0 : i32
      %dma_wait3A_189 = tpu.memref_slice %arg14[%dma_wait3A_187, %dma_wait3A_188] : memref<10240x16xf32, #tpu.memory_space<vmem_shared>> -> memref<10240x16xf32, #tpu.memory_space<vmem_shared>>
      tpu.wait_indirect_dma semaphore(%arg17 : memref<!tpu.dma_semaphore, #tpu.memory_space<semaphore_mem>>) src(%dma_wait3A_189 : memref<10240x16xf32, #tpu.memory_space<vmem_shared>>) dst(%arg10 : memref<128x16xf32, #tpu.memory_space<vmem>>)
      %mul3A_190 = arith.constant 4 : i32
      %mul3A_191 = arith.muli %mul3A_190, %scan3A_111 : i32
      %add3A_192 = arith.constant 2 : i32
      %add3A_193 = arith.addi %mul3A_191, %add3A_192 : i32
      %dma_start3A_194 = arith.constant 0 : i32
      %dma_start3A_195 = tpu.memref_slice %arg7[%add3A_193, %dma_start3A_194] : memref<80x128xi32, #tpu.memory_space<vmem>> -> memref<1x128xi32, #tpu.memory_space<vmem>>
      %dma_start3A_196 = tpu.memref_squeeze %dma_start3A_195 : memref<1x128xi32, #tpu.memory_space<vmem>> -> memref<128xi32, #tpu.memory_space<vmem>>
      %dma_start3A_197 = arith.constant 0 : i32
      %dma_start3A_198 = arith.constant 0 : i32
      %dma_start3A_199 = tpu.memref_slice %arg13[%dma_start3A_197, %dma_start3A_198] : memref<10240x16xf32, #tpu.memory_space<vmem_shared>> -> memref<10240x16xf32, #tpu.memory_space<vmem_shared>>
      tpu.enqueue_indirect_dma source(%arg10 : memref<128x16xf32, #tpu.memory_space<vmem>>) target(%dma_start3A_199 : memref<10240x16xf32, #tpu.memory_space<vmem_shared>>) offsets(%dma_start3A_196 : memref<128xi32, #tpu.memory_space<vmem>>) semaphore(%arg21 : memref<!tpu.dma_semaphore, #tpu.memory_space<semaphore_mem>>) {add = true}
      %dma_wait3A_200 = arith.constant 0 : i32
      %dma_wait3A_201 = tpu.memref_slice %arg6[%add3A_145, %dma_wait3A_200] : memref<80x128xi32, #tpu.memory_space<vmem>> -> memref<1x128xi32, #tpu.memory_space<vmem>>
      %dma_wait3A_202 = tpu.memref_squeeze %dma_wait3A_201 : memref<1x128xi32, #tpu.memory_space<vmem>> -> memref<128xi32, #tpu.memory_space<vmem>>
      %dma_wait3A_203 = arith.constant 0 : i32
      %dma_wait3A_204 = arith.constant 0 : i32
      %dma_wait3A_205 = tpu.memref_slice %arg14[%dma_wait3A_203, %dma_wait3A_204] : memref<10240x16xf32, #tpu.memory_space<vmem_shared>> -> memref<10240x16xf32, #tpu.memory_space<vmem_shared>>
      tpu.wait_indirect_dma semaphore(%arg18 : memref<!tpu.dma_semaphore, #tpu.memory_space<semaphore_mem>>) src(%dma_wait3A_205 : memref<10240x16xf32, #tpu.memory_space<vmem_shared>>) dst(%arg11 : memref<128x16xf32, #tpu.memory_space<vmem>>)
      %mul3A_206 = arith.constant 4 : i32
      %mul3A_207 = arith.muli %mul3A_206, %scan3A_111 : i32
      %add3A_208 = arith.constant 3 : i32
      %add3A_209 = arith.addi %mul3A_207, %add3A_208 : i32
      %dma_start3A_210 = arith.constant 0 : i32
      %dma_start3A_211 = tpu.memref_slice %arg7[%add3A_209, %dma_start3A_210] : memref<80x128xi32, #tpu.memory_space<vmem>> -> memref<1x128xi32, #tpu.memory_space<vmem>>
      %dma_start3A_212 = tpu.memref_squeeze %dma_start3A_211 : memref<1x128xi32, #tpu.memory_space<vmem>> -> memref<128xi32, #tpu.memory_space<vmem>>
      %dma_start3A_213 = arith.constant 0 : i32
      %dma_start3A_214 = arith.constant 0 : i32
      %dma_start3A_215 = tpu.memref_slice %arg13[%dma_start3A_213, %dma_start3A_214] : memref<10240x16xf32, #tpu.memory_space<vmem_shared>> -> memref<10240x16xf32, #tpu.memory_space<vmem_shared>>
      tpu.enqueue_indirect_dma source(%arg11 : memref<128x16xf32, #tpu.memory_space<vmem>>) target(%dma_start3A_215 : memref<10240x16xf32, #tpu.memory_space<vmem_shared>>) offsets(%dma_start3A_212 : memref<128xi32, #tpu.memory_space<vmem>>) semaphore(%arg22 : memref<!tpu.dma_semaphore, #tpu.memory_space<semaphore_mem>>) {add = true}
      %dma_wait3A_216 = arith.constant 0 : i32
      %dma_wait3A_217 = tpu.memref_slice %arg7[%add3A_161, %dma_wait3A_216] : memref<80x128xi32, #tpu.memory_space<vmem>> -> memref<1x128xi32, #tpu.memory_space<vmem>>
      %dma_wait3A_218 = tpu.memref_squeeze %dma_wait3A_217 : memref<1x128xi32, #tpu.memory_space<vmem>> -> memref<128xi32, #tpu.memory_space<vmem>>
      %dma_wait3A_219 = arith.constant 0 : i32
      %dma_wait3A_220 = arith.constant 0 : i32
      %dma_wait3A_221 = tpu.memref_slice %arg13[%dma_wait3A_219, %dma_wait3A_220] : memref<10240x16xf32, #tpu.memory_space<vmem_shared>> -> memref<10240x16xf32, #tpu.memory_space<vmem_shared>>
      tpu.wait_indirect_dma semaphore(%arg19 : memref<!tpu.dma_semaphore, #tpu.memory_space<semaphore_mem>>) src(%arg8 : memref<128x16xf32, #tpu.memory_space<vmem>>) dst(%dma_wait3A_221 : memref<10240x16xf32, #tpu.memory_space<vmem_shared>>)
      %dma_wait3A_222 = arith.constant 0 : i32
      %dma_wait3A_223 = tpu.memref_slice %arg7[%add3A_177, %dma_wait3A_222] : memref<80x128xi32, #tpu.memory_space<vmem>> -> memref<1x128xi32, #tpu.memory_space<vmem>>
      %dma_wait3A_224 = tpu.memref_squeeze %dma_wait3A_223 : memref<1x128xi32, #tpu.memory_space<vmem>> -> memref<128xi32, #tpu.memory_space<vmem>>
      %dma_wait3A_225 = arith.constant 0 : i32
      %dma_wait3A_226 = arith.constant 0 : i32
      %dma_wait3A_227 = tpu.memref_slice %arg13[%dma_wait3A_225, %dma_wait3A_226] : memref<10240x16xf32, #tpu.memory_space<vmem_shared>> -> memref<10240x16xf32, #tpu.memory_space<vmem_shared>>
      tpu.wait_indirect_dma semaphore(%arg20 : memref<!tpu.dma_semaphore, #tpu.memory_space<semaphore_mem>>) src(%arg9 : memref<128x16xf32, #tpu.memory_space<vmem>>) dst(%dma_wait3A_227 : memref<10240x16xf32, #tpu.memory_space<vmem_shared>>)
      %dma_wait3A_228 = arith.constant 0 : i32
      %dma_wait3A_229 = tpu.memref_slice %arg7[%add3A_193, %dma_wait3A_228] : memref<80x128xi32, #tpu.memory_space<vmem>> -> memref<1x128xi32, #tpu.memory_space<vmem>>
      %dma_wait3A_230 = tpu.memref_squeeze %dma_wait3A_229 : memref<1x128xi32, #tpu.memory_space<vmem>> -> memref<128xi32, #tpu.memory_space<vmem>>
      %dma_wait3A_231 = arith.constant 0 : i32
      %dma_wait3A_232 = arith.constant 0 : i32
      %dma_wait3A_233 = tpu.memref_slice %arg13[%dma_wait3A_231, %dma_wait3A_232] : memref<10240x16xf32, #tpu.memory_space<vmem_shared>> -> memref<10240x16xf32, #tpu.memory_space<vmem_shared>>
      tpu.wait_indirect_dma semaphore(%arg21 : memref<!tpu.dma_semaphore, #tpu.memory_space<semaphore_mem>>) src(%arg10 : memref<128x16xf32, #tpu.memory_space<vmem>>) dst(%dma_wait3A_233 : memref<10240x16xf32, #tpu.memory_space<vmem_shared>>)
      %dma_wait3A_234 = arith.constant 0 : i32
      %dma_wait3A_235 = tpu.memref_slice %arg7[%add3A_209, %dma_wait3A_234] : memref<80x128xi32, #tpu.memory_space<vmem>> -> memref<1x128xi32, #tpu.memory_space<vmem>>
      %dma_wait3A_236 = tpu.memref_squeeze %dma_wait3A_235 : memref<1x128xi32, #tpu.memory_space<vmem>> -> memref<128xi32, #tpu.memory_space<vmem>>
      %dma_wait3A_237 = arith.constant 0 : i32
      %dma_wait3A_238 = arith.constant 0 : i32
      %dma_wait3A_239 = tpu.memref_slice %arg13[%dma_wait3A_237, %dma_wait3A_238] : memref<10240x16xf32, #tpu.memory_space<vmem_shared>> -> memref<10240x16xf32, #tpu.memory_space<vmem_shared>>
      tpu.wait_indirect_dma semaphore(%arg22 : memref<!tpu.dma_semaphore, #tpu.memory_space<semaphore_mem>>) src(%arg11 : memref<128x16xf32, #tpu.memory_space<vmem>>) dst(%dma_wait3A_239 : memref<10240x16xf32, #tpu.memory_space<vmem_shared>>)
    }
    %scan3A_102 = arith.constant 20 : i32
    %barrier3A_103 = arith.constant 0 : index
    tpu.barrier barrier_id(%barrier3A_103)
    %mul3A_104 = arith.constant 640 : i32
    %mul3A_105 = arith.muli %arg1, %mul3A_104 : i32
    %mul3A_106 = arith.constant 10240 : i32
    %mul3A_107 = arith.muli %arg0, %mul3A_106 : i32
    %mul3A_108 = arith.constant 640 : i32
    %mul3A_109 = arith.muli %arg1, %mul3A_108 : i32
    %add3A_110 = arith.addi %mul3A_107, %mul3A_109 : i32
    "tpu.region"() ({
      %run_scoped3A = tpu.sem_alloc : memref<!tpu.dma_semaphore, #tpu.memory_space<semaphore_mem>>
      %dma_start3A_111 = arith.constant 0 : i32
      %dma_start3A_112 = tpu.memref_slice %arg5[%add3A_110, %dma_start3A_111] : memref<20480x16xf32, #tpu.memory_space<hbm>> -> memref<640x16xf32, #tpu.memory_space<hbm>>
      %dma_start3A_113 = arith.constant 0 : i32
      %dma_start3A_114 = tpu.memref_slice %arg13[%mul3A_105, %dma_start3A_113] : memref<10240x16xf32, #tpu.memory_space<vmem_shared>> -> memref<640x16xf32, #tpu.memory_space<vmem_shared>>
      tpu.enqueue_dma source(%dma_start3A_114 : memref<640x16xf32, #tpu.memory_space<vmem_shared>>) target(%dma_start3A_112 : memref<640x16xf32, #tpu.memory_space<hbm>>) target_semaphore(%run_scoped3A : memref<!tpu.dma_semaphore, #tpu.memory_space<semaphore_mem>>)
      %dma_wait3A_115 = arith.constant 0 : i32
      %dma_wait3A_116 = tpu.memref_slice %arg5[%add3A_110, %dma_wait3A_115] : memref<20480x16xf32, #tpu.memory_space<hbm>> -> memref<640x16xf32, #tpu.memory_space<hbm>>
      %dma_wait3A_117 = arith.constant 0 : i32
      %dma_wait3A_118 = tpu.memref_slice %arg13[%mul3A_105, %dma_wait3A_117] : memref<10240x16xf32, #tpu.memory_space<vmem_shared>> -> memref<640x16xf32, #tpu.memory_space<vmem_shared>>
      tpu.wait_dma2 semaphore(%run_scoped3A : memref<!tpu.dma_semaphore, #tpu.memory_space<semaphore_mem>>) src(%dma_wait3A_118 : memref<640x16xf32, #tpu.memory_space<vmem_shared>>) dst(%dma_wait3A_116 : memref<640x16xf32, #tpu.memory_space<hbm>>)
      tpu.yield
    }) : () -> ()
    return
  }
}

#map = affine_map<(d0, d1) -> (0, 0)>
module attributes {stable_mosaic.version = 14 : i64} {
  func.func @_sc_aggregate(%arg0: i32, %arg1: i32, %arg2: memref<10240x16xf32, #tpu.memory_space<hbm>>, %arg3: memref<2560x128xi32, #tpu.memory_space<hbm>>, %arg4: memref<2560x128xi32, #tpu.memory_space<hbm>>, %arg5: memref<20480x16xf32, #tpu.memory_space<hbm>>, %arg6: memref<80x128xi32, #tpu.memory_space<vmem>>, %arg7: memref<80x128xi32, #tpu.memory_space<vmem>>, %arg8: memref<128x16xf32, #tpu.memory_space<vmem>>, %arg9: memref<128x16xf32, #tpu.memory_space<vmem>>, %arg10: memref<128x16xf32, #tpu.memory_space<vmem>>, %arg11: memref<128x16xf32, #tpu.memory_space<vmem>>, %arg12: memref<128x16xf32, #tpu.memory_space<vmem>>, %arg13: memref<10240x16xf32, #tpu.memory_space<vmem_shared>>, %arg14: memref<10240x16xf32, #tpu.memory_space<vmem_shared>>, %arg15: memref<!tpu.dma_semaphore, #tpu.memory_space<semaphore_mem>>, %arg16: memref<!tpu.dma_semaphore, #tpu.memory_space<semaphore_mem>>, %arg17: memref<!tpu.dma_semaphore, #tpu.memory_space<semaphore_mem>>, %arg18: memref<!tpu.dma_semaphore, #tpu.memory_space<semaphore_mem>>, %arg19: memref<!tpu.dma_semaphore, #tpu.memory_space<semaphore_mem>>, %arg20: memref<!tpu.dma_semaphore, #tpu.memory_space<semaphore_mem>>, %arg21: memref<!tpu.dma_semaphore, #tpu.memory_space<semaphore_mem>>, %arg22: memref<!tpu.dma_semaphore, #tpu.memory_space<semaphore_mem>>) attributes {dimension_semantics = [#tpu.dimension_semantics<core_parallel>, #tpu.dimension_semantics<subcore_parallel>], iteration_bounds = array<i64: 2, 16>, scalar_prefetch = 0 : i64, scratch_operands = 17 : i64, tpu.core_type = #tpu.core_type<sc_vector_subcore>, window_params = [{transform_indices = #map}, {transform_indices = #map}, {transform_indices = #map}, {transform_indices = #map}]} {
    %mul3A = arith.constant 2 : i32
    %mul3A_0 = arith.muli %arg1, %mul3A : i32
    %add3A = arith.addi %mul3A_0, %arg0 : i32
    %broadcast_in_dim3A = arith.constant 0.000000e+00 : f32
    %broadcast_in_dim3A_1 = vector.broadcast %broadcast_in_dim3A : f32 to vector<16xf32>
    %scan3A = arith.constant 0 : i32
    %scan3A_2 = arith.constant 0 : i32
    %scan3A_3 = arith.constant 128 : i32
    %scan3A_4 = arith.addi %scan3A_2, %scan3A_3 : i32
    %scan3A_5 = arith.constant 1 : i32
    scf.for %scan3A_111 = %scan3A_2 to %scan3A_4 step %scan3A_5  : i32 {
      %swap3A = arith.index_cast %scan3A_111 : i32 to index
      %swap3A_112 = arith.constant 0 : index
      %swap3A_113 = tpu.vector_load %arg12[%swap3A, %swap3A_112] {strides = array<i32>} : memref<128x16xf32, #tpu.memory_space<vmem>>, vector<1x16xf32>,
      %swap3A_114 = vector.shape_cast %swap3A_113 : vector<1x16xf32> to vector<16xf32>
      %swap3A_115 = vector.shape_cast %broadcast_in_dim3A_1 : vector<16xf32> to vector<1x16xf32>
      tpu.vector_store %arg12[%swap3A, %swap3A_112], %swap3A_115 {strides = array<i32>} : memref<128x16xf32, #tpu.memory_space<vmem>>, vector<1x16xf32>,
    }
    %scan3A_6 = arith.constant 128 : i32
    %mul3A_7 = arith.constant 640 : i32
    %mul3A_8 = arith.muli %arg1, %mul3A_7 : i32
    %mul3A_9 = arith.constant 640 : i32
    %mul3A_10 = arith.muli %arg1, %mul3A_9 : i32
    %dma_start3A = arith.constant 0 : i32
    %dma_start3A_11 = tpu.memref_slice %arg14[%mul3A_10, %dma_start3A] : memref<10240x16xf32, #tpu.memory_space<vmem_shared>> -> memref<640x16xf32, #tpu.memory_space<vmem_shared>>
    %dma_start3A_12 = arith.constant 0 : i32
    %dma_start3A_13 = tpu.memref_slice %arg2[%mul3A_8, %dma_start3A_12] : memref<10240x16xf32, #tpu.memory_space<hbm>> -> memref<640x16xf32, #tpu.memory_space<hbm>>
    tpu.enqueue_dma source(%dma_start3A_13 : memref<640x16xf32, #tpu.memory_space<hbm>>) target(%dma_start3A_11 : memref<640x16xf32, #tpu.memory_space<vmem_shared>>) target_semaphore(%arg15 : memref<!tpu.dma_semaphore, #tpu.memory_space<semaphore_mem>>)
    %mul3A_14 = arith.constant 80 : i32
    %mul3A_15 = arith.muli %add3A, %mul3A_14 : i32
    %dma_start3A_16 = arith.constant 0 : i32
    %dma_start3A_17 = tpu.memref_slice %arg3[%mul3A_15, %dma_start3A_16] : memref<2560x128xi32, #tpu.memory_space<hbm>> -> memref<80x128xi32, #tpu.memory_space<hbm>>
    %dma_start3A_18 = arith.constant 0 : i32
    %dma_start3A_19 = tpu.memref_slice %arg3[%mul3A_15, %dma_start3A_18] : memref<2560x128xi32, #tpu.memory_space<hbm>> -> memref<80x128xi32, #tpu.memory_space<hbm>>
    tpu.enqueue_dma source(%dma_start3A_19 : memref<80x128xi32, #tpu.memory_space<hbm>>) target(%arg6 : memref<80x128xi32, #tpu.memory_space<vmem>>) target_semaphore(%arg16 : memref<!tpu.dma_semaphore, #tpu.memory_space<semaphore_mem>>)
    %mul3A_20 = arith.constant 80 : i32
    %mul3A_21 = arith.muli %add3A, %mul3A_20 : i32
    %dma_start3A_22 = arith.constant 0 : i32
    %dma_start3A_23 = tpu.memref_slice %arg4[%mul3A_21, %dma_start3A_22] : memref<2560x128xi32, #tpu.memory_space<hbm>> -> memref<80x128xi32, #tpu.memory_space<hbm>>
    %dma_start3A_24 = arith.constant 0 : i32
    %dma_start3A_25 = tpu.memref_slice %arg4[%mul3A_21, %dma_start3A_24] : memref<2560x128xi32, #tpu.memory_space<hbm>> -> memref<80x128xi32, #tpu.memory_space<hbm>>
    tpu.enqueue_dma source(%dma_start3A_25 : memref<80x128xi32, #tpu.memory_space<hbm>>) target(%arg7 : memref<80x128xi32, #tpu.memory_space<vmem>>) target_semaphore(%arg17 : memref<!tpu.dma_semaphore, #tpu.memory_space<semaphore_mem>>)
    %mul3A_26 = arith.constant 640 : i32
    %mul3A_27 = arith.muli %arg1, %mul3A_26 : i32
    %add3A_28 = arith.constant 0 : i32
    %add3A_29 = arith.addi %mul3A_27, %add3A_28 : i32
    %dma_start3A_30 = arith.constant 0 : i32
    %dma_start3A_31 = tpu.memref_slice %arg13[%add3A_29, %dma_start3A_30] : memref<10240x16xf32, #tpu.memory_space<vmem_shared>> -> memref<128x16xf32, #tpu.memory_space<vmem_shared>>
    %dma_start3A_32 = arith.constant 0 : i32
    %dma_start3A_33 = tpu.memref_slice %arg13[%add3A_29, %dma_start3A_32] : memref<10240x16xf32, #tpu.memory_space<vmem_shared>> -> memref<128x16xf32, #tpu.memory_space<vmem_shared>>
    tpu.enqueue_dma source(%arg12 : memref<128x16xf32, #tpu.memory_space<vmem>>) target(%dma_start3A_33 : memref<128x16xf32, #tpu.memory_space<vmem_shared>>) target_semaphore(%arg19 : memref<!tpu.dma_semaphore, #tpu.memory_space<semaphore_mem>>)
    %mul3A_34 = arith.constant 640 : i32
    %mul3A_35 = arith.muli %arg1, %mul3A_34 : i32
    %add3A_36 = arith.constant 128 : i32
    %add3A_37 = arith.addi %mul3A_35, %add3A_36 : i32
    %dma_start3A_38 = arith.constant 0 : i32
    %dma_start3A_39 = tpu.memref_slice %arg13[%add3A_37, %dma_start3A_38] : memref<10240x16xf32, #tpu.memory_space<vmem_shared>> -> memref<128x16xf32, #tpu.memory_space<vmem_shared>>
    %dma_start3A_40 = arith.constant 0 : i32
    %dma_start3A_41 = tpu.memref_slice %arg13[%add3A_37, %dma_start3A_40] : memref<10240x16xf32, #tpu.memory_space<vmem_shared>> -> memref<128x16xf32, #tpu.memory_space<vmem_shared>>
    tpu.enqueue_dma source(%arg12 : memref<128x16xf32, #tpu.memory_space<vmem>>) target(%dma_start3A_41 : memref<128x16xf32, #tpu.memory_space<vmem_shared>>) target_semaphore(%arg19 : memref<!tpu.dma_semaphore, #tpu.memory_space<semaphore_mem>>)
    %mul3A_42 = arith.constant 640 : i32
    %mul3A_43 = arith.muli %arg1, %mul3A_42 : i32
    %add3A_44 = arith.constant 256 : i32
    %add3A_45 = arith.addi %mul3A_43, %add3A_44 : i32
    %dma_start3A_46 = arith.constant 0 : i32
    %dma_start3A_47 = tpu.memref_slice %arg13[%add3A_45, %dma_start3A_46] : memref<10240x16xf32, #tpu.memory_space<vmem_shared>> -> memref<128x16xf32, #tpu.memory_space<vmem_shared>>
    %dma_start3A_48 = arith.constant 0 : i32
    %dma_start3A_49 = tpu.memref_slice %arg13[%add3A_45, %dma_start3A_48] : memref<10240x16xf32, #tpu.memory_space<vmem_shared>> -> memref<128x16xf32, #tpu.memory_space<vmem_shared>>
    tpu.enqueue_dma source(%arg12 : memref<128x16xf32, #tpu.memory_space<vmem>>) target(%dma_start3A_49 : memref<128x16xf32, #tpu.memory_space<vmem_shared>>) target_semaphore(%arg19 : memref<!tpu.dma_semaphore, #tpu.memory_space<semaphore_mem>>)
    %mul3A_50 = arith.constant 640 : i32
    %mul3A_51 = arith.muli %arg1, %mul3A_50 : i32
    %add3A_52 = arith.constant 384 : i32
    %add3A_53 = arith.addi %mul3A_51, %add3A_52 : i32
    %dma_start3A_54 = arith.constant 0 : i32
    %dma_start3A_55 = tpu.memref_slice %arg13[%add3A_53, %dma_start3A_54] : memref<10240x16xf32, #tpu.memory_space<vmem_shared>> -> memref<128x16xf32, #tpu.memory_space<vmem_shared>>
    %dma_start3A_56 = arith.constant 0 : i32
    %dma_start3A_57 = tpu.memref_slice %arg13[%add3A_53, %dma_start3A_56] : memref<10240x16xf32, #tpu.memory_space<vmem_shared>> -> memref<128x16xf32, #tpu.memory_space<vmem_shared>>
    tpu.enqueue_dma source(%arg12 : memref<128x16xf32, #tpu.memory_space<vmem>>) target(%dma_start3A_57 : memref<128x16xf32, #tpu.memory_space<vmem_shared>>) target_semaphore(%arg19 : memref<!tpu.dma_semaphore, #tpu.memory_space<semaphore_mem>>)
    %mul3A_58 = arith.constant 640 : i32
    %mul3A_59 = arith.muli %arg1, %mul3A_58 : i32
    %add3A_60 = arith.constant 512 : i32
    %add3A_61 = arith.addi %mul3A_59, %add3A_60 : i32
    %dma_start3A_62 = arith.constant 0 : i32
    %dma_start3A_63 = tpu.memref_slice %arg13[%add3A_61, %dma_start3A_62] : memref<10240x16xf32, #tpu.memory_space<vmem_shared>> -> memref<128x16xf32, #tpu.memory_space<vmem_shared>>
    %dma_start3A_64 = arith.constant 0 : i32
    %dma_start3A_65 = tpu.memref_slice %arg13[%add3A_61, %dma_start3A_64] : memref<10240x16xf32, #tpu.memory_space<vmem_shared>> -> memref<128x16xf32, #tpu.memory_space<vmem_shared>>
    tpu.enqueue_dma source(%arg12 : memref<128x16xf32, #tpu.memory_space<vmem>>) target(%dma_start3A_65 : memref<128x16xf32, #tpu.memory_space<vmem_shared>>) target_semaphore(%arg19 : memref<!tpu.dma_semaphore, #tpu.memory_space<semaphore_mem>>)
    %dma_wait3A = arith.constant 0 : i32
    %dma_wait3A_66 = tpu.memref_slice %arg14[%mul3A_10, %dma_wait3A] : memref<10240x16xf32, #tpu.memory_space<vmem_shared>> -> memref<640x16xf32, #tpu.memory_space<vmem_shared>>
    %dma_wait3A_67 = arith.constant 0 : i32
    %dma_wait3A_68 = tpu.memref_slice %arg2[%mul3A_8, %dma_wait3A_67] : memref<10240x16xf32, #tpu.memory_space<hbm>> -> memref<640x16xf32, #tpu.memory_space<hbm>>
    tpu.wait_dma2 semaphore(%arg15 : memref<!tpu.dma_semaphore, #tpu.memory_space<semaphore_mem>>) src(%dma_wait3A_68 : memref<640x16xf32, #tpu.memory_space<hbm>>) dst(%dma_wait3A_66 : memref<640x16xf32, #tpu.memory_space<vmem_shared>>)
    %dma_wait3A_69 = arith.constant 0 : i32
    %dma_wait3A_70 = tpu.memref_slice %arg3[%mul3A_15, %dma_wait3A_69] : memref<2560x128xi32, #tpu.memory_space<hbm>> -> memref<80x128xi32, #tpu.memory_space<hbm>>
    %dma_wait3A_71 = arith.constant 0 : i32
    %dma_wait3A_72 = tpu.memref_slice %arg3[%mul3A_15, %dma_wait3A_71] : memref<2560x128xi32, #tpu.memory_space<hbm>> -> memref<80x128xi32, #tpu.memory_space<hbm>>
    tpu.wait_dma2 semaphore(%arg16 : memref<!tpu.dma_semaphore, #tpu.memory_space<semaphore_mem>>) src(%dma_wait3A_72 : memref<80x128xi32, #tpu.memory_space<hbm>>) dst(%arg6 : memref<80x128xi32, #tpu.memory_space<vmem>>)
    %dma_wait3A_73 = arith.constant 0 : i32
    %dma_wait3A_74 = tpu.memref_slice %arg4[%mul3A_21, %dma_wait3A_73] : memref<2560x128xi32, #tpu.memory_space<hbm>> -> memref<80x128xi32, #tpu.memory_space<hbm>>
    %dma_wait3A_75 = arith.constant 0 : i32
    %dma_wait3A_76 = tpu.memref_slice %arg4[%mul3A_21, %dma_wait3A_75] : memref<2560x128xi32, #tpu.memory_space<hbm>> -> memref<80x128xi32, #tpu.memory_space<hbm>>
    tpu.wait_dma2 semaphore(%arg17 : memref<!tpu.dma_semaphore, #tpu.memory_space<semaphore_mem>>) src(%dma_wait3A_76 : memref<80x128xi32, #tpu.memory_space<hbm>>) dst(%arg7 : memref<80x128xi32, #tpu.memory_space<vmem>>)
    %dma_wait3A_77 = arith.constant 0 : i32
    %dma_wait3A_78 = tpu.memref_slice %arg13[%add3A_29, %dma_wait3A_77] : memref<10240x16xf32, #tpu.memory_space<vmem_shared>> -> memref<128x16xf32, #tpu.memory_space<vmem_shared>>
    %dma_wait3A_79 = arith.constant 0 : i32
    %dma_wait3A_80 = tpu.memref_slice %arg13[%add3A_29, %dma_wait3A_79] : memref<10240x16xf32, #tpu.memory_space<vmem_shared>> -> memref<128x16xf32, #tpu.memory_space<vmem_shared>>
    tpu.wait_dma2 semaphore(%arg19 : memref<!tpu.dma_semaphore, #tpu.memory_space<semaphore_mem>>) src(%arg12 : memref<128x16xf32, #tpu.memory_space<vmem>>) dst(%dma_wait3A_80 : memref<128x16xf32, #tpu.memory_space<vmem_shared>>)
    %dma_wait3A_81 = arith.constant 0 : i32
    %dma_wait3A_82 = tpu.memref_slice %arg13[%add3A_37, %dma_wait3A_81] : memref<10240x16xf32, #tpu.memory_space<vmem_shared>> -> memref<128x16xf32, #tpu.memory_space<vmem_shared>>
    %dma_wait3A_83 = arith.constant 0 : i32
    %dma_wait3A_84 = tpu.memref_slice %arg13[%add3A_37, %dma_wait3A_83] : memref<10240x16xf32, #tpu.memory_space<vmem_shared>> -> memref<128x16xf32, #tpu.memory_space<vmem_shared>>
    tpu.wait_dma2 semaphore(%arg19 : memref<!tpu.dma_semaphore, #tpu.memory_space<semaphore_mem>>) src(%arg12 : memref<128x16xf32, #tpu.memory_space<vmem>>) dst(%dma_wait3A_84 : memref<128x16xf32, #tpu.memory_space<vmem_shared>>)
    %dma_wait3A_85 = arith.constant 0 : i32
    %dma_wait3A_86 = tpu.memref_slice %arg13[%add3A_45, %dma_wait3A_85] : memref<10240x16xf32, #tpu.memory_space<vmem_shared>> -> memref<128x16xf32, #tpu.memory_space<vmem_shared>>
    %dma_wait3A_87 = arith.constant 0 : i32
    %dma_wait3A_88 = tpu.memref_slice %arg13[%add3A_45, %dma_wait3A_87] : memref<10240x16xf32, #tpu.memory_space<vmem_shared>> -> memref<128x16xf32, #tpu.memory_space<vmem_shared>>
    tpu.wait_dma2 semaphore(%arg19 : memref<!tpu.dma_semaphore, #tpu.memory_space<semaphore_mem>>) src(%arg12 : memref<128x16xf32, #tpu.memory_space<vmem>>) dst(%dma_wait3A_88 : memref<128x16xf32, #tpu.memory_space<vmem_shared>>)
    %dma_wait3A_89 = arith.constant 0 : i32
    %dma_wait3A_90 = tpu.memref_slice %arg13[%add3A_53, %dma_wait3A_89] : memref<10240x16xf32, #tpu.memory_space<vmem_shared>> -> memref<128x16xf32, #tpu.memory_space<vmem_shared>>
    %dma_wait3A_91 = arith.constant 0 : i32
    %dma_wait3A_92 = tpu.memref_slice %arg13[%add3A_53, %dma_wait3A_91] : memref<10240x16xf32, #tpu.memory_space<vmem_shared>> -> memref<128x16xf32, #tpu.memory_space<vmem_shared>>
    tpu.wait_dma2 semaphore(%arg19 : memref<!tpu.dma_semaphore, #tpu.memory_space<semaphore_mem>>) src(%arg12 : memref<128x16xf32, #tpu.memory_space<vmem>>) dst(%dma_wait3A_92 : memref<128x16xf32, #tpu.memory_space<vmem_shared>>)
    %dma_wait3A_93 = arith.constant 0 : i32
    %dma_wait3A_94 = tpu.memref_slice %arg13[%add3A_61, %dma_wait3A_93] : memref<10240x16xf32, #tpu.memory_space<vmem_shared>> -> memref<128x16xf32, #tpu.memory_space<vmem_shared>>
    %dma_wait3A_95 = arith.constant 0 : i32
    %dma_wait3A_96 = tpu.memref_slice %arg13[%add3A_61, %dma_wait3A_95] : memref<10240x16xf32, #tpu.memory_space<vmem_shared>> -> memref<128x16xf32, #tpu.memory_space<vmem_shared>>
    tpu.wait_dma2 semaphore(%arg19 : memref<!tpu.dma_semaphore, #tpu.memory_space<semaphore_mem>>) src(%arg12 : memref<128x16xf32, #tpu.memory_space<vmem>>) dst(%dma_wait3A_96 : memref<128x16xf32, #tpu.memory_space<vmem_shared>>)
    %barrier3A = arith.constant 0 : index
    tpu.barrier barrier_id(%barrier3A)
    %scan3A_97 = arith.constant 0 : i32
    %scan3A_98 = arith.constant 0 : i32
    %scan3A_99 = arith.constant 20 : i32
    %scan3A_100 = arith.addi %scan3A_98, %scan3A_99 : i32
    %scan3A_101 = arith.constant 1 : i32
    scf.for %scan3A_111 = %scan3A_98 to %scan3A_100 step %scan3A_101  : i32 {
      %mul3A_112 = arith.constant 4 : i32
      %mul3A_113 = arith.muli %mul3A_112, %scan3A_111 : i32
      %add3A_114 = arith.constant 0 : i32
      %add3A_115 = arith.addi %mul3A_113, %add3A_114 : i32
      %dma_start3A_116 = arith.constant 0 : i32
      %dma_start3A_117 = tpu.memref_slice %arg6[%add3A_115, %dma_start3A_116] : memref<80x128xi32, #tpu.memory_space<vmem>> -> memref<1x128xi32, #tpu.memory_space<vmem>>
      %dma_start3A_118 = tpu.memref_squeeze %dma_start3A_117 : memref<1x128xi32, #tpu.memory_space<vmem>> -> memref<128xi32, #tpu.memory_space<vmem>>
      %dma_start3A_119 = arith.constant 0 : i32
      %dma_start3A_120 = arith.constant 0 : i32
      %dma_start3A_121 = tpu.memref_slice %arg14[%dma_start3A_119, %dma_start3A_120] : memref<10240x16xf32, #tpu.memory_space<vmem_shared>> -> memref<10240x16xf32, #tpu.memory_space<vmem_shared>>
      tpu.enqueue_indirect_dma source(%dma_start3A_121 : memref<10240x16xf32, #tpu.memory_space<vmem_shared>>) target(%arg8 : memref<128x16xf32, #tpu.memory_space<vmem>>) offsets(%dma_start3A_118 : memref<128xi32, #tpu.memory_space<vmem>>) semaphore(%arg15 : memref<!tpu.dma_semaphore, #tpu.memory_space<semaphore_mem>>)
      %mul3A_122 = arith.constant 4 : i32
      %mul3A_123 = arith.muli %mul3A_122, %scan3A_111 : i32
      %add3A_124 = arith.constant 1 : i32
      %add3A_125 = arith.addi %mul3A_123, %add3A_124 : i32
      %dma_start3A_126 = arith.constant 0 : i32
      %dma_start3A_127 = tpu.memref_slice %arg6[%add3A_125, %dma_start3A_126] : memref<80x128xi32, #tpu.memory_space<vmem>> -> memref<1x128xi32, #tpu.memory_space<vmem>>
      %dma_start3A_128 = tpu.memref_squeeze %dma_start3A_127 : memref<1x128xi32, #tpu.memory_space<vmem>> -> memref<128xi32, #tpu.memory_space<vmem>>
      %dma_start3A_129 = arith.constant 0 : i32
      %dma_start3A_130 = arith.constant 0 : i32
      %dma_start3A_131 = tpu.memref_slice %arg14[%dma_start3A_129, %dma_start3A_130] : memref<10240x16xf32, #tpu.memory_space<vmem_shared>> -> memref<10240x16xf32, #tpu.memory_space<vmem_shared>>
      tpu.enqueue_indirect_dma source(%dma_start3A_131 : memref<10240x16xf32, #tpu.memory_space<vmem_shared>>) target(%arg9 : memref<128x16xf32, #tpu.memory_space<vmem>>) offsets(%dma_start3A_128 : memref<128xi32, #tpu.memory_space<vmem>>) semaphore(%arg16 : memref<!tpu.dma_semaphore, #tpu.memory_space<semaphore_mem>>)
      %mul3A_132 = arith.constant 4 : i32
      %mul3A_133 = arith.muli %mul3A_132, %scan3A_111 : i32
      %add3A_134 = arith.constant 2 : i32
      %add3A_135 = arith.addi %mul3A_133, %add3A_134 : i32
      %dma_start3A_136 = arith.constant 0 : i32
      %dma_start3A_137 = tpu.memref_slice %arg6[%add3A_135, %dma_start3A_136] : memref<80x128xi32, #tpu.memory_space<vmem>> -> memref<1x128xi32, #tpu.memory_space<vmem>>
      %dma_start3A_138 = tpu.memref_squeeze %dma_start3A_137 : memref<1x128xi32, #tpu.memory_space<vmem>> -> memref<128xi32, #tpu.memory_space<vmem>>
      %dma_start3A_139 = arith.constant 0 : i32
      %dma_start3A_140 = arith.constant 0 : i32
      %dma_start3A_141 = tpu.memref_slice %arg14[%dma_start3A_139, %dma_start3A_140] : memref<10240x16xf32, #tpu.memory_space<vmem_shared>> -> memref<10240x16xf32, #tpu.memory_space<vmem_shared>>
      tpu.enqueue_indirect_dma source(%dma_start3A_141 : memref<10240x16xf32, #tpu.memory_space<vmem_shared>>) target(%arg10 : memref<128x16xf32, #tpu.memory_space<vmem>>) offsets(%dma_start3A_138 : memref<128xi32, #tpu.memory_space<vmem>>) semaphore(%arg17 : memref<!tpu.dma_semaphore, #tpu.memory_space<semaphore_mem>>)
      %mul3A_142 = arith.constant 4 : i32
      %mul3A_143 = arith.muli %mul3A_142, %scan3A_111 : i32
      %add3A_144 = arith.constant 3 : i32
      %add3A_145 = arith.addi %mul3A_143, %add3A_144 : i32
      %dma_start3A_146 = arith.constant 0 : i32
      %dma_start3A_147 = tpu.memref_slice %arg6[%add3A_145, %dma_start3A_146] : memref<80x128xi32, #tpu.memory_space<vmem>> -> memref<1x128xi32, #tpu.memory_space<vmem>>
      %dma_start3A_148 = tpu.memref_squeeze %dma_start3A_147 : memref<1x128xi32, #tpu.memory_space<vmem>> -> memref<128xi32, #tpu.memory_space<vmem>>
      %dma_start3A_149 = arith.constant 0 : i32
      %dma_start3A_150 = arith.constant 0 : i32
      %dma_start3A_151 = tpu.memref_slice %arg14[%dma_start3A_149, %dma_start3A_150] : memref<10240x16xf32, #tpu.memory_space<vmem_shared>> -> memref<10240x16xf32, #tpu.memory_space<vmem_shared>>
      tpu.enqueue_indirect_dma source(%dma_start3A_151 : memref<10240x16xf32, #tpu.memory_space<vmem_shared>>) target(%arg11 : memref<128x16xf32, #tpu.memory_space<vmem>>) offsets(%dma_start3A_148 : memref<128xi32, #tpu.memory_space<vmem>>) semaphore(%arg18 : memref<!tpu.dma_semaphore, #tpu.memory_space<semaphore_mem>>)
      %dma_wait3A_152 = arith.constant 0 : i32
      %dma_wait3A_153 = tpu.memref_slice %arg6[%add3A_115, %dma_wait3A_152] : memref<80x128xi32, #tpu.memory_space<vmem>> -> memref<1x128xi32, #tpu.memory_space<vmem>>
      %dma_wait3A_154 = tpu.memref_squeeze %dma_wait3A_153 : memref<1x128xi32, #tpu.memory_space<vmem>> -> memref<128xi32, #tpu.memory_space<vmem>>
      %dma_wait3A_155 = arith.constant 0 : i32
      %dma_wait3A_156 = arith.constant 0 : i32
      %dma_wait3A_157 = tpu.memref_slice %arg14[%dma_wait3A_155, %dma_wait3A_156] : memref<10240x16xf32, #tpu.memory_space<vmem_shared>> -> memref<10240x16xf32, #tpu.memory_space<vmem_shared>>
      tpu.wait_indirect_dma semaphore(%arg15 : memref<!tpu.dma_semaphore, #tpu.memory_space<semaphore_mem>>) src(%dma_wait3A_157 : memref<10240x16xf32, #tpu.memory_space<vmem_shared>>) dst(%arg8 : memref<128x16xf32, #tpu.memory_space<vmem>>)
      %mul3A_158 = arith.constant 4 : i32
      %mul3A_159 = arith.muli %mul3A_158, %scan3A_111 : i32
      %add3A_160 = arith.constant 0 : i32
      %add3A_161 = arith.addi %mul3A_159, %add3A_160 : i32
      %dma_start3A_162 = arith.constant 0 : i32
      %dma_start3A_163 = tpu.memref_slice %arg7[%add3A_161, %dma_start3A_162] : memref<80x128xi32, #tpu.memory_space<vmem>> -> memref<1x128xi32, #tpu.memory_space<vmem>>
      %dma_start3A_164 = tpu.memref_squeeze %dma_start3A_163 : memref<1x128xi32, #tpu.memory_space<vmem>> -> memref<128xi32, #tpu.memory_space<vmem>>
      %dma_start3A_165 = arith.constant 0 : i32
      %dma_start3A_166 = arith.constant 0 : i32
      %dma_start3A_167 = tpu.memref_slice %arg13[%dma_start3A_165, %dma_start3A_166] : memref<10240x16xf32, #tpu.memory_space<vmem_shared>> -> memref<10240x16xf32, #tpu.memory_space<vmem_shared>>
      tpu.enqueue_indirect_dma source(%arg8 : memref<128x16xf32, #tpu.memory_space<vmem>>) target(%dma_start3A_167 : memref<10240x16xf32, #tpu.memory_space<vmem_shared>>) offsets(%dma_start3A_164 : memref<128xi32, #tpu.memory_space<vmem>>) semaphore(%arg19 : memref<!tpu.dma_semaphore, #tpu.memory_space<semaphore_mem>>) {add = true}
      %dma_wait3A_168 = arith.constant 0 : i32
      %dma_wait3A_169 = tpu.memref_slice %arg6[%add3A_125, %dma_wait3A_168] : memref<80x128xi32, #tpu.memory_space<vmem>> -> memref<1x128xi32, #tpu.memory_space<vmem>>
      %dma_wait3A_170 = tpu.memref_squeeze %dma_wait3A_169 : memref<1x128xi32, #tpu.memory_space<vmem>> -> memref<128xi32, #tpu.memory_space<vmem>>
      %dma_wait3A_171 = arith.constant 0 : i32
      %dma_wait3A_172 = arith.constant 0 : i32
      %dma_wait3A_173 = tpu.memref_slice %arg14[%dma_wait3A_171, %dma_wait3A_172] : memref<10240x16xf32, #tpu.memory_space<vmem_shared>> -> memref<10240x16xf32, #tpu.memory_space<vmem_shared>>
      tpu.wait_indirect_dma semaphore(%arg16 : memref<!tpu.dma_semaphore, #tpu.memory_space<semaphore_mem>>) src(%dma_wait3A_173 : memref<10240x16xf32, #tpu.memory_space<vmem_shared>>) dst(%arg9 : memref<128x16xf32, #tpu.memory_space<vmem>>)
      %mul3A_174 = arith.constant 4 : i32
      %mul3A_175 = arith.muli %mul3A_174, %scan3A_111 : i32
      %add3A_176 = arith.constant 1 : i32
      %add3A_177 = arith.addi %mul3A_175, %add3A_176 : i32
      %dma_start3A_178 = arith.constant 0 : i32
      %dma_start3A_179 = tpu.memref_slice %arg7[%add3A_177, %dma_start3A_178] : memref<80x128xi32, #tpu.memory_space<vmem>> -> memref<1x128xi32, #tpu.memory_space<vmem>>
      %dma_start3A_180 = tpu.memref_squeeze %dma_start3A_179 : memref<1x128xi32, #tpu.memory_space<vmem>> -> memref<128xi32, #tpu.memory_space<vmem>>
      %dma_start3A_181 = arith.constant 0 : i32
      %dma_start3A_182 = arith.constant 0 : i32
      %dma_start3A_183 = tpu.memref_slice %arg13[%dma_start3A_181, %dma_start3A_182] : memref<10240x16xf32, #tpu.memory_space<vmem_shared>> -> memref<10240x16xf32, #tpu.memory_space<vmem_shared>>
      tpu.enqueue_indirect_dma source(%arg9 : memref<128x16xf32, #tpu.memory_space<vmem>>) target(%dma_start3A_183 : memref<10240x16xf32, #tpu.memory_space<vmem_shared>>) offsets(%dma_start3A_180 : memref<128xi32, #tpu.memory_space<vmem>>) semaphore(%arg20 : memref<!tpu.dma_semaphore, #tpu.memory_space<semaphore_mem>>) {add = true}
      %dma_wait3A_184 = arith.constant 0 : i32
      %dma_wait3A_185 = tpu.memref_slice %arg6[%add3A_135, %dma_wait3A_184] : memref<80x128xi32, #tpu.memory_space<vmem>> -> memref<1x128xi32, #tpu.memory_space<vmem>>
      %dma_wait3A_186 = tpu.memref_squeeze %dma_wait3A_185 : memref<1x128xi32, #tpu.memory_space<vmem>> -> memref<128xi32, #tpu.memory_space<vmem>>
      %dma_wait3A_187 = arith.constant 0 : i32
      %dma_wait3A_188 = arith.constant 0 : i32
      %dma_wait3A_189 = tpu.memref_slice %arg14[%dma_wait3A_187, %dma_wait3A_188] : memref<10240x16xf32, #tpu.memory_space<vmem_shared>> -> memref<10240x16xf32, #tpu.memory_space<vmem_shared>>
      tpu.wait_indirect_dma semaphore(%arg17 : memref<!tpu.dma_semaphore, #tpu.memory_space<semaphore_mem>>) src(%dma_wait3A_189 : memref<10240x16xf32, #tpu.memory_space<vmem_shared>>) dst(%arg10 : memref<128x16xf32, #tpu.memory_space<vmem>>)
      %mul3A_190 = arith.constant 4 : i32
      %mul3A_191 = arith.muli %mul3A_190, %scan3A_111 : i32
      %add3A_192 = arith.constant 2 : i32
      %add3A_193 = arith.addi %mul3A_191, %add3A_192 : i32
      %dma_start3A_194 = arith.constant 0 : i32
      %dma_start3A_195 = tpu.memref_slice %arg7[%add3A_193, %dma_start3A_194] : memref<80x128xi32, #tpu.memory_space<vmem>> -> memref<1x128xi32, #tpu.memory_space<vmem>>
      %dma_start3A_196 = tpu.memref_squeeze %dma_start3A_195 : memref<1x128xi32, #tpu.memory_space<vmem>> -> memref<128xi32, #tpu.memory_space<vmem>>
      %dma_start3A_197 = arith.constant 0 : i32
      %dma_start3A_198 = arith.constant 0 : i32
      %dma_start3A_199 = tpu.memref_slice %arg13[%dma_start3A_197, %dma_start3A_198] : memref<10240x16xf32, #tpu.memory_space<vmem_shared>> -> memref<10240x16xf32, #tpu.memory_space<vmem_shared>>
      tpu.enqueue_indirect_dma source(%arg10 : memref<128x16xf32, #tpu.memory_space<vmem>>) target(%dma_start3A_199 : memref<10240x16xf32, #tpu.memory_space<vmem_shared>>) offsets(%dma_start3A_196 : memref<128xi32, #tpu.memory_space<vmem>>) semaphore(%arg21 : memref<!tpu.dma_semaphore, #tpu.memory_space<semaphore_mem>>) {add = true}
      %dma_wait3A_200 = arith.constant 0 : i32
      %dma_wait3A_201 = tpu.memref_slice %arg6[%add3A_145, %dma_wait3A_200] : memref<80x128xi32, #tpu.memory_space<vmem>> -> memref<1x128xi32, #tpu.memory_space<vmem>>
      %dma_wait3A_202 = tpu.memref_squeeze %dma_wait3A_201 : memref<1x128xi32, #tpu.memory_space<vmem>> -> memref<128xi32, #tpu.memory_space<vmem>>
      %dma_wait3A_203 = arith.constant 0 : i32
      %dma_wait3A_204 = arith.constant 0 : i32
      %dma_wait3A_205 = tpu.memref_slice %arg14[%dma_wait3A_203, %dma_wait3A_204] : memref<10240x16xf32, #tpu.memory_space<vmem_shared>> -> memref<10240x16xf32, #tpu.memory_space<vmem_shared>>
      tpu.wait_indirect_dma semaphore(%arg18 : memref<!tpu.dma_semaphore, #tpu.memory_space<semaphore_mem>>) src(%dma_wait3A_205 : memref<10240x16xf32, #tpu.memory_space<vmem_shared>>) dst(%arg11 : memref<128x16xf32, #tpu.memory_space<vmem>>)
      %mul3A_206 = arith.constant 4 : i32
      %mul3A_207 = arith.muli %mul3A_206, %scan3A_111 : i32
      %add3A_208 = arith.constant 3 : i32
      %add3A_209 = arith.addi %mul3A_207, %add3A_208 : i32
      %dma_start3A_210 = arith.constant 0 : i32
      %dma_start3A_211 = tpu.memref_slice %arg7[%add3A_209, %dma_start3A_210] : memref<80x128xi32, #tpu.memory_space<vmem>> -> memref<1x128xi32, #tpu.memory_space<vmem>>
      %dma_start3A_212 = tpu.memref_squeeze %dma_start3A_211 : memref<1x128xi32, #tpu.memory_space<vmem>> -> memref<128xi32, #tpu.memory_space<vmem>>
      %dma_start3A_213 = arith.constant 0 : i32
      %dma_start3A_214 = arith.constant 0 : i32
      %dma_start3A_215 = tpu.memref_slice %arg13[%dma_start3A_213, %dma_start3A_214] : memref<10240x16xf32, #tpu.memory_space<vmem_shared>> -> memref<10240x16xf32, #tpu.memory_space<vmem_shared>>
      tpu.enqueue_indirect_dma source(%arg11 : memref<128x16xf32, #tpu.memory_space<vmem>>) target(%dma_start3A_215 : memref<10240x16xf32, #tpu.memory_space<vmem_shared>>) offsets(%dma_start3A_212 : memref<128xi32, #tpu.memory_space<vmem>>) semaphore(%arg22 : memref<!tpu.dma_semaphore, #tpu.memory_space<semaphore_mem>>) {add = true}
      %dma_wait3A_216 = arith.constant 0 : i32
      %dma_wait3A_217 = tpu.memref_slice %arg7[%add3A_161, %dma_wait3A_216] : memref<80x128xi32, #tpu.memory_space<vmem>> -> memref<1x128xi32, #tpu.memory_space<vmem>>
      %dma_wait3A_218 = tpu.memref_squeeze %dma_wait3A_217 : memref<1x128xi32, #tpu.memory_space<vmem>> -> memref<128xi32, #tpu.memory_space<vmem>>
      %dma_wait3A_219 = arith.constant 0 : i32
      %dma_wait3A_220 = arith.constant 0 : i32
      %dma_wait3A_221 = tpu.memref_slice %arg13[%dma_wait3A_219, %dma_wait3A_220] : memref<10240x16xf32, #tpu.memory_space<vmem_shared>> -> memref<10240x16xf32, #tpu.memory_space<vmem_shared>>
      tpu.wait_indirect_dma semaphore(%arg19 : memref<!tpu.dma_semaphore, #tpu.memory_space<semaphore_mem>>) src(%arg8 : memref<128x16xf32, #tpu.memory_space<vmem>>) dst(%dma_wait3A_221 : memref<10240x16xf32, #tpu.memory_space<vmem_shared>>)
      %dma_wait3A_222 = arith.constant 0 : i32
      %dma_wait3A_223 = tpu.memref_slice %arg7[%add3A_177, %dma_wait3A_222] : memref<80x128xi32, #tpu.memory_space<vmem>> -> memref<1x128xi32, #tpu.memory_space<vmem>>
      %dma_wait3A_224 = tpu.memref_squeeze %dma_wait3A_223 : memref<1x128xi32, #tpu.memory_space<vmem>> -> memref<128xi32, #tpu.memory_space<vmem>>
      %dma_wait3A_225 = arith.constant 0 : i32
      %dma_wait3A_226 = arith.constant 0 : i32
      %dma_wait3A_227 = tpu.memref_slice %arg13[%dma_wait3A_225, %dma_wait3A_226] : memref<10240x16xf32, #tpu.memory_space<vmem_shared>> -> memref<10240x16xf32, #tpu.memory_space<vmem_shared>>
      tpu.wait_indirect_dma semaphore(%arg20 : memref<!tpu.dma_semaphore, #tpu.memory_space<semaphore_mem>>) src(%arg9 : memref<128x16xf32, #tpu.memory_space<vmem>>) dst(%dma_wait3A_227 : memref<10240x16xf32, #tpu.memory_space<vmem_shared>>)
      %dma_wait3A_228 = arith.constant 0 : i32
      %dma_wait3A_229 = tpu.memref_slice %arg7[%add3A_193, %dma_wait3A_228] : memref<80x128xi32, #tpu.memory_space<vmem>> -> memref<1x128xi32, #tpu.memory_space<vmem>>
      %dma_wait3A_230 = tpu.memref_squeeze %dma_wait3A_229 : memref<1x128xi32, #tpu.memory_space<vmem>> -> memref<128xi32, #tpu.memory_space<vmem>>
      %dma_wait3A_231 = arith.constant 0 : i32
      %dma_wait3A_232 = arith.constant 0 : i32
      %dma_wait3A_233 = tpu.memref_slice %arg13[%dma_wait3A_231, %dma_wait3A_232] : memref<10240x16xf32, #tpu.memory_space<vmem_shared>> -> memref<10240x16xf32, #tpu.memory_space<vmem_shared>>
      tpu.wait_indirect_dma semaphore(%arg21 : memref<!tpu.dma_semaphore, #tpu.memory_space<semaphore_mem>>) src(%arg10 : memref<128x16xf32, #tpu.memory_space<vmem>>) dst(%dma_wait3A_233 : memref<10240x16xf32, #tpu.memory_space<vmem_shared>>)
      %dma_wait3A_234 = arith.constant 0 : i32
      %dma_wait3A_235 = tpu.memref_slice %arg7[%add3A_209, %dma_wait3A_234] : memref<80x128xi32, #tpu.memory_space<vmem>> -> memref<1x128xi32, #tpu.memory_space<vmem>>
      %dma_wait3A_236 = tpu.memref_squeeze %dma_wait3A_235 : memref<1x128xi32, #tpu.memory_space<vmem>> -> memref<128xi32, #tpu.memory_space<vmem>>
      %dma_wait3A_237 = arith.constant 0 : i32
      %dma_wait3A_238 = arith.constant 0 : i32
      %dma_wait3A_239 = tpu.memref_slice %arg13[%dma_wait3A_237, %dma_wait3A_238] : memref<10240x16xf32, #tpu.memory_space<vmem_shared>> -> memref<10240x16xf32, #tpu.memory_space<vmem_shared>>
      tpu.wait_indirect_dma semaphore(%arg22 : memref<!tpu.dma_semaphore, #tpu.memory_space<semaphore_mem>>) src(%arg11 : memref<128x16xf32, #tpu.memory_space<vmem>>) dst(%dma_wait3A_239 : memref<10240x16xf32, #tpu.memory_space<vmem_shared>>)
    }
    %scan3A_102 = arith.constant 20 : i32
    %barrier3A_103 = arith.constant 0 : index
    tpu.barrier barrier_id(%barrier3A_103)
    %mul3A_104 = arith.constant 640 : i32
    %mul3A_105 = arith.muli %arg1, %mul3A_104 : i32
    %mul3A_106 = arith.constant 10240 : i32
    %mul3A_107 = arith.muli %arg0, %mul3A_106 : i32
    %mul3A_108 = arith.constant 640 : i32
    %mul3A_109 = arith.muli %arg1, %mul3A_108 : i32
    %add3A_110 = arith.addi %mul3A_107, %mul3A_109 : i32
    "tpu.region"() ({
      %run_scoped3A = tpu.sem_alloc : memref<!tpu.dma_semaphore, #tpu.memory_space<semaphore_mem>>
      %dma_start3A_111 = arith.constant 0 : i32
      %dma_start3A_112 = tpu.memref_slice %arg5[%add3A_110, %dma_start3A_111] : memref<20480x16xf32, #tpu.memory_space<hbm>> -> memref<640x16xf32, #tpu.memory_space<hbm>>
      %dma_start3A_113 = arith.constant 0 : i32
      %dma_start3A_114 = tpu.memref_slice %arg13[%mul3A_105, %dma_start3A_113] : memref<10240x16xf32, #tpu.memory_space<vmem_shared>> -> memref<640x16xf32, #tpu.memory_space<vmem_shared>>
      tpu.enqueue_dma source(%dma_start3A_114 : memref<640x16xf32, #tpu.memory_space<vmem_shared>>) target(%dma_start3A_112 : memref<640x16xf32, #tpu.memory_space<hbm>>) target_semaphore(%run_scoped3A : memref<!tpu.dma_semaphore, #tpu.memory_space<semaphore_mem>>)
      %dma_wait3A_115 = arith.constant 0 : i32
      %dma_wait3A_116 = tpu.memref_slice %arg5[%add3A_110, %dma_wait3A_115] : memref<20480x16xf32, #tpu.memory_space<hbm>> -> memref<640x16xf32, #tpu.memory_space<hbm>>
      %dma_wait3A_117 = arith.constant 0 : i32
      %dma_wait3A_118 = tpu.memref_slice %arg13[%mul3A_105, %dma_wait3A_117] : memref<10240x16xf32, #tpu.memory_space<vmem_shared>> -> memref<640x16xf32, #tpu.memory_space<vmem_shared>>
      tpu.wait_dma2 semaphore(%run_scoped3A : memref<!tpu.dma_semaphore, #tpu.memory_space<semaphore_mem>>) src(%dma_wait3A_118 : memref<640x16xf32, #tpu.memory_space<vmem_shared>>) dst(%dma_wait3A_116 : memref<640x16xf32, #tpu.memory_space<hbm>>)
      tpu.yield
    }) : () -> ()
    return
  }
}

module attributes {stable_mosaic.version = 14 : i64} {
  func.func @_tc_pre(%arg0: memref<2560x128xf32, #tpu.memory_space<vmem>>, %arg1: memref<1250x8x128xf32, #tpu.memory_space<vmem>>, %arg2: memref<8x128x128xf32, #tpu.memory_space<vmem>>, %arg3: memref<1280x128xf32, #tpu.memory_space<vmem>>, %arg4: memref<1280x128xf32, #tpu.memory_space<vmem>>) attributes {dimension_semantics = [], scalar_prefetch = 0 : i64, scratch_operands = 0 : i64, tpu.core_type = #tpu.core_type<tc>} {
    %get3A = arith.constant 0 : index
    %get3A_0 = arith.constant 0 : index
    %get3A_1 = vector.load %arg0[%get3A, %get3A_0] : memref<2560x128xf32, #tpu.memory_space<vmem>>, vector<1280x128xf32>
    %get3A_2 = arith.constant 1280 : index
    %get3A_3 = arith.constant 0 : index
    %get3A_4 = vector.load %arg0[%get3A_2, %get3A_3] : memref<2560x128xf32, #tpu.memory_space<vmem>>, vector<1280x128xf32>
    %add3A = arith.addf %get3A_1, %get3A_4 : vector<1280x128xf32>
    %add3A_5 = arith.constant 1.000000e+00 : f32
    %add3A_6 = vector.broadcast %add3A_5 : f32 to vector<1280x128xf32>
    %add3A_7 = arith.addf %add3A, %add3A_6 : vector<1280x128xf32>
    %rsqrt3A = math.rsqrt %add3A_7 : vector<1280x128xf32>
    %swap3A = arith.constant 0 : index
    %swap3A_8 = arith.constant 0 : index
    %swap3A_9 = vector.load %arg3[%swap3A, %swap3A_8] : memref<1280x128xf32, #tpu.memory_space<vmem>>, vector<1280x128xf32>
    tpu.vector_store %arg3[%swap3A, %swap3A_8], %rsqrt3A {strides = array<i32>} : memref<1280x128xf32, #tpu.memory_space<vmem>>, vector<1280x128xf32>,
    %get3A_10 = arith.constant 0 : index
    %get3A_11 = arith.constant 0 : index
    %get3A_12 = arith.constant 0 : index
    %get3A_13 = vector.load %arg1[%get3A_10, %get3A_11, %get3A_12] : memref<1250x8x128xf32, #tpu.memory_space<vmem>>, vector<1250x1x128xf32>
    %get3A_14 = vector.shape_cast %get3A_13 : vector<1250x1x128xf32> to vector<1250x128xf32>
    %get3A_15 = arith.constant 0 : index
    %get3A_16 = arith.constant 0 : index
    %get3A_17 = arith.constant 0 : index
    %get3A_18 = vector.load %arg2[%get3A_15, %get3A_16, %get3A_17] : memref<8x128x128xf32, #tpu.memory_space<vmem>>, vector<1x128x128xf32>
    %get3A_19 = vector.shape_cast %get3A_18 : vector<1x128x128xf32> to vector<128x128xf32>
    %dot_general3A = arith.constant dense<0.000000e+00> : vector<1250x128xf32>
    %dot_general3A_20 = tpu.matmul %get3A_14, %get3A_19, %dot_general3A {dimension_numbers = #tpu.dot_dimension_numbers<[1], [0], [0], [1], [0, 0, 1, 1], [], []>, transpose_lhs_hint = false} : vector<1250x128xf32>, vector<128x128xf32>, vector<1250x128xf32> -> vector<1250x128xf32>
    %get3A_21 = arith.constant 0 : index
    %get3A_22 = arith.constant 1 : index
    %get3A_23 = arith.constant 0 : index
    %get3A_24 = vector.load %arg1[%get3A_21, %get3A_22, %get3A_23] : memref<1250x8x128xf32, #tpu.memory_space<vmem>>, vector<1250x1x128xf32>
    %get3A_25 = vector.shape_cast %get3A_24 : vector<1250x1x128xf32> to vector<1250x128xf32>
    %get3A_26 = arith.constant 1 : index
    %get3A_27 = arith.constant 0 : index
    %get3A_28 = arith.constant 0 : index
    %get3A_29 = vector.load %arg2[%get3A_26, %get3A_27, %get3A_28] : memref<8x128x128xf32, #tpu.memory_space<vmem>>, vector<1x128x128xf32>
    %get3A_30 = vector.shape_cast %get3A_29 : vector<1x128x128xf32> to vector<128x128xf32>
    %dot_general3A_31 = arith.constant dense<0.000000e+00> : vector<1250x128xf32>
    %dot_general3A_32 = tpu.matmul %get3A_25, %get3A_30, %dot_general3A_31 {dimension_numbers = #tpu.dot_dimension_numbers<[1], [0], [0], [1], [0, 0, 1, 1], [], []>, transpose_lhs_hint = false} : vector<1250x128xf32>, vector<128x128xf32>, vector<1250x128xf32> -> vector<1250x128xf32>
    %add3A_33 = arith.addf %dot_general3A_20, %dot_general3A_32 : vector<1250x128xf32>
    %get3A_34 = arith.constant 0 : index
    %get3A_35 = arith.constant 2 : index
    %get3A_36 = arith.constant 0 : index
    %get3A_37 = vector.load %arg1[%get3A_34, %get3A_35, %get3A_36] : memref<1250x8x128xf32, #tpu.memory_space<vmem>>, vector<1250x1x128xf32>
    %get3A_38 = vector.shape_cast %get3A_37 : vector<1250x1x128xf32> to vector<1250x128xf32>
    %get3A_39 = arith.constant 2 : index
    %get3A_40 = arith.constant 0 : index
    %get3A_41 = arith.constant 0 : index
    %get3A_42 = vector.load %arg2[%get3A_39, %get3A_40, %get3A_41] : memref<8x128x128xf32, #tpu.memory_space<vmem>>, vector<1x128x128xf32>
    %get3A_43 = vector.shape_cast %get3A_42 : vector<1x128x128xf32> to vector<128x128xf32>
    %dot_general3A_44 = arith.constant dense<0.000000e+00> : vector<1250x128xf32>
    %dot_general3A_45 = tpu.matmul %get3A_38, %get3A_43, %dot_general3A_44 {dimension_numbers = #tpu.dot_dimension_numbers<[1], [0], [0], [1], [0, 0, 1, 1], [], []>, transpose_lhs_hint = false} : vector<1250x128xf32>, vector<128x128xf32>, vector<1250x128xf32> -> vector<1250x128xf32>
    %add3A_46 = arith.addf %add3A_33, %dot_general3A_45 : vector<1250x128xf32>
    %get3A_47 = arith.constant 0 : index
    %get3A_48 = arith.constant 3 : index
    %get3A_49 = arith.constant 0 : index
    %get3A_50 = vector.load %arg1[%get3A_47, %get3A_48, %get3A_49] : memref<1250x8x128xf32, #tpu.memory_space<vmem>>, vector<1250x1x128xf32>
    %get3A_51 = vector.shape_cast %get3A_50 : vector<1250x1x128xf32> to vector<1250x128xf32>
    %get3A_52 = arith.constant 3 : index
    %get3A_53 = arith.constant 0 : index
    %get3A_54 = arith.constant 0 : index
    %get3A_55 = vector.load %arg2[%get3A_52, %get3A_53, %get3A_54] : memref<8x128x128xf32, #tpu.memory_space<vmem>>, vector<1x128x128xf32>
    %get3A_56 = vector.shape_cast %get3A_55 : vector<1x128x128xf32> to vector<128x128xf32>
    %dot_general3A_57 = arith.constant dense<0.000000e+00> : vector<1250x128xf32>
    %dot_general3A_58 = tpu.matmul %get3A_51, %get3A_56, %dot_general3A_57 {dimension_numbers = #tpu.dot_dimension_numbers<[1], [0], [0], [1], [0, 0, 1, 1], [], []>, transpose_lhs_hint = false} : vector<1250x128xf32>, vector<128x128xf32>, vector<1250x128xf32> -> vector<1250x128xf32>
    %add3A_59 = arith.addf %add3A_46, %dot_general3A_58 : vector<1250x128xf32>
    %get3A_60 = arith.constant 0 : index
    %get3A_61 = arith.constant 4 : index
    %get3A_62 = arith.constant 0 : index
    %get3A_63 = vector.load %arg1[%get3A_60, %get3A_61, %get3A_62] : memref<1250x8x128xf32, #tpu.memory_space<vmem>>, vector<1250x1x128xf32>
    %get3A_64 = vector.shape_cast %get3A_63 : vector<1250x1x128xf32> to vector<1250x128xf32>
    %get3A_65 = arith.constant 4 : index
    %get3A_66 = arith.constant 0 : index
    %get3A_67 = arith.constant 0 : index
    %get3A_68 = vector.load %arg2[%get3A_65, %get3A_66, %get3A_67] : memref<8x128x128xf32, #tpu.memory_space<vmem>>, vector<1x128x128xf32>
    %get3A_69 = vector.shape_cast %get3A_68 : vector<1x128x128xf32> to vector<128x128xf32>
    %dot_general3A_70 = arith.constant dense<0.000000e+00> : vector<1250x128xf32>
    %dot_general3A_71 = tpu.matmul %get3A_64, %get3A_69, %dot_general3A_70 {dimension_numbers = #tpu.dot_dimension_numbers<[1], [0], [0], [1], [0, 0, 1, 1], [], []>, transpose_lhs_hint = false} : vector<1250x128xf32>, vector<128x128xf32>, vector<1250x128xf32> -> vector<1250x128xf32>
    %add3A_72 = arith.addf %add3A_59, %dot_general3A_71 : vector<1250x128xf32>
    %get3A_73 = arith.constant 0 : index
    %get3A_74 = arith.constant 5 : index
    %get3A_75 = arith.constant 0 : index
    %get3A_76 = vector.load %arg1[%get3A_73, %get3A_74, %get3A_75] : memref<1250x8x128xf32, #tpu.memory_space<vmem>>, vector<1250x1x128xf32>
    %get3A_77 = vector.shape_cast %get3A_76 : vector<1250x1x128xf32> to vector<1250x128xf32>
    %get3A_78 = arith.constant 5 : index
    %get3A_79 = arith.constant 0 : index
    %get3A_80 = arith.constant 0 : index
    %get3A_81 = vector.load %arg2[%get3A_78, %get3A_79, %get3A_80] : memref<8x128x128xf32, #tpu.memory_space<vmem>>, vector<1x128x128xf32>
    %get3A_82 = vector.shape_cast %get3A_81 : vector<1x128x128xf32> to vector<128x128xf32>
    %dot_general3A_83 = arith.constant dense<0.000000e+00> : vector<1250x128xf32>
    %dot_general3A_84 = tpu.matmul %get3A_77, %get3A_82, %dot_general3A_83 {dimension_numbers = #tpu.dot_dimension_numbers<[1], [0], [0], [1], [0, 0, 1, 1], [], []>, transpose_lhs_hint = false} : vector<1250x128xf32>, vector<128x128xf32>, vector<1250x128xf32> -> vector<1250x128xf32>
    %add3A_85 = arith.addf %add3A_72, %dot_general3A_84 : vector<1250x128xf32>
    %get3A_86 = arith.constant 0 : index
    %get3A_87 = arith.constant 6 : index
    %get3A_88 = arith.constant 0 : index
    %get3A_89 = vector.load %arg1[%get3A_86, %get3A_87, %get3A_88] : memref<1250x8x128xf32, #tpu.memory_space<vmem>>, vector<1250x1x128xf32>
    %get3A_90 = vector.shape_cast %get3A_89 : vector<1250x1x128xf32> to vector<1250x128xf32>
    %get3A_91 = arith.constant 6 : index
    %get3A_92 = arith.constant 0 : index
    %get3A_93 = arith.constant 0 : index
    %get3A_94 = vector.load %arg2[%get3A_91, %get3A_92, %get3A_93] : memref<8x128x128xf32, #tpu.memory_space<vmem>>, vector<1x128x128xf32>
    %get3A_95 = vector.shape_cast %get3A_94 : vector<1x128x128xf32> to vector<128x128xf32>
    %dot_general3A_96 = arith.constant dense<0.000000e+00> : vector<1250x128xf32>
    %dot_general3A_97 = tpu.matmul %get3A_90, %get3A_95, %dot_general3A_96 {dimension_numbers = #tpu.dot_dimension_numbers<[1], [0], [0], [1], [0, 0, 1, 1], [], []>, transpose_lhs_hint = false} : vector<1250x128xf32>, vector<128x128xf32>, vector<1250x128xf32> -> vector<1250x128xf32>
    %add3A_98 = arith.addf %add3A_85, %dot_general3A_97 : vector<1250x128xf32>
    %get3A_99 = arith.constant 0 : index
    %get3A_100 = arith.constant 7 : index
    %get3A_101 = arith.constant 0 : index
    %get3A_102 = vector.load %arg1[%get3A_99, %get3A_100, %get3A_101] : memref<1250x8x128xf32, #tpu.memory_space<vmem>>, vector<1250x1x128xf32>
    %get3A_103 = vector.shape_cast %get3A_102 : vector<1250x1x128xf32> to vector<1250x128xf32>
    %get3A_104 = arith.constant 7 : index
    %get3A_105 = arith.constant 0 : index
    %get3A_106 = arith.constant 0 : index
    %get3A_107 = vector.load %arg2[%get3A_104, %get3A_105, %get3A_106] : memref<8x128x128xf32, #tpu.memory_space<vmem>>, vector<1x128x128xf32>
    %get3A_108 = vector.shape_cast %get3A_107 : vector<1x128x128xf32> to vector<128x128xf32>
    %dot_general3A_109 = arith.constant dense<0.000000e+00> : vector<1250x128xf32>
    %dot_general3A_110 = tpu.matmul %get3A_103, %get3A_108, %dot_general3A_109 {dimension_numbers = #tpu.dot_dimension_numbers<[1], [0], [0], [1], [0, 0, 1, 1], [], []>, transpose_lhs_hint = false} : vector<1250x128xf32>, vector<128x128xf32>, vector<1250x128xf32> -> vector<1250x128xf32>
    %add3A_111 = arith.addf %add3A_98, %dot_general3A_110 : vector<1250x128xf32>
    %slice3A = vector.extract_strided_slice %rsqrt3A {offsets = [0, 0], sizes = [1250, 128], strides = [1, 1]} : vector<1280x128xf32> to vector<1250x128xf32>
    %mul3A = arith.mulf %slice3A, %add3A_111 : vector<1250x128xf32>
    %swap3A_112 = arith.constant 0 : index
    %swap3A_113 = arith.constant 0 : index
    %swap3A_114 = vector.load %arg4[%swap3A_112, %swap3A_113] : memref<1280x128xf32, #tpu.memory_space<vmem>>, vector<1250x128xf32>
    tpu.vector_store %arg4[%swap3A_112, %swap3A_113], %mul3A {strides = array<i32>} : memref<1280x128xf32, #tpu.memory_space<vmem>>, vector<1250x128xf32>,
    %broadcast_in_dim3A = arith.constant 0.000000e+00 : f32
    %broadcast_in_dim3A_115 = vector.broadcast %broadcast_in_dim3A : f32 to vector<30x128xf32>
    %swap3A_116 = arith.constant 1250 : index
    %swap3A_117 = arith.constant 0 : index
    %swap3A_118 = vector.load %arg4[%swap3A_116, %swap3A_117] : memref<1280x128xf32, #tpu.memory_space<vmem>>, vector<30x128xf32>
    tpu.vector_store %arg4[%swap3A_116, %swap3A_117], %broadcast_in_dim3A_115 {strides = array<i32>} : memref<1280x128xf32, #tpu.memory_space<vmem>>, vector<30x128xf32>,
    return
  }
}

module attributes {stable_mosaic.version = 14 : i64} {
  func.func @_tc_mid(%arg0: memref<2560x128xf32, #tpu.memory_space<vmem>>, %arg1: memref<1280x128xf32, #tpu.memory_space<vmem>>, %arg2: memref<1280x128xf32, #tpu.memory_space<vmem>>, %arg3: memref<1x128xf32, #tpu.memory_space<vmem>>, %arg4: memref<1280x128xf32, #tpu.memory_space<vmem>>) attributes {dimension_semantics = [], scalar_prefetch = 0 : i64, scratch_operands = 0 : i64, tpu.core_type = #tpu.core_type<tc>} {
    %get3A = arith.constant 0 : index
    %get3A_0 = arith.constant 0 : index
    %get3A_1 = vector.load %arg2[%get3A, %get3A_0] : memref<1280x128xf32, #tpu.memory_space<vmem>>, vector<1280x128xf32>
    %get3A_2 = arith.constant 0 : index
    %get3A_3 = arith.constant 0 : index
    %get3A_4 = vector.load %arg0[%get3A_2, %get3A_3] : memref<2560x128xf32, #tpu.memory_space<vmem>>, vector<1280x128xf32>
    %get3A_5 = arith.constant 1280 : index
    %get3A_6 = arith.constant 0 : index
    %get3A_7 = vector.load %arg0[%get3A_5, %get3A_6] : memref<2560x128xf32, #tpu.memory_space<vmem>>, vector<1280x128xf32>
    %add3A = arith.addf %get3A_4, %get3A_7 : vector<1280x128xf32>
    %get3A_8 = arith.constant 0 : index
    %get3A_9 = arith.constant 0 : index
    %get3A_10 = vector.load %arg1[%get3A_8, %get3A_9] : memref<1280x128xf32, #tpu.memory_space<vmem>>, vector<1280x128xf32>
    %add3A_11 = arith.addf %add3A, %get3A_10 : vector<1280x128xf32>
    %mul3A = arith.mulf %get3A_1, %add3A_11 : vector<1280x128xf32>
    %get3A_12 = arith.constant 0 : index
    %get3A_13 = arith.constant 0 : index
    %get3A_14 = vector.load %arg3[%get3A_12, %get3A_13] : memref<1x128xf32, #tpu.memory_space<vmem>>, vector<1x128xf32>
    %add3A_15 = vector.broadcast %get3A_14 : vector<1x128xf32> to vector<1280x128xf32>
    %add3A_16 = arith.addf %mul3A, %add3A_15 : vector<1280x128xf32>
    %max3A = arith.constant 0.000000e+00 : f32
    %max3A_17 = vector.broadcast %max3A : f32 to vector<1280x128xf32>
    %max3A_18 = arith.maximumf %add3A_16, %max3A_17 : vector<1280x128xf32>
    %mul3A_19 = arith.mulf %get3A_1, %max3A_18 : vector<1280x128xf32>
    %swap3A = arith.constant 0 : index
    %swap3A_20 = arith.constant 0 : index
    %swap3A_21 = vector.load %arg4[%swap3A, %swap3A_20] : memref<1280x128xf32, #tpu.memory_space<vmem>>, vector<1280x128xf32>
    tpu.vector_store %arg4[%swap3A, %swap3A_20], %mul3A_19 {strides = array<i32>} : memref<1280x128xf32, #tpu.memory_space<vmem>>, vector<1280x128xf32>,
    return
  }
}

module attributes {stable_mosaic.version = 14 : i64} {
  func.func @_tc_final(%arg0: memref<2560x128xf32, #tpu.memory_space<vmem>>, %arg1: memref<1280x128xf32, #tpu.memory_space<vmem>>, %arg2: memref<1280x128xf32, #tpu.memory_space<vmem>>, %arg3: memref<8x128x128xf32, #tpu.memory_space<vmem>>, %arg4: memref<1x128xf32, #tpu.memory_space<vmem>>, %arg5: memref<1250x8x128xf32, #tpu.memory_space<vmem>>) attributes {dimension_semantics = [], scalar_prefetch = 0 : i64, scratch_operands = 0 : i64, tpu.core_type = #tpu.core_type<tc>} {
    %get3A = arith.constant 0 : index
    %get3A_0 = arith.constant 0 : index
    %get3A_1 = vector.load %arg2[%get3A, %get3A_0] : memref<1280x128xf32, #tpu.memory_space<vmem>>, vector<1280x128xf32>
    %get3A_2 = arith.constant 0 : index
    %get3A_3 = arith.constant 0 : index
    %get3A_4 = vector.load %arg0[%get3A_2, %get3A_3] : memref<2560x128xf32, #tpu.memory_space<vmem>>, vector<1280x128xf32>
    %get3A_5 = arith.constant 1280 : index
    %get3A_6 = arith.constant 0 : index
    %get3A_7 = vector.load %arg0[%get3A_5, %get3A_6] : memref<2560x128xf32, #tpu.memory_space<vmem>>, vector<1280x128xf32>
    %add3A = arith.addf %get3A_4, %get3A_7 : vector<1280x128xf32>
    %get3A_8 = arith.constant 0 : index
    %get3A_9 = arith.constant 0 : index
    %get3A_10 = vector.load %arg1[%get3A_8, %get3A_9] : memref<1280x128xf32, #tpu.memory_space<vmem>>, vector<1280x128xf32>
    %add3A_11 = arith.addf %add3A, %get3A_10 : vector<1280x128xf32>
    %mul3A = arith.mulf %get3A_1, %add3A_11 : vector<1280x128xf32>
    %slice3A = vector.extract_strided_slice %mul3A {offsets = [0, 0], sizes = [1250, 128], strides = [1, 1]} : vector<1280x128xf32> to vector<1250x128xf32>
    %get3A_12 = arith.constant 0 : index
    %get3A_13 = arith.constant 0 : index
    %get3A_14 = arith.constant 0 : index
    %get3A_15 = vector.load %arg3[%get3A_12, %get3A_13, %get3A_14] : memref<8x128x128xf32, #tpu.memory_space<vmem>>, vector<1x128x128xf32>
    %get3A_16 = vector.shape_cast %get3A_15 : vector<1x128x128xf32> to vector<128x128xf32>
    %dot_general3A = arith.constant dense<0.000000e+00> : vector<1250x128xf32>
    %dot_general3A_17 = tpu.matmul %slice3A, %get3A_16, %dot_general3A {dimension_numbers = #tpu.dot_dimension_numbers<[1], [0], [0], [1], [0, 0, 1, 1], [], []>, transpose_lhs_hint = false} : vector<1250x128xf32>, vector<128x128xf32>, vector<1250x128xf32> -> vector<1250x128xf32>
    %get3A_18 = arith.constant 0 : index
    %get3A_19 = arith.constant 0 : index
    %get3A_20 = vector.load %arg4[%get3A_18, %get3A_19] : memref<1x128xf32, #tpu.memory_space<vmem>>, vector<1x128xf32>
    %add3A_21 = vector.broadcast %get3A_20 : vector<1x128xf32> to vector<1250x128xf32>
    %add3A_22 = arith.addf %dot_general3A_17, %add3A_21 : vector<1250x128xf32>
    %reduce_max3A = arith.constant dense<0xFF800000> : vector<1250xf32>
    %reduce_max3A_23 = vector.multi_reduction <maximumf>, %add3A_22, %reduce_max3A [1] : vector<1250x128xf32> to vector<1250xf32>
    %broadcast_in_dim3A = vector.shape_cast %reduce_max3A_23 : vector<1250xf32> to vector<1250x1xf32>
    %sub3A = vector.broadcast %broadcast_in_dim3A : vector<1250x1xf32> to vector<1250x128xf32>
    %sub3A_24 = arith.subf %add3A_22, %sub3A : vector<1250x128xf32>
    %exp3A = math.exp %sub3A_24 : vector<1250x128xf32>
    %reduce_sum3A = arith.constant dense<0.000000e+00> : vector<1250xf32>
    %reduce_sum3A_25 = vector.multi_reduction <add>, %exp3A, %reduce_sum3A [1] : vector<1250x128xf32> to vector<1250xf32>
    %broadcast_in_dim3A_26 = vector.shape_cast %reduce_sum3A_25 : vector<1250xf32> to vector<1250x1xf32>
    %log3A = math.log %broadcast_in_dim3A_26 : vector<1250x1xf32>
    %add3A_27 = arith.addf %broadcast_in_dim3A, %log3A : vector<1250x1xf32>
    %sub3A_28 = vector.broadcast %add3A_27 : vector<1250x1xf32> to vector<1250x128xf32>
    %sub3A_29 = arith.subf %add3A_22, %sub3A_28 : vector<1250x128xf32>
    %swap3A = arith.constant 0 : index
    %swap3A_30 = arith.constant 0 : index
    %swap3A_31 = arith.constant 0 : index
    %swap3A_32 = vector.load %arg5[%swap3A, %swap3A_30, %swap3A_31] : memref<1250x8x128xf32, #tpu.memory_space<vmem>>, vector<1250x1x128xf32>
    %swap3A_33 = vector.shape_cast %swap3A_32 : vector<1250x1x128xf32> to vector<1250x128xf32>
    %swap3A_34 = vector.shape_cast %sub3A_29 : vector<1250x128xf32> to vector<1250x1x128xf32>
    tpu.vector_store %arg5[%swap3A, %swap3A_30, %swap3A_31], %swap3A_34 {strides = array<i32>} : memref<1250x8x128xf32, #tpu.memory_space<vmem>>, vector<1250x1x128xf32>,
    %get3A_35 = arith.constant 1 : index
    %get3A_36 = arith.constant 0 : index
    %get3A_37 = arith.constant 0 : index
    %get3A_38 = vector.load %arg3[%get3A_35, %get3A_36, %get3A_37] : memref<8x128x128xf32, #tpu.memory_space<vmem>>, vector<1x128x128xf32>
    %get3A_39 = vector.shape_cast %get3A_38 : vector<1x128x128xf32> to vector<128x128xf32>
    %dot_general3A_40 = arith.constant dense<0.000000e+00> : vector<1250x128xf32>
    %dot_general3A_41 = tpu.matmul %slice3A, %get3A_39, %dot_general3A_40 {dimension_numbers = #tpu.dot_dimension_numbers<[1], [0], [0], [1], [0, 0, 1, 1], [], []>, transpose_lhs_hint = false} : vector<1250x128xf32>, vector<128x128xf32>, vector<1250x128xf32> -> vector<1250x128xf32>
    %get3A_42 = arith.constant 0 : index
    %get3A_43 = arith.constant 0 : index
    %get3A_44 = vector.load %arg4[%get3A_42, %get3A_43] : memref<1x128xf32, #tpu.memory_space<vmem>>, vector<1x128xf32>
    %add3A_45 = vector.broadcast %get3A_44 : vector<1x128xf32> to vector<1250x128xf32>
    %add3A_46 = arith.addf %dot_general3A_41, %add3A_45 : vector<1250x128xf32>
    %reduce_max3A_47 = arith.constant dense<0xFF800000> : vector<1250xf32>
    %reduce_max3A_48 = vector.multi_reduction <maximumf>, %add3A_46, %reduce_max3A_47 [1] : vector<1250x128xf32> to vector<1250xf32>
    %broadcast_in_dim3A_49 = vector.shape_cast %reduce_max3A_48 : vector<1250xf32> to vector<1250x1xf32>
    %sub3A_50 = vector.broadcast %broadcast_in_dim3A_49 : vector<1250x1xf32> to vector<1250x128xf32>
    %sub3A_51 = arith.subf %add3A_46, %sub3A_50 : vector<1250x128xf32>
    %exp3A_52 = math.exp %sub3A_51 : vector<1250x128xf32>
    %reduce_sum3A_53 = arith.constant dense<0.000000e+00> : vector<1250xf32>
    %reduce_sum3A_54 = vector.multi_reduction <add>, %exp3A_52, %reduce_sum3A_53 [1] : vector<1250x128xf32> to vector<1250xf32>
    %broadcast_in_dim3A_55 = vector.shape_cast %reduce_sum3A_54 : vector<1250xf32> to vector<1250x1xf32>
    %log3A_56 = math.log %broadcast_in_dim3A_55 : vector<1250x1xf32>
    %add3A_57 = arith.addf %broadcast_in_dim3A_49, %log3A_56 : vector<1250x1xf32>
    %sub3A_58 = vector.broadcast %add3A_57 : vector<1250x1xf32> to vector<1250x128xf32>
    %sub3A_59 = arith.subf %add3A_46, %sub3A_58 : vector<1250x128xf32>
    %swap3A_60 = arith.constant 0 : index
    %swap3A_61 = arith.constant 1 : index
    %swap3A_62 = arith.constant 0 : index
    %swap3A_63 = vector.load %arg5[%swap3A_60, %swap3A_61, %swap3A_62] : memref<1250x8x128xf32, #tpu.memory_space<vmem>>, vector<1250x1x128xf32>
    %swap3A_64 = vector.shape_cast %swap3A_63 : vector<1250x1x128xf32> to vector<1250x128xf32>
    %swap3A_65 = vector.shape_cast %sub3A_59 : vector<1250x128xf32> to vector<1250x1x128xf32>
    tpu.vector_store %arg5[%swap3A_60, %swap3A_61, %swap3A_62], %swap3A_65 {strides = array<i32>} : memref<1250x8x128xf32, #tpu.memory_space<vmem>>, vector<1250x1x128xf32>,
    %get3A_66 = arith.constant 2 : index
    %get3A_67 = arith.constant 0 : index
    %get3A_68 = arith.constant 0 : index
    %get3A_69 = vector.load %arg3[%get3A_66, %get3A_67, %get3A_68] : memref<8x128x128xf32, #tpu.memory_space<vmem>>, vector<1x128x128xf32>
    %get3A_70 = vector.shape_cast %get3A_69 : vector<1x128x128xf32> to vector<128x128xf32>
    %dot_general3A_71 = arith.constant dense<0.000000e+00> : vector<1250x128xf32>
    %dot_general3A_72 = tpu.matmul %slice3A, %get3A_70, %dot_general3A_71 {dimension_numbers = #tpu.dot_dimension_numbers<[1], [0], [0], [1], [0, 0, 1, 1], [], []>, transpose_lhs_hint = false} : vector<1250x128xf32>, vector<128x128xf32>, vector<1250x128xf32> -> vector<1250x128xf32>
    %get3A_73 = arith.constant 0 : index
    %get3A_74 = arith.constant 0 : index
    %get3A_75 = vector.load %arg4[%get3A_73, %get3A_74] : memref<1x128xf32, #tpu.memory_space<vmem>>, vector<1x128xf32>
    %add3A_76 = vector.broadcast %get3A_75 : vector<1x128xf32> to vector<1250x128xf32>
    %add3A_77 = arith.addf %dot_general3A_72, %add3A_76 : vector<1250x128xf32>
    %reduce_max3A_78 = arith.constant dense<0xFF800000> : vector<1250xf32>
    %reduce_max3A_79 = vector.multi_reduction <maximumf>, %add3A_77, %reduce_max3A_78 [1] : vector<1250x128xf32> to vector<1250xf32>
    %broadcast_in_dim3A_80 = vector.shape_cast %reduce_max3A_79 : vector<1250xf32> to vector<1250x1xf32>
    %sub3A_81 = vector.broadcast %broadcast_in_dim3A_80 : vector<1250x1xf32> to vector<1250x128xf32>
    %sub3A_82 = arith.subf %add3A_77, %sub3A_81 : vector<1250x128xf32>
    %exp3A_83 = math.exp %sub3A_82 : vector<1250x128xf32>
    %reduce_sum3A_84 = arith.constant dense<0.000000e+00> : vector<1250xf32>
    %reduce_sum3A_85 = vector.multi_reduction <add>, %exp3A_83, %reduce_sum3A_84 [1] : vector<1250x128xf32> to vector<1250xf32>
    %broadcast_in_dim3A_86 = vector.shape_cast %reduce_sum3A_85 : vector<1250xf32> to vector<1250x1xf32>
    %log3A_87 = math.log %broadcast_in_dim3A_86 : vector<1250x1xf32>
    %add3A_88 = arith.addf %broadcast_in_dim3A_80, %log3A_87 : vector<1250x1xf32>
    %sub3A_89 = vector.broadcast %add3A_88 : vector<1250x1xf32> to vector<1250x128xf32>
    %sub3A_90 = arith.subf %add3A_77, %sub3A_89 : vector<1250x128xf32>
    %swap3A_91 = arith.constant 0 : index
    %swap3A_92 = arith.constant 2 : index
    %swap3A_93 = arith.constant 0 : index
    %swap3A_94 = vector.load %arg5[%swap3A_91, %swap3A_92, %swap3A_93] : memref<1250x8x128xf32, #tpu.memory_space<vmem>>, vector<1250x1x128xf32>
    %swap3A_95 = vector.shape_cast %swap3A_94 : vector<1250x1x128xf32> to vector<1250x128xf32>
    %swap3A_96 = vector.shape_cast %sub3A_90 : vector<1250x128xf32> to vector<1250x1x128xf32>
    tpu.vector_store %arg5[%swap3A_91, %swap3A_92, %swap3A_93], %swap3A_96 {strides = array<i32>} : memref<1250x8x128xf32, #tpu.memory_space<vmem>>, vector<1250x1x128xf32>,
    %get3A_97 = arith.constant 3 : index
    %get3A_98 = arith.constant 0 : index
    %get3A_99 = arith.constant 0 : index
    %get3A_100 = vector.load %arg3[%get3A_97, %get3A_98, %get3A_99] : memref<8x128x128xf32, #tpu.memory_space<vmem>>, vector<1x128x128xf32>
    %get3A_101 = vector.shape_cast %get3A_100 : vector<1x128x128xf32> to vector<128x128xf32>
    %dot_general3A_102 = arith.constant dense<0.000000e+00> : vector<1250x128xf32>
    %dot_general3A_103 = tpu.matmul %slice3A, %get3A_101, %dot_general3A_102 {dimension_numbers = #tpu.dot_dimension_numbers<[1], [0], [0], [1], [0, 0, 1, 1], [], []>, transpose_lhs_hint = false} : vector<1250x128xf32>, vector<128x128xf32>, vector<1250x128xf32> -> vector<1250x128xf32>
    %get3A_104 = arith.constant 0 : index
    %get3A_105 = arith.constant 0 : index
    %get3A_106 = vector.load %arg4[%get3A_104, %get3A_105] : memref<1x128xf32, #tpu.memory_space<vmem>>, vector<1x128xf32>
    %add3A_107 = vector.broadcast %get3A_106 : vector<1x128xf32> to vector<1250x128xf32>
    %add3A_108 = arith.addf %dot_general3A_103, %add3A_107 : vector<1250x128xf32>
    %reduce_max3A_109 = arith.constant dense<0xFF800000> : vector<1250xf32>
    %reduce_max3A_110 = vector.multi_reduction <maximumf>, %add3A_108, %reduce_max3A_109 [1] : vector<1250x128xf32> to vector<1250xf32>
    %broadcast_in_dim3A_111 = vector.shape_cast %reduce_max3A_110 : vector<1250xf32> to vector<1250x1xf32>
    %sub3A_112 = vector.broadcast %broadcast_in_dim3A_111 : vector<1250x1xf32> to vector<1250x128xf32>
    %sub3A_113 = arith.subf %add3A_108, %sub3A_112 : vector<1250x128xf32>
    %exp3A_114 = math.exp %sub3A_113 : vector<1250x128xf32>
    %reduce_sum3A_115 = arith.constant dense<0.000000e+00> : vector<1250xf32>
    %reduce_sum3A_116 = vector.multi_reduction <add>, %exp3A_114, %reduce_sum3A_115 [1] : vector<1250x128xf32> to vector<1250xf32>
    %broadcast_in_dim3A_117 = vector.shape_cast %reduce_sum3A_116 : vector<1250xf32> to vector<1250x1xf32>
    %log3A_118 = math.log %broadcast_in_dim3A_117 : vector<1250x1xf32>
    %add3A_119 = arith.addf %broadcast_in_dim3A_111, %log3A_118 : vector<1250x1xf32>
    %sub3A_120 = vector.broadcast %add3A_119 : vector<1250x1xf32> to vector<1250x128xf32>
    %sub3A_121 = arith.subf %add3A_108, %sub3A_120 : vector<1250x128xf32>
    %swap3A_122 = arith.constant 0 : index
    %swap3A_123 = arith.constant 3 : index
    %swap3A_124 = arith.constant 0 : index
    %swap3A_125 = vector.load %arg5[%swap3A_122, %swap3A_123, %swap3A_124] : memref<1250x8x128xf32, #tpu.memory_space<vmem>>, vector<1250x1x128xf32>
    %swap3A_126 = vector.shape_cast %swap3A_125 : vector<1250x1x128xf32> to vector<1250x128xf32>
    %swap3A_127 = vector.shape_cast %sub3A_121 : vector<1250x128xf32> to vector<1250x1x128xf32>
    tpu.vector_store %arg5[%swap3A_122, %swap3A_123, %swap3A_124], %swap3A_127 {strides = array<i32>} : memref<1250x8x128xf32, #tpu.memory_space<vmem>>, vector<1250x1x128xf32>,
    %get3A_128 = arith.constant 4 : index
    %get3A_129 = arith.constant 0 : index
    %get3A_130 = arith.constant 0 : index
    %get3A_131 = vector.load %arg3[%get3A_128, %get3A_129, %get3A_130] : memref<8x128x128xf32, #tpu.memory_space<vmem>>, vector<1x128x128xf32>
    %get3A_132 = vector.shape_cast %get3A_131 : vector<1x128x128xf32> to vector<128x128xf32>
    %dot_general3A_133 = arith.constant dense<0.000000e+00> : vector<1250x128xf32>
    %dot_general3A_134 = tpu.matmul %slice3A, %get3A_132, %dot_general3A_133 {dimension_numbers = #tpu.dot_dimension_numbers<[1], [0], [0], [1], [0, 0, 1, 1], [], []>, transpose_lhs_hint = false} : vector<1250x128xf32>, vector<128x128xf32>, vector<1250x128xf32> -> vector<1250x128xf32>
    %get3A_135 = arith.constant 0 : index
    %get3A_136 = arith.constant 0 : index
    %get3A_137 = vector.load %arg4[%get3A_135, %get3A_136] : memref<1x128xf32, #tpu.memory_space<vmem>>, vector<1x128xf32>
    %add3A_138 = vector.broadcast %get3A_137 : vector<1x128xf32> to vector<1250x128xf32>
    %add3A_139 = arith.addf %dot_general3A_134, %add3A_138 : vector<1250x128xf32>
    %reduce_max3A_140 = arith.constant dense<0xFF800000> : vector<1250xf32>
    %reduce_max3A_141 = vector.multi_reduction <maximumf>, %add3A_139, %reduce_max3A_140 [1] : vector<1250x128xf32> to vector<1250xf32>
    %broadcast_in_dim3A_142 = vector.shape_cast %reduce_max3A_141 : vector<1250xf32> to vector<1250x1xf32>
    %sub3A_143 = vector.broadcast %broadcast_in_dim3A_142 : vector<1250x1xf32> to vector<1250x128xf32>
    %sub3A_144 = arith.subf %add3A_139, %sub3A_143 : vector<1250x128xf32>
    %exp3A_145 = math.exp %sub3A_144 : vector<1250x128xf32>
    %reduce_sum3A_146 = arith.constant dense<0.000000e+00> : vector<1250xf32>
    %reduce_sum3A_147 = vector.multi_reduction <add>, %exp3A_145, %reduce_sum3A_146 [1] : vector<1250x128xf32> to vector<1250xf32>
    %broadcast_in_dim3A_148 = vector.shape_cast %reduce_sum3A_147 : vector<1250xf32> to vector<1250x1xf32>
    %log3A_149 = math.log %broadcast_in_dim3A_148 : vector<1250x1xf32>
    %add3A_150 = arith.addf %broadcast_in_dim3A_142, %log3A_149 : vector<1250x1xf32>
    %sub3A_151 = vector.broadcast %add3A_150 : vector<1250x1xf32> to vector<1250x128xf32>
    %sub3A_152 = arith.subf %add3A_139, %sub3A_151 : vector<1250x128xf32>
    %swap3A_153 = arith.constant 0 : index
    %swap3A_154 = arith.constant 4 : index
    %swap3A_155 = arith.constant 0 : index
    %swap3A_156 = vector.load %arg5[%swap3A_153, %swap3A_154, %swap3A_155] : memref<1250x8x128xf32, #tpu.memory_space<vmem>>, vector<1250x1x128xf32>
    %swap3A_157 = vector.shape_cast %swap3A_156 : vector<1250x1x128xf32> to vector<1250x128xf32>
    %swap3A_158 = vector.shape_cast %sub3A_152 : vector<1250x128xf32> to vector<1250x1x128xf32>
    tpu.vector_store %arg5[%swap3A_153, %swap3A_154, %swap3A_155], %swap3A_158 {strides = array<i32>} : memref<1250x8x128xf32, #tpu.memory_space<vmem>>, vector<1250x1x128xf32>,
    %get3A_159 = arith.constant 5 : index
    %get3A_160 = arith.constant 0 : index
    %get3A_161 = arith.constant 0 : index
    %get3A_162 = vector.load %arg3[%get3A_159, %get3A_160, %get3A_161] : memref<8x128x128xf32, #tpu.memory_space<vmem>>, vector<1x128x128xf32>
    %get3A_163 = vector.shape_cast %get3A_162 : vector<1x128x128xf32> to vector<128x128xf32>
    %dot_general3A_164 = arith.constant dense<0.000000e+00> : vector<1250x128xf32>
    %dot_general3A_165 = tpu.matmul %slice3A, %get3A_163, %dot_general3A_164 {dimension_numbers = #tpu.dot_dimension_numbers<[1], [0], [0], [1], [0, 0, 1, 1], [], []>, transpose_lhs_hint = false} : vector<1250x128xf32>, vector<128x128xf32>, vector<1250x128xf32> -> vector<1250x128xf32>
    %get3A_166 = arith.constant 0 : index
    %get3A_167 = arith.constant 0 : index
    %get3A_168 = vector.load %arg4[%get3A_166, %get3A_167] : memref<1x128xf32, #tpu.memory_space<vmem>>, vector<1x128xf32>
    %add3A_169 = vector.broadcast %get3A_168 : vector<1x128xf32> to vector<1250x128xf32>
    %add3A_170 = arith.addf %dot_general3A_165, %add3A_169 : vector<1250x128xf32>
    %reduce_max3A_171 = arith.constant dense<0xFF800000> : vector<1250xf32>
    %reduce_max3A_172 = vector.multi_reduction <maximumf>, %add3A_170, %reduce_max3A_171 [1] : vector<1250x128xf32> to vector<1250xf32>
    %broadcast_in_dim3A_173 = vector.shape_cast %reduce_max3A_172 : vector<1250xf32> to vector<1250x1xf32>
    %sub3A_174 = vector.broadcast %broadcast_in_dim3A_173 : vector<1250x1xf32> to vector<1250x128xf32>
    %sub3A_175 = arith.subf %add3A_170, %sub3A_174 : vector<1250x128xf32>
    %exp3A_176 = math.exp %sub3A_175 : vector<1250x128xf32>
    %reduce_sum3A_177 = arith.constant dense<0.000000e+00> : vector<1250xf32>
    %reduce_sum3A_178 = vector.multi_reduction <add>, %exp3A_176, %reduce_sum3A_177 [1] : vector<1250x128xf32> to vector<1250xf32>
    %broadcast_in_dim3A_179 = vector.shape_cast %reduce_sum3A_178 : vector<1250xf32> to vector<1250x1xf32>
    %log3A_180 = math.log %broadcast_in_dim3A_179 : vector<1250x1xf32>
    %add3A_181 = arith.addf %broadcast_in_dim3A_173, %log3A_180 : vector<1250x1xf32>
    %sub3A_182 = vector.broadcast %add3A_181 : vector<1250x1xf32> to vector<1250x128xf32>
    %sub3A_183 = arith.subf %add3A_170, %sub3A_182 : vector<1250x128xf32>
    %swap3A_184 = arith.constant 0 : index
    %swap3A_185 = arith.constant 5 : index
    %swap3A_186 = arith.constant 0 : index
    %swap3A_187 = vector.load %arg5[%swap3A_184, %swap3A_185, %swap3A_186] : memref<1250x8x128xf32, #tpu.memory_space<vmem>>, vector<1250x1x128xf32>
    %swap3A_188 = vector.shape_cast %swap3A_187 : vector<1250x1x128xf32> to vector<1250x128xf32>
    %swap3A_189 = vector.shape_cast %sub3A_183 : vector<1250x128xf32> to vector<1250x1x128xf32>
    tpu.vector_store %arg5[%swap3A_184, %swap3A_185, %swap3A_186], %swap3A_189 {strides = array<i32>} : memref<1250x8x128xf32, #tpu.memory_space<vmem>>, vector<1250x1x128xf32>,
    %get3A_190 = arith.constant 6 : index
    %get3A_191 = arith.constant 0 : index
    %get3A_192 = arith.constant 0 : index
    %get3A_193 = vector.load %arg3[%get3A_190, %get3A_191, %get3A_192] : memref<8x128x128xf32, #tpu.memory_space<vmem>>, vector<1x128x128xf32>
    %get3A_194 = vector.shape_cast %get3A_193 : vector<1x128x128xf32> to vector<128x128xf32>
    %dot_general3A_195 = arith.constant dense<0.000000e+00> : vector<1250x128xf32>
    %dot_general3A_196 = tpu.matmul %slice3A, %get3A_194, %dot_general3A_195 {dimension_numbers = #tpu.dot_dimension_numbers<[1], [0], [0], [1], [0, 0, 1, 1], [], []>, transpose_lhs_hint = false} : vector<1250x128xf32>, vector<128x128xf32>, vector<1250x128xf32> -> vector<1250x128xf32>
    %get3A_197 = arith.constant 0 : index
    %get3A_198 = arith.constant 0 : index
    %get3A_199 = vector.load %arg4[%get3A_197, %get3A_198] : memref<1x128xf32, #tpu.memory_space<vmem>>, vector<1x128xf32>
    %add3A_200 = vector.broadcast %get3A_199 : vector<1x128xf32> to vector<1250x128xf32>
    %add3A_201 = arith.addf %dot_general3A_196, %add3A_200 : vector<1250x128xf32>
    %reduce_max3A_202 = arith.constant dense<0xFF800000> : vector<1250xf32>
    %reduce_max3A_203 = vector.multi_reduction <maximumf>, %add3A_201, %reduce_max3A_202 [1] : vector<1250x128xf32> to vector<1250xf32>
    %broadcast_in_dim3A_204 = vector.shape_cast %reduce_max3A_203 : vector<1250xf32> to vector<1250x1xf32>
    %sub3A_205 = vector.broadcast %broadcast_in_dim3A_204 : vector<1250x1xf32> to vector<1250x128xf32>
    %sub3A_206 = arith.subf %add3A_201, %sub3A_205 : vector<1250x128xf32>
    %exp3A_207 = math.exp %sub3A_206 : vector<1250x128xf32>
    %reduce_sum3A_208 = arith.constant dense<0.000000e+00> : vector<1250xf32>
    %reduce_sum3A_209 = vector.multi_reduction <add>, %exp3A_207, %reduce_sum3A_208 [1] : vector<1250x128xf32> to vector<1250xf32>
    %broadcast_in_dim3A_210 = vector.shape_cast %reduce_sum3A_209 : vector<1250xf32> to vector<1250x1xf32>
    %log3A_211 = math.log %broadcast_in_dim3A_210 : vector<1250x1xf32>
    %add3A_212 = arith.addf %broadcast_in_dim3A_204, %log3A_211 : vector<1250x1xf32>
    %sub3A_213 = vector.broadcast %add3A_212 : vector<1250x1xf32> to vector<1250x128xf32>
    %sub3A_214 = arith.subf %add3A_201, %sub3A_213 : vector<1250x128xf32>
    %swap3A_215 = arith.constant 0 : index
    %swap3A_216 = arith.constant 6 : index
    %swap3A_217 = arith.constant 0 : index
    %swap3A_218 = vector.load %arg5[%swap3A_215, %swap3A_216, %swap3A_217] : memref<1250x8x128xf32, #tpu.memory_space<vmem>>, vector<1250x1x128xf32>
    %swap3A_219 = vector.shape_cast %swap3A_218 : vector<1250x1x128xf32> to vector<1250x128xf32>
    %swap3A_220 = vector.shape_cast %sub3A_214 : vector<1250x128xf32> to vector<1250x1x128xf32>
    tpu.vector_store %arg5[%swap3A_215, %swap3A_216, %swap3A_217], %swap3A_220 {strides = array<i32>} : memref<1250x8x128xf32, #tpu.memory_space<vmem>>, vector<1250x1x128xf32>,
    %get3A_221 = arith.constant 7 : index
    %get3A_222 = arith.constant 0 : index
    %get3A_223 = arith.constant 0 : index
    %get3A_224 = vector.load %arg3[%get3A_221, %get3A_222, %get3A_223] : memref<8x128x128xf32, #tpu.memory_space<vmem>>, vector<1x128x128xf32>
    %get3A_225 = vector.shape_cast %get3A_224 : vector<1x128x128xf32> to vector<128x128xf32>
    %dot_general3A_226 = arith.constant dense<0.000000e+00> : vector<1250x128xf32>
    %dot_general3A_227 = tpu.matmul %slice3A, %get3A_225, %dot_general3A_226 {dimension_numbers = #tpu.dot_dimension_numbers<[1], [0], [0], [1], [0, 0, 1, 1], [], []>, transpose_lhs_hint = false} : vector<1250x128xf32>, vector<128x128xf32>, vector<1250x128xf32> -> vector<1250x128xf32>
    %get3A_228 = arith.constant 0 : index
    %get3A_229 = arith.constant 0 : index
    %get3A_230 = vector.load %arg4[%get3A_228, %get3A_229] : memref<1x128xf32, #tpu.memory_space<vmem>>, vector<1x128xf32>
    %add3A_231 = vector.broadcast %get3A_230 : vector<1x128xf32> to vector<1250x128xf32>
    %add3A_232 = arith.addf %dot_general3A_227, %add3A_231 : vector<1250x128xf32>
    %reduce_max3A_233 = arith.constant dense<0xFF800000> : vector<1250xf32>
    %reduce_max3A_234 = vector.multi_reduction <maximumf>, %add3A_232, %reduce_max3A_233 [1] : vector<1250x128xf32> to vector<1250xf32>
    %broadcast_in_dim3A_235 = vector.shape_cast %reduce_max3A_234 : vector<1250xf32> to vector<1250x1xf32>
    %sub3A_236 = vector.broadcast %broadcast_in_dim3A_235 : vector<1250x1xf32> to vector<1250x128xf32>
    %sub3A_237 = arith.subf %add3A_232, %sub3A_236 : vector<1250x128xf32>
    %exp3A_238 = math.exp %sub3A_237 : vector<1250x128xf32>
    %reduce_sum3A_239 = arith.constant dense<0.000000e+00> : vector<1250xf32>
    %reduce_sum3A_240 = vector.multi_reduction <add>, %exp3A_238, %reduce_sum3A_239 [1] : vector<1250x128xf32> to vector<1250xf32>
    %broadcast_in_dim3A_241 = vector.shape_cast %reduce_sum3A_240 : vector<1250xf32> to vector<1250x1xf32>
    %log3A_242 = math.log %broadcast_in_dim3A_241 : vector<1250x1xf32>
    %add3A_243 = arith.addf %broadcast_in_dim3A_235, %log3A_242 : vector<1250x1xf32>
    %sub3A_244 = vector.broadcast %add3A_243 : vector<1250x1xf32> to vector<1250x128xf32>
    %sub3A_245 = arith.subf %add3A_232, %sub3A_244 : vector<1250x128xf32>
    %swap3A_246 = arith.constant 0 : index
    %swap3A_247 = arith.constant 7 : index
    %swap3A_248 = arith.constant 0 : index
    %swap3A_249 = vector.load %arg5[%swap3A_246, %swap3A_247, %swap3A_248] : memref<1250x8x128xf32, #tpu.memory_space<vmem>>, vector<1250x1x128xf32>
    %swap3A_250 = vector.shape_cast %swap3A_249 : vector<1250x1x128xf32> to vector<1250x128xf32>
    %swap3A_251 = vector.shape_cast %sub3A_245 : vector<1250x128xf32> to vector<1250x1x128xf32>
    tpu.vector_store %arg5[%swap3A_246, %swap3A_247, %swap3A_248], %swap3A_251 {strides = array<i32>} : memref<1250x8x128xf32, #tpu.memory_space<vmem>>, vector<1250x1x128xf32>,
    return
  }
}

</mosaic_0001>

<sc_bundles>
// kernel: kernel.11.cloned.1.call-start
scs
__scs_entry_jumppad:
0x0: {  	(pc) =	sbr.rel $0x88, $3  }
0x1: {  	(tag) =	ssettag $0x0;
	lr =	simm.s32 $0x1  }
0x2: {  	[smem:$0x3F9B] =	sst lr;
	_ =	strace $0xD0000000  }
0x3: {  	_ = 	snop  }
0x4: {  	_ = 	snop  }
0x5: {  	_ = 	snop  }
0x6: {  	_ = 	snop  }
0x7: {  	_ = 	snop  }
__scs_overlays_trampoline_lowered:
0x8: {  	[smem:$0x3FAA] =	sst s0  }
0x9: {  	[smem:$0x3FAB] =	sst s1  }
0xa: {  	[smem:$0x3FAC] =	sst s2  }
0xb: {  	[smem:$0x3FAD] =	sst s3  }
0xc: {  	[smem:$0x3FAE] =	sst s4  }
0xd: {  	[smem:$0x3FAF] =	sst s5  }
0xe: {  	[smem:$0x3FB0] =	sst s6  }
0xf: {  	[smem:$0x3FB1] =	sst s7  }
0x10: {  	[smem:$0x3FB2] =	sst s8  }
0x11: {  	[smem:$0x3FB3] =	sst s9;
	s0 =	simm.s32 @!p0 $0x0  }
0x12: {  	s1 =	sld [smem:$0x3F99];
	s0 =	simm.s32 @p0 $0x1  }
0x13: {  	[smem:$0x3FB4] =	sst s0;
	s0 =	simm.s32 @!p1 $0x0  }
0x14: {  	s2 =	sld [smem:$0x3F98];
	s0 =	simm.s32 @p1 $0x1  }
0x15: {  	[smem:$0x3FB5] =	sst s0;
	s0 =	simm.s32 @!p2 $0x0  }
0x16: {  	s3 =	sld [smem:$0x3FDB];
	s0 =	simm.s32 @p2 $0x1  }
0x17: {  	s4 =	simm.s32 $0x1BF5;
	[smem:$0x3FB7] =	sst s0  }
0x18: {  	s0 =	sld [smem:$0x3F9A];
	_ =	swait.ge [sflag:s4], $0x0  }
0x19: {  	s7 =	sld [smem:$0x3F9B]  }
0x1a: {  	s8 =	sadd.s32 $0xFFFFE003, lr  }
0x1b: {  	s9 =	sadd.s32 $0xFFFFFEF7, lr;
	s5 =	simm.s32 $0xFFFFFFFF;
	p2 =	slt.u32 s8, $0xFFFFF086  }
0x1c: {  	p1 =	slt.u32 s9, $0xF7A;
	s5 =	simm.s32 @!p2 $0x0  }
0x1d: {  	s5 =	simm.s32 @p1 $0x1;
	p0 =	seq.s32 s7, s2  }
0x1e: {  	s7 =	smul.u32 @!p0 $0xF7A, s2;
	p2 =	seq.s32 @!p0 s5, $0x0  }
0x1f: {  	s9 =	smul.u32 $0xF7A, s1;
	s8 =	simm.s32 @!p0 $0x1BF5;
	p2 =	por !p2, p0  }
0x20: {  	[sflag:s8] =	ssyncset.s32 @!p0 $0xFFFFF086;
	s6 =	sadd.s32 @!p0 s3, s7;
	s7 =	simm.s32 @!p0 $0x108  }
0x21: {  	s3 =	sadd.s32 s3, s9;
	s6 =	sadd.s32 @!p0 $0x88, s6;
	s7 =	simm.s32 @p2 $0x1082  }
0x22: {  	[simem:s7], [sflag:s8] =	dma.local @!p0 [hbm:s6], $0xF7A  }
0x23: {  	s9 =	sor.u32 $0xD0000000, s2;
	s6 =	simm.s32 $0x108;
	_ =	swait.ge @!p0 [sflag:s8], $0x0  }
0x24: {  	s3 =	sadd.s32 $0x88, s3;
	s6 =	simm.s32 @!p1 $0x1082;
	[sflag:s4] =	ssyncset.s32 $0xFFFFF086  }
0x25: {  	[simem:s6], [sflag:s4] =	dma.local [hbm:s3], $0xF7A  }
0x26: {  	[smem:$0x3F9B] =	sst s1;
	(tag) =	ssettag s2;
	_ =	strace s9  }
0x27: {  	s1 =	sld [smem:$0x3FAB]  }
0x28: {  	s2 =	sld [smem:$0x3FAC]  }
0x29: {  	s4 =	sld [smem:$0x3FAE]  }
0x2a: {  	p0 =	seq.s32 s5, $0x0;
	s5 =	sld [smem:$0x3FAF]  }
0x2b: {  	s6 =	sld [smem:$0x3FB0]  }
0x2c: {  	s7 =	sld [smem:$0x3FB1]  }
0x2d: {  	s3 =	simm.s32 $0x108;
	s8 =	sld [smem:$0x3FB2]  }
0x2e: {  	s3 =	simm.s32 @!p0 $0x1082;
	s9 =	sld [smem:$0x3FB3]  }
0x2f: {  	lr =	sadd.s32 s0, s3;
	s0 =	sld [smem:$0x3FAA]  }
0x30: {  	s3 =	sld [smem:$0x3FAD]  }
0x31: {  	[smem:$0x3FB6] =	sst s10  }
0x32: {  	s10 =	sld [smem:$0x3FB4];
	_ =	sdelay $0x3  }
0x33: {  	p0 =	seq.s32 s10, $0x1;
	s10 =	sld [smem:$0x3FB6];
	_ =	sdelay $0x3  }
0x34: {  	[smem:$0x3FB6] =	sst s10  }
0x35: {  	s10 =	sld [smem:$0x3FB5];
	_ =	sdelay $0x3  }
0x36: {  	p1 =	seq.s32 s10, $0x1;
	s10 =	sld [smem:$0x3FB6];
	_ =	sdelay $0x3  }
0x37: {  	[smem:$0x3FB6] =	sst s10  }
0x38: {  	s10 =	sld [smem:$0x3FB7]  }
0x39: {  	_ = 	snop;
	(pc) =	sbr.ind lr, $3  }
0x3a: {  	_ = 	snop  }
0x3b: {  	_ = 	snop  }
0x3c: {  	p2 =	seq.s32 s10, $0x1;
	s10 =	sld [smem:$0x3FB6]  }
0x3d: {  	_ =	shalt  }
0x3e: {  	_ =	shalt  }
0x3f: {  	_ =	shalt  }
0x40: {  	_ =	shalt  }
0x41: {  	_ =	shalt  }
0x42: {  	_ =	shalt  }
0x43: {  	_ =	shalt  }
0x44: {  	_ =	shalt  }
0x45: {  	_ =	shalt  }
0x46: {  	_ =	shalt  }
0x47: {  	_ =	shalt  }
0x48: {  	_ =	shalt  }
0x49: {  	_ =	shalt  }
0x4a: {  	_ =	shalt  }
0x4b: {  	_ =	shalt  }
0x4c: {  	_ =	shalt  }
0x4d: {  	_ =	shalt  }
0x4e: {  	_ =	shalt  }
0x4f: {  	_ =	shalt  }
0x50: {  	_ =	shalt  }
0x51: {  	_ =	shalt  }
0x52: {  	_ =	shalt  }
0x53: {  	_ =	shalt  }
0x54: {  	_ =	shalt  }
0x55: {  	_ =	shalt  }
0x56: {  	_ =	shalt  }
0x57: {  	_ =	shalt  }
0x58: {  	_ =	shalt  }
0x59: {  	_ =	shalt  }
0x5a: {  	_ =	shalt  }
0x5b: {  	_ =	shalt  }
0x5c: {  	_ =	shalt  }
0x5d: {  	_ =	shalt  }
0x5e: {  	_ =	shalt  }
0x5f: {  	_ =	shalt  }
0x60: {  	_ =	shalt  }
0x61: {  	_ =	shalt  }
0x62: {  	_ =	shalt  }
0x63: {  	_ =	shalt  }
0x64: {  	_ =	shalt  }
0x65: {  	_ =	shalt  }
0x66: {  	_ =	shalt  }
0x67: {  	_ =	shalt  }
0x68: {  	_ =	shalt  }
0x69: {  	_ =	shalt  }
0x6a: {  	_ =	shalt  }
0x6b: {  	_ =	shalt  }
0x6c: {  	_ =	shalt  }
0x6d: {  	_ =	shalt  }
0x6e: {  	_ =	shalt  }
0x6f: {  	_ =	shalt  }
0x70: {  	_ =	shalt  }
0x71: {  	_ =	shalt  }
0x72: {  	_ =	shalt  }
0x73: {  	_ =	shalt  }
0x74: {  	_ =	shalt  }
0x75: {  	_ =	shalt  }
0x76: {  	_ =	shalt  }
0x77: {  	_ =	shalt  }
0x78: {  	_ =	shalt  }
0x79: {  	_ =	shalt  }
0x7a: {  	_ =	shalt  }
0x7b: {  	_ =	shalt  }
0x7c: {  	_ =	shalt  }
0x7d: {  	_ =	shalt  }
0x7e: {  	_ =	shalt  }
0x7f: {  	_ =	shalt  }
0x80: {  	_ =	shalt  }
0x81: {  	_ =	shalt  }
0x82: {  	_ =	shalt  }
0x83: {  	_ =	shalt  }
0x84: {  	_ =	shalt  }
0x85: {  	_ =	shalt  }
0x86: {  	_ =	shalt  }
0x87: {  	_ =	shalt  }
.Lfunc_end0:
.L_simem_size_0:
called_computation.1_lowered:
.L_overlay_start_0:
0x88: {  	s2 =	sld [smem:$0x3FD9]  }
0x89: {  	s3 =	sld [smem:$0x3FFE];
	_ =	sdelay $0x1  }
0x8a: {  	s1 =	srdreg.scid  }
0x8b: {  	s0 =	sand.u32 $0x1, s1  }
0x8c: {  	s17 =	sshll.u32 s0, $0xA;
	s2 =	sadd.s32 s3, s2  }
0x8d: {  	s2 =	sadd.s32 s2, s17  }
0x8e: {  	[smem:$0x3FC2] =	sst s2  }
0x8f: {  	_ = 	snop  }
0x90: {  	s2 =	sld [smem:$0x3FD0];
	(tm) =	ssettm $0x1  }
0x91: {  	s18 =	sld [smem:$0x3FFB];
	_ =	sdelay $0x3  }
0x92: {  	_ =	strace s18  }
0x93: {  	s3 =	sld [smem:$0x3FFC];
	_ =	sdelay $0x3  }
0x94: {  	_ =	strace s3  }
0x95: {  	s3 =	sld [smem:$0x3FFD];
	_ =	sdelay $0x3  }
0x96: {  	_ =	strace s3  }
0x97: {  	_ =	strace $0x8FFFFFFF  }
0x98: {  	s19 =	sld [smem:$0x3FDB];
	_ =	sdelay $0x1  }
0x99: {  	s4 =	simm.s32 $_scs_section_size  }
0x9a: {  	s5 =	simm.s32 $_size__tile_overlayer_lowered;
	s6 =	simm.s32 $_tile_overlayer_lowered  }
0x9b: {  	s22 =	simm.s32 $0x1BFF;
	s21 =	sshll.u32 s6, $0x1;
	s3 =	sadd.s32 s4, s19  }
0x9c: {  	s7 =	simm.s32 $0x0;
	s20 =	sshll.u32 s5, $0x1;
	s5 =	sadd.s32 s21, s3  }
0x9d: {  	[timem:s7], [sflag:s22] =	dma.local [hbm:s5], s20  }
0x9e: {  	_ =	swait.ge [sflag:s22], s20  }
0x9f: {  	s4 =	ssub.s32 $0x0, s20;
	[sflag:s22] =	ssyncset.done $0x0  }
0xa0: {  	[sflag:s22] =	ssyncadd.s32 s4;
	_ =	sdelay $0x1  }
0xa1: {  	s23 =	simm.s32 $0x1B8B  }
0xa2: {  	_ =	swait.ge [sflag:s23], $0x1  }
0xa3: {  	[sflag:s23] =	ssyncset.done $0x0  }
0xa4: {  	s25 =	simm.s32 $0x1B8E;
	s24 =	sld [smem:$0x3FFE];
	[sflag:s23] =	ssyncadd.s32 $0xFFFFFFFF  }
0xa5: {  	s26 =	simm.s32 $execute0_lowered;
	[smem:$0x3FD2] =	sst s25  }
0xa6: {  	s5 =	sshll.u32 s26, $0x1;
	_ =	strace $0x80000049;
	[dreg:$0x1] =	wrdreg $0xFFFFFFFF  }
0xa7: {  	s28 =	simm.s32 $_size_execute0_lowered;
	s3 =	sadd.s32 s3, s5;
	[dreg:$0x0] =	wrdreg $0x0  }
0xa8: {  	s5 =	sshll.u32 s28, $0x1;
	[dreg:$0x2] =	wrdreg s3  }
0xa9: {  	[dreg:$0x3] =	wrdreg s5  }
0xaa: {  	[dreg:$0x4] =	wrdreg $0xC0  }
0xab: {  	_ =	task [dreg:s7], $0x5FFFF  }
0xac: {  	[dreg:$0x1] =	wrdreg $0xFFFFFFFF  }
0xad: {  	[dreg:$0x0] =	wrdreg $0x60  }
0xae: {  	[dreg:$0x2] =	wrdreg s24  }
0xaf: {  	[dreg:$0x3] =	wrdreg s2  }
0xb0: {  	[dreg:$0x4] =	wrdreg $0xA0000  }
0xb1: {  	[dreg:$0x5] =	wrdreg $0x78000  }
0xb2: {  	[dreg:$0x6] =	wrdreg $0x9  }
0xb3: {  	_ =	task.clear_ibuf [dreg:s7], $0x7FFFF;
	_ =	strace $0x90000049  }
0xb4: {  	s29 =	simm.s32 $0x9;
	_ =	strace $0x8000004B  }
0xb5: {  	_ =	swait.ge [sflag:s29], $0x1  }
0xb6: {  	[sflag:s29] =	ssyncadd.s32 $0xFFFFFFFF  }
0xb7: {  	_ =	strace $0x9000004B  }
0xb8: {  	_ =	sfence  }
0xb9: {  	s30 =	sld [smem:$0x0];
	_ =	sdelay $0x2  }
0xba: {  	s31 =	sshll.u32 s1, $0xD;
	s1 =	sshrl.u32 s1, $0x2  }
0xbb: {  	s3 =	sand.u32 $0x4000, s31;
	s1 =	sadd.s32 s1, s30  }
0xbc: {  	s0 =	sor.u32 s3, s0;
	s1 =	sshll.u32 s1, $0x11  }
0xbd: {  	s0 =	sor.u32 s1, s0  }
0xbe: {  	s0 =	sadd.s32 $0x8F2B, s0  }
0xbf: {  	[sflag:s0] =	ssyncadd.remote.s32 $0x1  }
0xc0: {  	_ =	sfence.sel $0xFFFF  }
0xc1: {  	[dreg:$0x0] =	wrdreg $0xFFFFFFFF;
	(pc) =	sbr.abs _section_cstart, $3  }
0xc2: {  	[dreg:$0x1] =	wrdreg $0xFFFFFFFF  }
0xc3: {  	_ =	task.clear_ibuf [dreg:s7], $0x2FFFF;
	_ =	strace $0x9FFFFFFF  }
0xc4: {  	(tm) =	ssettm $0x7FFFFFFF  }
0xc5: {  	_ =	shalt  }
tec
execute0_lowered:
.L_overlay_start_1:
0x0: {  	(tag) =	ssettag $0x1  }
0x1: {  	s0 =	rddreg [dreg:$0x0]  }
0x2: {  	s12 =	stileid.u32;
	s6 =	rddreg [dreg:$0x1]  }
0x3: {  	s1 =	srdreg.scid;
	s2 =	rddreg [dreg:$0x2];
	s19 =	simm.s32 $0x7000  }
0x4: {  	s20 =	simm.s32 $0x1;
	s21 =	simm.s32 $0x2;
	s28 =	simm.s32 $0x6000  }
0x5: {  	s29 =	simm.s32 $0x6800;
	s30 =	simm.s32 $0x4;
	s7 =	smul.u32 $0x2800, s12  }
0x6: {  	s31 =	simm.s32 $0x6;
	s18 =	simm.s32 $0x9;
	s5 =	smul.u32 $0x500, s12  }
0x7: {  	s1 =	sand.u32 $0x1, s1;
	s3 =	sshll.u32 s12, $0x1;
	s23 =	smul.u32 $0xA000, s12  }
0x8: {  	s4 =	sor.u32 s1, s3;
	s3 =	rddreg [dreg:$0x3];
	s10 =	smul.u32 $0x5000, s1  }
0x9: {  	s1 =	ssub.s32 $0x2, s1;
	s8 =	smul.u32 $0x500, s4;
	s4 =	simm.s32 $0x0  }
0xa: {  	s9 =	sshrl.u32 s7, $0x3;
	s22 =	sshrl.u32 s1, $0x1;
	s17 =	sadd.s32 s7, s2  }
0xb: {  	[smem:$0x7FF] =	sst s4;
	s9 =	sadd.s32 s9, s0;
	s5 =	sadd.s32 s5, s10  }
0xc: {  	s1 =	ssub.s32 s1, s22;
	s10 =	sshrl.u32 s23, $0x2;
	s17 =	sshrl.u32 s17, $0x3  }
0xd: {  	s22 =	simm.s32 $0x3;
	s23 =	simm.s32 $0x5;
	_ =	strace $0x8000004A  }
0xe: {  	s11 =	sadd.s32 s8, s0;
	s0 =	sadd.s32 s5, s0;
	s5 =	sshll.u32 s12, $0x6  }
0xf: {  	s9 =	sadd.s32 $0x2600, s9;
	s6 =	sadd.s32 s6, s8;
	s26 =	sadd.s32 s10, s3  }
0x10: {  	s10 =	sadd.s32 s7, s3;
	s16 =	smax.u32 s1, $0x1;
	s1 =	simm.s32 $0x7  }
0x11: {  	[dreg:$0x5] =	wrdreg s9;
	s24 =	sor.u32 $0x1C01, s5;
	s25 =	sadd.s32 $0xC600, s11  }
0x12: {  	[dreg:$0x8] =	wrdreg s6;
	s11 =	sadd.s32 $0x800, s26;
	s12 =	sadd.s32 $0x1000, s26  }
0x13: {  	s13 =	sadd.s32 $0x1800, s26;
	s14 =	sadd.s32 $0x2000, s26;
	s15 =	sadd.s32 $0x16600, s0  }
0x14: {  	s26 =	simm.s32 $0x5800;
	s0 =	simm.s32 $0x8;
	[dreg:$0x6] =	wrdreg s24  }
0x15: {  	v0 =	vimm.f32 $0.0e+00;
	[dreg:$0x7] =	wrdreg s25;
	s24 =	simm.s32 $0x80;
	s25 =	simm.s32 $0x5000  }
.LBB2_1:
0x16: {  	s6 =	simm.s32 $0x40;
	s7 =	simm.s32 $0x0  }
.LBB2_2:
0x17: {  	p0 =	sne.s32 s6, $0x1FC0;
	[tilespmem:s7+$0x7000] =	vst v0;
	s7 =	smov.u32 s6;
	s6 =	sadd.s32 $0x40, s6  }
.Ltmp0:
0x18: {  	(pc) =	sbr.rel @p0 .LBB2_2-.Ltmp0, $2  }
0x19: {  	_ =	sdelay $0x2  }
0x1a: {  	s7 =	sshra.s32 s7, $0x2  }
0x1b: {  	s6 =	rddreg [dreg:$0x5]  }
0x1c: {  	[tilespmem:s7+$0x7000] =	vst v0;
	s8 =	rddreg [dreg:$0x6]  }
0x1d: {  	[spmem:s17], [sflag:s8] =	dma.local [hbm:s6], $0x500  }
0x1e: {  	s6 =	simm.s32 $0x0;
	s7 =	rddreg [dreg:$0x7]  }
0x1f: {  	[tilespmem:s6], [sflag:$0x2] =	stream.linear.gather [hbm4b:s7+s6], $0x2800, $0x38;
	[tilespmem:$0xC800] =	vst v63  }
0x20: {  	s8 =	simm.s32 $0x2800;
	s9 =	rddreg [dreg:$0x8]  }
0x21: {  	[tilespmem:s8], [sflag:$0x3] =	stream.linear.gather [hbm4b:s9+s6], $0x2800, $0x38;
	[tilespmem:$0xC800] =	vst v63  }
0x22: {  	_ = 	snop  }
0x23: {  	[spmem:s10] =	stream.linear.scatter [tilespmem:s19], [sflag:$0x5], $0x800, $0x38;
	[tilespmem:$0xC800] =	vst v63  }
0x24: {  	_ = 	snop  }
0x25: {  	[spmem:s11] =	stream.linear.scatter [tilespmem:s19], [sflag:$0x5], $0x800, $0x38;
	[tilespmem:$0xC800] =	vst v63  }
0x26: {  	_ = 	snop  }
0x27: {  	[spmem:s12] =	stream.linear.scatter [tilespmem:s19], [sflag:$0x5], $0x800, $0x38;
	[tilespmem:$0xC800] =	vst v63  }
0x28: {  	_ = 	snop  }
0x29: {  	[spmem:s13] =	stream.linear.scatter [tilespmem:s19], [sflag:$0x5], $0x800, $0x38;
	[tilespmem:$0xC800] =	vst v63  }
0x2a: {  	_ = 	snop  }
0x2b: {  	[spmem:s14] =	stream.linear.scatter [tilespmem:s19], [sflag:$0x5], $0x800, $0x38;
	[tilespmem:$0xC800] =	vst v63  }
0x2c: {  	_ =	swait.ge [sflag:s20], $0x500  }
0x2d: {  	[sflag:s20] =	ssyncset.done $0x0  }
0x2e: {  	[sflag:s20] =	ssyncadd.s32 $0xFFFFFB00  }
0x2f: {  	_ =	swait.ge [sflag:s21], $0x2800  }
0x30: {  	[sflag:s21] =	ssyncset.done $0x0  }
0x31: {  	[sflag:s21] =	ssyncadd.s32 $0xFFFFD800  }
0x32: {  	_ =	swait.ge [sflag:s22], $0x2800  }
0x33: {  	[sflag:s22] =	ssyncset.done $0x0  }
0x34: {  	[sflag:s22] =	ssyncadd.s32 $0xFFFFD800  }
0x35: {  	_ =	swait.ge [sflag:s23], $0x800  }
0x36: {  	[sflag:s23] =	ssyncset.done $0x0  }
0x37: {  	[sflag:s23] =	ssyncadd.s32 $0xFFFFF800  }
0x38: {  	_ =	swait.ge [sflag:s23], $0x800  }
0x39: {  	[sflag:s23] =	ssyncset.done $0x0  }
0x3a: {  	[sflag:s23] =	ssyncadd.s32 $0xFFFFF800  }
0x3b: {  	_ =	swait.ge [sflag:s23], $0x800  }
0x3c: {  	[sflag:s23] =	ssyncset.done $0x0  }
0x3d: {  	[sflag:s23] =	ssyncadd.s32 $0xFFFFF800  }
0x3e: {  	_ =	swait.ge [sflag:s23], $0x800  }
0x3f: {  	[sflag:s23] =	ssyncset.done $0x0  }
0x40: {  	[sflag:s23] =	ssyncadd.s32 $0xFFFFF800  }
0x41: {  	_ =	swait.ge [sflag:s23], $0x800  }
0x42: {  	[sflag:s23] =	ssyncset.done $0x0  }
0x43: {  	[sflag:s23] =	ssyncadd.s32 $0xFFFFF800  }
0x44: {  	s8 =	simm.s32 $0x0;
	[bflag:$0x0] =	sbarrier.arrive $0xFFFF  }
0x45: {  	[tilespmem:s25], [sflag:$0x1] =	stream.indirect.gather [spmem:s2], $0x10, s8, s24, $0xb8;
	[tilespmem:$0xC800] =	vst v63  }
0x46: {  	s9 =	simm.s32 $0x80  }
0x47: {  	[tilespmem:s26], [sflag:$0x2] =	stream.indirect.gather [spmem:s2], $0x10, s9, s24, $0xb8;
	[tilespmem:$0xC800] =	vst v63  }
0x48: {  	s7 =	simm.s32 $0x100  }
0x49: {  	[tilespmem:s28], [sflag:$0x3] =	stream.indirect.gather [spmem:s2], $0x10, s7, s24, $0xb8;
	[tilespmem:$0xC800] =	vst v63  }
0x4a: {  	s8 =	simm.s32 $0x180  }
0x4b: {  	[tilespmem:s29], [sflag:$0x4] =	stream.indirect.gather [spmem:s2], $0x10, s8, s24, $0xb8;
	[tilespmem:$0xC800] =	vst v63  }
0x4c: {  	_ =	swait.ge [sflag:s20], $0x800  }
0x4d: {  	[sflag:s20] =	ssyncset.done $0x0  }
0x4e: {  	s9 =	simm.s32 $0x2800;
	[sflag:s20] =	ssyncadd.s32 $0xFFFFF800  }
0x4f: {  	[spmem:s3] =	stream.indirect.scatter.add.f32 [tilespmem:s25], [sflag:$0x5], $0x10, s9, s24, $0xb8;
	[tilespmem:$0xC800] =	vst v63  }
0x50: {  	_ =	swait.ge [sflag:s21], $0x800  }
0x51: {  	[sflag:s21] =	ssyncset.done $0x0  }
0x52: {  	s7 =	simm.s32 $0x2880;
	[sflag:s21] =	ssyncadd.s32 $0xFFFFF800  }
0x53: {  	[spmem:s3] =	stream.indirect.scatter.add.f32 [tilespmem:s26], [sflag:$0x6], $0x10, s7, s24, $0xb8;
	[tilespmem:$0xC800] =	vst v63  }
0x54: {  	_ =	swait.ge [sflag:s22], $0x800  }
0x55: {  	[sflag:s22] =	ssyncset.done $0x0  }
0x56: {  	s8 =	simm.s32 $0x2900;
	[sflag:s22] =	ssyncadd.s32 $0xFFFFF800  }
0x57: {  	[spmem:s3] =	stream.indirect.scatter.add.f32 [tilespmem:s28], [sflag:$0x7], $0x10, s8, s24, $0xb8;
	[tilespmem:$0xC800] =	vst v63  }
0x58: {  	_ =	swait.ge [sflag:s30], $0x800  }
0x59: {  	[sflag:s30] =	ssyncset.done $0x0  }
0x5a: {  	s9 =	simm.s32 $0x2980;
	[sflag:s30] =	ssyncadd.s32 $0xFFFFF800  }
0x5b: {  	[spmem:s3] =	stream.indirect.scatter.add.f32 [tilespmem:s29], [sflag:$0x8], $0x10, s9, s24, $0xb8;
	[tilespmem:$0xC800] =	vst v63  }
0x5c: {  	_ =	swait.ge [sflag:s23], $0x800  }
0x5d: {  	[sflag:s23] =	ssyncset.done $0x0  }
0x5e: {  	[sflag:s23] =	ssyncadd.s32 $0xFFFFF800  }
0x5f: {  	_ =	swait.ge [sflag:s31], $0x800  }
0x60: {  	[sflag:s31] =	ssyncset.done $0x0  }
0x61: {  	[sflag:s31] =	ssyncadd.s32 $0xFFFFF800  }
0x62: {  	_ =	swait.ge [sflag:s1], $0x800  }
0x63: {  	[sflag:s1] =	ssyncset.done $0x0  }
0x64: {  	[sflag:s1] =	ssyncadd.s32 $0xFFFFF800  }
0x65: {  	_ =	swait.ge [sflag:s0], $0x800  }
0x66: {  	s6 =	simm.s32 $0x800;
	s7 =	simm.s32 $0x1000;
	[sflag:s0] =	ssyncset.done $0x0  }
.LBB2_4:
0x67: {  	s9 =	sshra.s32 s6, $0x2  }
0x68: {  	[sflag:s0] =	ssyncadd.s32 $0xFFFFF800;
	s6 =	smov.u32 s7;
	s8 =	sadd.s32 $0x800, s7  }
0x69: {  	[tilespmem:s25], [sflag:$0x1] =	stream.indirect.gather [spmem:s2], $0x10, s9, s24, $0xb8;
	[tilespmem:$0xC800] =	vst v63  }
0x6a: {  	p0 =	sne.s32 s7, $0x9800;
	s7 =	sadd.s32 $0x80, s9  }
0x6b: {  	[tilespmem:s26], [sflag:$0x2] =	stream.indirect.gather [spmem:s2], $0x10, s7, s24, $0xb8;
	[tilespmem:$0xC800] =	vst v63  }
0x6c: {  	s7 =	sadd.s32 $0x100, s9  }
0x6d: {  	[tilespmem:s28], [sflag:$0x3] =	stream.indirect.gather [spmem:s2], $0x10, s7, s24, $0xb8;
	[tilespmem:$0xC800] =	vst v63  }
0x6e: {  	s7 =	sadd.s32 $0x180, s9  }
0x6f: {  	[tilespmem:s29], [sflag:$0x4] =	stream.indirect.gather [spmem:s2], $0x10, s7, s24, $0xb8;
	[tilespmem:$0xC800] =	vst v63  }
0x70: {  	_ =	swait.ge [sflag:s20], $0x800  }
0x71: {  	[sflag:s20] =	ssyncset.done $0x0  }
0x72: {  	s7 =	sadd.s32 $0x2800, s9;
	[sflag:s20] =	ssyncadd.s32 $0xFFFFF800  }
0x73: {  	[spmem:s3] =	stream.indirect.scatter.add.f32 [tilespmem:s25], [sflag:$0x5], $0x10, s7, s24, $0xb8;
	[tilespmem:$0xC800] =	vst v63  }
0x74: {  	_ =	swait.ge [sflag:s21], $0x800  }
0x75: {  	[sflag:s21] =	ssyncset.done $0x0  }
0x76: {  	s7 =	sadd.s32 $0x2880, s9;
	[sflag:s21] =	ssyncadd.s32 $0xFFFFF800  }
0x77: {  	[spmem:s3] =	stream.indirect.scatter.add.f32 [tilespmem:s26], [sflag:$0x6], $0x10, s7, s24, $0xb8;
	[tilespmem:$0xC800] =	vst v63  }
0x78: {  	_ =	swait.ge [sflag:s22], $0x800  }
0x79: {  	[sflag:s22] =	ssyncset.done $0x0  }
0x7a: {  	s7 =	sadd.s32 $0x2900, s9;
	[sflag:s22] =	ssyncadd.s32 $0xFFFFF800  }
0x7b: {  	[spmem:s3] =	stream.indirect.scatter.add.f32 [tilespmem:s28], [sflag:$0x7], $0x10, s7, s24, $0xb8;
	[tilespmem:$0xC800] =	vst v63  }
0x7c: {  	_ =	swait.ge [sflag:s30], $0x800  }
0x7d: {  	[sflag:s30] =	ssyncset.done $0x0  }
0x7e: {  	s7 =	sadd.s32 $0x2980, s9;
	[sflag:s30] =	ssyncadd.s32 $0xFFFFF800  }
0x7f: {  	[spmem:s3] =	stream.indirect.scatter.add.f32 [tilespmem:s29], [sflag:$0x8], $0x10, s7, s24, $0xb8;
	[tilespmem:$0xC800] =	vst v63  }
0x80: {  	_ =	swait.ge [sflag:s23], $0x800  }
0x81: {  	[sflag:s23] =	ssyncset.done $0x0  }
0x82: {  	[sflag:s23] =	ssyncadd.s32 $0xFFFFF800  }
0x83: {  	_ =	swait.ge [sflag:s31], $0x800  }
0x84: {  	[sflag:s31] =	ssyncset.done $0x0  }
0x85: {  	[sflag:s31] =	ssyncadd.s32 $0xFFFFF800  }
.Ltmp1:
0x86: {  	_ =	swait.ge [sflag:s1], $0x800;
	(pc) =	sbr.rel @p0 .LBB2_4-.Ltmp1, $4  }
0x87: {  	[sflag:s1] =	ssyncset.done $0x0  }
0x88: {  	[sflag:s1] =	ssyncadd.s32 $0xFFFFF800  }
0x89: {  	_ =	swait.ge [sflag:s0], $0x800  }
0x8a: {  	s7 =	smov.u32 s8;
	[sflag:s0] =	ssyncset.done $0x0  }
0x8b: {  	s6 =	sshra.s32 s6, $0x2;
	[sflag:s0] =	ssyncadd.s32 $0xFFFFF800  }
0x8c: {  	[tilespmem:s25], [sflag:$0x1] =	stream.indirect.gather [spmem:s2], $0x10, s6, s24, $0xb8;
	[tilespmem:$0xC800] =	vst v63  }
0x8d: {  	s7 =	sadd.s32 $0x80, s6  }
0x8e: {  	[tilespmem:s26], [sflag:$0x2] =	stream.indirect.gather [spmem:s2], $0x10, s7, s24, $0xb8;
	[tilespmem:$0xC800] =	vst v63  }
0x8f: {  	s9 =	sadd.s32 $0x100, s6  }
0x90: {  	[tilespmem:s28], [sflag:$0x3] =	stream.indirect.gather [spmem:s2], $0x10, s9, s24, $0xb8;
	[tilespmem:$0xC800] =	vst v63  }
0x91: {  	s8 =	sadd.s32 $0x180, s6  }
0x92: {  	[tilespmem:s29], [sflag:$0x4] =	stream.indirect.gather [spmem:s2], $0x10, s8, s24, $0xb8;
	[tilespmem:$0xC800] =	vst v63  }
0x93: {  	_ =	swait.ge [sflag:s20], $0x800  }
0x94: {  	[sflag:s20] =	ssyncset.done $0x0  }
0x95: {  	s9 =	sadd.s32 $0x2800, s6;
	[sflag:s20] =	ssyncadd.s32 $0xFFFFF800  }
0x96: {  	[spmem:s3] =	stream.indirect.scatter.add.f32 [tilespmem:s25], [sflag:$0x5], $0x10, s9, s24, $0xb8;
	[tilespmem:$0xC800] =	vst v63  }
0x97: {  	_ =	swait.ge [sflag:s21], $0x800  }
0x98: {  	[sflag:s21] =	ssyncset.done $0x0  }
0x99: {  	s8 =	sadd.s32 $0x2880, s6;
	[sflag:s21] =	ssyncadd.s32 $0xFFFFF800  }
0x9a: {  	[spmem:s3] =	stream.indirect.scatter.add.f32 [tilespmem:s26], [sflag:$0x6], $0x10, s8, s24, $0xb8;
	[tilespmem:$0xC800] =	vst v63  }
0x9b: {  	_ =	swait.ge [sflag:s22], $0x800  }
0x9c: {  	[sflag:s22] =	ssyncset.done $0x0  }
0x9d: {  	s9 =	sadd.s32 $0x2900, s6;
	[sflag:s22] =	ssyncadd.s32 $0xFFFFF800  }
0x9e: {  	[spmem:s3] =	stream.indirect.scatter.add.f32 [tilespmem:s28], [sflag:$0x7], $0x10, s9, s24, $0xb8;
	[tilespmem:$0xC800] =	vst v63  }
0x9f: {  	_ =	swait.ge [sflag:s30], $0x800  }
0xa0: {  	[sflag:s30] =	ssyncset.done $0x0  }
0xa1: {  	s6 =	sadd.s32 $0x2980, s6;
	[sflag:s30] =	ssyncadd.s32 $0xFFFFF800  }
0xa2: {  	[spmem:s3] =	stream.indirect.scatter.add.f32 [tilespmem:s29], [sflag:$0x8], $0x10, s6, s24, $0xb8;
	[tilespmem:$0xC800] =	vst v63  }
0xa3: {  	_ =	swait.ge [sflag:s23], $0x800  }
0xa4: {  	[sflag:s23] =	ssyncset.done $0x0  }
0xa5: {  	[sflag:s23] =	ssyncadd.s32 $0xFFFFF800  }
0xa6: {  	_ =	swait.ge [sflag:s31], $0x800  }
0xa7: {  	[sflag:s31] =	ssyncset.done $0x0  }
0xa8: {  	[sflag:s31] =	ssyncadd.s32 $0xFFFFF800  }
0xa9: {  	_ =	swait.ge [sflag:s1], $0x800  }
0xaa: {  	[sflag:s1] =	ssyncset.done $0x0  }
0xab: {  	[sflag:s1] =	ssyncadd.s32 $0xFFFFF800  }
0xac: {  	_ =	swait.ge [sflag:s0], $0x800  }
0xad: {  	s4 =	sadd.s32 $0x1, s4;
	[sflag:s0] =	ssyncset.done $0x0  }
0xae: {  	p0 =	sne.s32 s4, s16;
	s8 =	sor.u32 $0x1C09, s5;
	[sflag:s0] =	ssyncadd.s32 $0xFFFFF800  }
.Ltmp2:
0xaf: {  	s9 =	sshrl.u32 s10, $0x3;
	[bflag:$0x0] =	sbarrier.arrive $0xFFFF;
	(pc) =	sbr.rel @p0 .LBB2_1-.Ltmp2, $4  }
0xb0: {  	[hbm:s15], [sflag:s8] =	dma.local [spmem:s9], $0x500  }
0xb1: {  	_ =	swait.ge [sflag:s18], $0x500  }
0xb2: {  	[sflag:s18] =	ssyncset.done $0x0  }
0xb3: {  	[sflag:s18] =	ssyncadd.s32 $0xFFFFFB00  }
0xb4: {  	_ =	sfence.sel $0x180000  }
0xb5: {  	[bflag:$0x0] =	sbarrier.arrive $0xFFFF  }
0xb6: {  	_ =	strace $0x9000004A  }
0xb7: {  	s0 =	stileid.u32;
	[bflag:$0x2] =	sbarrier.arrive $0xFFFF  }
0xb8: {  	p0 =	sne.s32 s0, $0x0;
	s0 =	rddreg [dreg:$0x4]  }
0xb9: {  	s0 =	sadd.s32 @!p0 $0x100000, s0  }
0xba: {  	[sflag:s0] =	ssyncadd.tile.s32 @!p0 $0x1;
	_ =	shalt  }
.Lfunc_end2:
_tile_overlayer_lowered:
.L_overlay_start_2:
0xbb: {  	(tag) =	ssettag $0x2  }
0xbc: {  	s0 =	rddreg [dreg:$0x0];
	s2 =	stileid.u32  }
0xbd: {  	s1 =	rddreg [dreg:$0x1];
	p0 =	sne.s32 s2, $0x0  }
0xbe: {  	s3 =	rddreg [dreg:$0x2];
	[bflag:$0x3] =	sbarrier.arrive $0xFFFF;
	s2 =	simm.s32 @!p0 $0x1C09  }
0xbf: {  	[timem:s3], [sflag:s2] =	dma.local @!p0 [hbm:s0], s1  }
0xc0: {  	s0 =	simm.s32 @!p0 $0x9  }
0xc1: {  	_ =	swait.ge @!p0 [sflag:s0], s1  }
0xc2: {  	s1 =	ssub.s32 @!p0 $0x0, s1;
	[sflag:s0] =	ssyncset.done @!p0 $0x0  }
0xc3: {  	[sflag:s0] =	ssyncadd.s32 @!p0 s1  }
0xc4: {  	[bflag:$0x3] =	sbarrier.arrive $0xFFFF  }
0xc5: {  	_ =	shalt  }

// kernel: kernel.14.cloned.1.call-start
scs
__scs_entry_jumppad:
0x0: {  	(pc) =	sbr.rel $0x88, $3  }
0x1: {  	(tag) =	ssettag $0x0;
	lr =	simm.s32 $0x1  }
0x2: {  	[smem:$0x3F9B] =	sst lr;
	_ =	strace $0xD0000000  }
0x3: {  	_ = 	snop  }
0x4: {  	_ = 	snop  }
0x5: {  	_ = 	snop  }
0x6: {  	_ = 	snop  }
0x7: {  	_ = 	snop  }
__scs_overlays_trampoline_lowered:
0x8: {  	[smem:$0x3FAA] =	sst s0  }
0x9: {  	[smem:$0x3FAB] =	sst s1  }
0xa: {  	[smem:$0x3FAC] =	sst s2  }
0xb: {  	[smem:$0x3FAD] =	sst s3  }
0xc: {  	[smem:$0x3FAE] =	sst s4  }
0xd: {  	[smem:$0x3FAF] =	sst s5  }
0xe: {  	[smem:$0x3FB0] =	sst s6  }
0xf: {  	[smem:$0x3FB1] =	sst s7  }
0x10: {  	[smem:$0x3FB2] =	sst s8  }
0x11: {  	[smem:$0x3FB3] =	sst s9;
	s0 =	simm.s32 @!p0 $0x0  }
0x12: {  	s1 =	sld [smem:$0x3F99];
	s0 =	simm.s32 @p0 $0x1  }
0x13: {  	[smem:$0x3FB4] =	sst s0;
	s0 =	simm.s32 @!p1 $0x0  }
0x14: {  	s2 =	sld [smem:$0x3F98];
	s0 =	simm.s32 @p1 $0x1  }
0x15: {  	[smem:$0x3FB5] =	sst s0;
	s0 =	simm.s32 @!p2 $0x0  }
0x16: {  	s3 =	sld [smem:$0x3FDB];
	s0 =	simm.s32 @p2 $0x1  }
0x17: {  	s4 =	simm.s32 $0x1BF5;
	[smem:$0x3FB7] =	sst s0  }
0x18: {  	s0 =	sld [smem:$0x3F9A];
	_ =	swait.ge [sflag:s4], $0x0  }
0x19: {  	s7 =	sld [smem:$0x3F9B]  }
0x1a: {  	s8 =	sadd.s32 $0xFFFFE003, lr  }
0x1b: {  	s9 =	sadd.s32 $0xFFFFFEF7, lr;
	s5 =	simm.s32 $0xFFFFFFFF;
	p2 =	slt.u32 s8, $0xFFFFF086  }
0x1c: {  	p1 =	slt.u32 s9, $0xF7A;
	s5 =	simm.s32 @!p2 $0x0  }
0x1d: {  	s5 =	simm.s32 @p1 $0x1;
	p0 =	seq.s32 s7, s2  }
0x1e: {  	s7 =	smul.u32 @!p0 $0xF7A, s2;
	p2 =	seq.s32 @!p0 s5, $0x0  }
0x1f: {  	s9 =	smul.u32 $0xF7A, s1;
	s8 =	simm.s32 @!p0 $0x1BF5;
	p2 =	por !p2, p0  }
0x20: {  	[sflag:s8] =	ssyncset.s32 @!p0 $0xFFFFF086;
	s6 =	sadd.s32 @!p0 s3, s7;
	s7 =	simm.s32 @!p0 $0x108  }
0x21: {  	s3 =	sadd.s32 s3, s9;
	s6 =	sadd.s32 @!p0 $0x88, s6;
	s7 =	simm.s32 @p2 $0x1082  }
0x22: {  	[simem:s7], [sflag:s8] =	dma.local @!p0 [hbm:s6], $0xF7A  }
0x23: {  	s9 =	sor.u32 $0xD0000000, s2;
	s6 =	simm.s32 $0x108;
	_ =	swait.ge @!p0 [sflag:s8], $0x0  }
0x24: {  	s3 =	sadd.s32 $0x88, s3;
	s6 =	simm.s32 @!p1 $0x1082;
	[sflag:s4] =	ssyncset.s32 $0xFFFFF086  }
0x25: {  	[simem:s6], [sflag:s4] =	dma.local [hbm:s3], $0xF7A  }
0x26: {  	[smem:$0x3F9B] =	sst s1;
	(tag) =	ssettag s2;
	_ =	strace s9  }
0x27: {  	s1 =	sld [smem:$0x3FAB]  }
0x28: {  	s2 =	sld [smem:$0x3FAC]  }
0x29: {  	s4 =	sld [smem:$0x3FAE]  }
0x2a: {  	p0 =	seq.s32 s5, $0x0;
	s5 =	sld [smem:$0x3FAF]  }
0x2b: {  	s6 =	sld [smem:$0x3FB0]  }
0x2c: {  	s7 =	sld [smem:$0x3FB1]  }
0x2d: {  	s3 =	simm.s32 $0x108;
	s8 =	sld [smem:$0x3FB2]  }
0x2e: {  	s3 =	simm.s32 @!p0 $0x1082;
	s9 =	sld [smem:$0x3FB3]  }
0x2f: {  	lr =	sadd.s32 s0, s3;
	s0 =	sld [smem:$0x3FAA]  }
0x30: {  	s3 =	sld [smem:$0x3FAD]  }
0x31: {  	[smem:$0x3FB6] =	sst s10  }
0x32: {  	s10 =	sld [smem:$0x3FB4];
	_ =	sdelay $0x3  }
0x33: {  	p0 =	seq.s32 s10, $0x1;
	s10 =	sld [smem:$0x3FB6];
	_ =	sdelay $0x3  }
0x34: {  	[smem:$0x3FB6] =	sst s10  }
0x35: {  	s10 =	sld [smem:$0x3FB5];
	_ =	sdelay $0x3  }
0x36: {  	p1 =	seq.s32 s10, $0x1;
	s10 =	sld [smem:$0x3FB6];
	_ =	sdelay $0x3  }
0x37: {  	[smem:$0x3FB6] =	sst s10  }
0x38: {  	s10 =	sld [smem:$0x3FB7]  }
0x39: {  	_ = 	snop;
	(pc) =	sbr.ind lr, $3  }
0x3a: {  	_ = 	snop  }
0x3b: {  	_ = 	snop  }
0x3c: {  	p2 =	seq.s32 s10, $0x1;
	s10 =	sld [smem:$0x3FB6]  }
0x3d: {  	_ =	shalt  }
0x3e: {  	_ =	shalt  }
0x3f: {  	_ =	shalt  }
0x40: {  	_ =	shalt  }
0x41: {  	_ =	shalt  }
0x42: {  	_ =	shalt  }
0x43: {  	_ =	shalt  }
0x44: {  	_ =	shalt  }
0x45: {  	_ =	shalt  }
0x46: {  	_ =	shalt  }
0x47: {  	_ =	shalt  }
0x48: {  	_ =	shalt  }
0x49: {  	_ =	shalt  }
0x4a: {  	_ =	shalt  }
0x4b: {  	_ =	shalt  }
0x4c: {  	_ =	shalt  }
0x4d: {  	_ =	shalt  }
0x4e: {  	_ =	shalt  }
0x4f: {  	_ =	shalt  }
0x50: {  	_ =	shalt  }
0x51: {  	_ =	shalt  }
0x52: {  	_ =	shalt  }
0x53: {  	_ =	shalt  }
0x54: {  	_ =	shalt  }
0x55: {  	_ =	shalt  }
0x56: {  	_ =	shalt  }
0x57: {  	_ =	shalt  }
0x58: {  	_ =	shalt  }
0x59: {  	_ =	shalt  }
0x5a: {  	_ =	shalt  }
0x5b: {  	_ =	shalt  }
0x5c: {  	_ =	shalt  }
0x5d: {  	_ =	shalt  }
0x5e: {  	_ =	shalt  }
0x5f: {  	_ =	shalt  }
0x60: {  	_ =	shalt  }
0x61: {  	_ =	shalt  }
0x62: {  	_ =	shalt  }
0x63: {  	_ =	shalt  }
0x64: {  	_ =	shalt  }
0x65: {  	_ =	shalt  }
0x66: {  	_ =	shalt  }
0x67: {  	_ =	shalt  }
0x68: {  	_ =	shalt  }
0x69: {  	_ =	shalt  }
0x6a: {  	_ =	shalt  }
0x6b: {  	_ =	shalt  }
0x6c: {  	_ =	shalt  }
0x6d: {  	_ =	shalt  }
0x6e: {  	_ =	shalt  }
0x6f: {  	_ =	shalt  }
0x70: {  	_ =	shalt  }
0x71: {  	_ =	shalt  }
0x72: {  	_ =	shalt  }
0x73: {  	_ =	shalt  }
0x74: {  	_ =	shalt  }
0x75: {  	_ =	shalt  }
0x76: {  	_ =	shalt  }
0x77: {  	_ =	shalt  }
0x78: {  	_ =	shalt  }
0x79: {  	_ =	shalt  }
0x7a: {  	_ =	shalt  }
0x7b: {  	_ =	shalt  }
0x7c: {  	_ =	shalt  }
0x7d: {  	_ =	shalt  }
0x7e: {  	_ =	shalt  }
0x7f: {  	_ =	shalt  }
0x80: {  	_ =	shalt  }
0x81: {  	_ =	shalt  }
0x82: {  	_ =	shalt  }
0x83: {  	_ =	shalt  }
0x84: {  	_ =	shalt  }
0x85: {  	_ =	shalt  }
0x86: {  	_ =	shalt  }
0x87: {  	_ =	shalt  }
.Lfunc_end0:
.L_simem_size_0:
called_computation.2_lowered:
.L_overlay_start_0:
0x88: {  	s2 =	sld [smem:$0x3FD9]  }
0x89: {  	s3 =	sld [smem:$0x3FFE];
	_ =	sdelay $0x1  }
0x8a: {  	s1 =	srdreg.scid  }
0x8b: {  	s0 =	sand.u32 $0x1, s1  }
0x8c: {  	s17 =	sshll.u32 s0, $0xA;
	s2 =	sadd.s32 s3, s2  }
0x8d: {  	s2 =	sadd.s32 s2, s17  }
0x8e: {  	[smem:$0x3FC2] =	sst s2  }
0x8f: {  	_ = 	snop  }
0x90: {  	s2 =	sld [smem:$0x3FD0];
	(tm) =	ssettm $0x1  }
0x91: {  	s18 =	sld [smem:$0x3FFB];
	_ =	sdelay $0x3  }
0x92: {  	_ =	strace s18  }
0x93: {  	s3 =	sld [smem:$0x3FFC];
	_ =	sdelay $0x3  }
0x94: {  	_ =	strace s3  }
0x95: {  	s3 =	sld [smem:$0x3FFD];
	_ =	sdelay $0x3  }
0x96: {  	_ =	strace s3  }
0x97: {  	_ =	strace $0x8FFFFFFF  }
0x98: {  	s19 =	sld [smem:$0x3FDB];
	_ =	sdelay $0x1  }
0x99: {  	s4 =	simm.s32 $_scs_section_size  }
0x9a: {  	s5 =	simm.s32 $_size__tile_overlayer_lowered;
	s6 =	simm.s32 $_tile_overlayer_lowered  }
0x9b: {  	s22 =	simm.s32 $0x1BFF;
	s21 =	sshll.u32 s6, $0x1;
	s3 =	sadd.s32 s4, s19  }
0x9c: {  	s7 =	simm.s32 $0x0;
	s20 =	sshll.u32 s5, $0x1;
	s5 =	sadd.s32 s21, s3  }
0x9d: {  	[timem:s7], [sflag:s22] =	dma.local [hbm:s5], s20  }
0x9e: {  	_ =	swait.ge [sflag:s22], s20  }
0x9f: {  	s4 =	ssub.s32 $0x0, s20;
	[sflag:s22] =	ssyncset.done $0x0  }
0xa0: {  	[sflag:s22] =	ssyncadd.s32 s4;
	_ =	sdelay $0x1  }
0xa1: {  	s23 =	simm.s32 $0x1B8B  }
0xa2: {  	_ =	swait.ge [sflag:s23], $0x1  }
0xa3: {  	[sflag:s23] =	ssyncset.done $0x0  }
0xa4: {  	s25 =	simm.s32 $0x1B8E;
	s24 =	sld [smem:$0x3FFE];
	[sflag:s23] =	ssyncadd.s32 $0xFFFFFFFF  }
0xa5: {  	s26 =	simm.s32 $execute0_lowered;
	[smem:$0x3FD2] =	sst s25  }
0xa6: {  	s5 =	sshll.u32 s26, $0x1;
	_ =	strace $0x8000004C;
	[dreg:$0x1] =	wrdreg $0xFFFFFFFF  }
0xa7: {  	s28 =	simm.s32 $_size_execute0_lowered;
	s3 =	sadd.s32 s3, s5;
	[dreg:$0x0] =	wrdreg $0x0  }
0xa8: {  	s5 =	sshll.u32 s28, $0x1;
	[dreg:$0x2] =	wrdreg s3  }
0xa9: {  	[dreg:$0x3] =	wrdreg s5  }
0xaa: {  	[dreg:$0x4] =	wrdreg $0xC0  }
0xab: {  	_ =	task [dreg:s7], $0x5FFFF  }
0xac: {  	[dreg:$0x1] =	wrdreg $0xFFFFFFFF  }
0xad: {  	[dreg:$0x0] =	wrdreg $0x60  }
0xae: {  	[dreg:$0x2] =	wrdreg s24  }
0xaf: {  	[dreg:$0x3] =	wrdreg s2  }
0xb0: {  	[dreg:$0x4] =	wrdreg $0xA0000  }
0xb1: {  	[dreg:$0x5] =	wrdreg $0x78000  }
0xb2: {  	[dreg:$0x6] =	wrdreg $0x9  }
0xb3: {  	_ =	task.clear_ibuf [dreg:s7], $0x7FFFF;
	_ =	strace $0x9000004C  }
0xb4: {  	s29 =	simm.s32 $0x9;
	_ =	strace $0x8000004E  }
0xb5: {  	_ =	swait.ge [sflag:s29], $0x1  }
0xb6: {  	[sflag:s29] =	ssyncadd.s32 $0xFFFFFFFF  }
0xb7: {  	_ =	strace $0x9000004E  }
0xb8: {  	_ =	sfence  }
0xb9: {  	s30 =	sld [smem:$0x0];
	_ =	sdelay $0x2  }
0xba: {  	s31 =	sshll.u32 s1, $0xD;
	s1 =	sshrl.u32 s1, $0x2  }
0xbb: {  	s3 =	sand.u32 $0x4000, s31;
	s1 =	sadd.s32 s1, s30  }
0xbc: {  	s0 =	sor.u32 s3, s0;
	s1 =	sshll.u32 s1, $0x11  }
0xbd: {  	s0 =	sor.u32 s1, s0  }
0xbe: {  	s0 =	sadd.s32 $0x8F2B, s0  }
0xbf: {  	[sflag:s0] =	ssyncadd.remote.s32 $0x1  }
0xc0: {  	_ =	sfence.sel $0xFFFF  }
0xc1: {  	[dreg:$0x0] =	wrdreg $0xFFFFFFFF;
	(pc) =	sbr.abs _section_cstart, $3  }
0xc2: {  	[dreg:$0x1] =	wrdreg $0xFFFFFFFF  }
0xc3: {  	_ =	task.clear_ibuf [dreg:s7], $0x2FFFF;
	_ =	strace $0x9FFFFFFF  }
0xc4: {  	(tm) =	ssettm $0x7FFFFFFF  }
0xc5: {  	_ =	shalt  }
tec
execute0_lowered:
.L_overlay_start_1:
0x0: {  	(tag) =	ssettag $0x1  }
0x1: {  	s0 =	rddreg [dreg:$0x0]  }
0x2: {  	s12 =	stileid.u32;
	s6 =	rddreg [dreg:$0x1]  }
0x3: {  	s1 =	srdreg.scid;
	s2 =	rddreg [dreg:$0x2];
	s19 =	simm.s32 $0x7000  }
0x4: {  	s20 =	simm.s32 $0x1;
	s21 =	simm.s32 $0x2;
	s28 =	simm.s32 $0x6000  }
0x5: {  	s29 =	simm.s32 $0x6800;
	s30 =	simm.s32 $0x4;
	s7 =	smul.u32 $0x2800, s12  }
0x6: {  	s31 =	simm.s32 $0x6;
	s18 =	simm.s32 $0x9;
	s5 =	smul.u32 $0x500, s12  }
0x7: {  	s1 =	sand.u32 $0x1, s1;
	s3 =	sshll.u32 s12, $0x1;
	s23 =	smul.u32 $0xA000, s12  }
0x8: {  	s4 =	sor.u32 s1, s3;
	s3 =	rddreg [dreg:$0x3];
	s10 =	smul.u32 $0x5000, s1  }
0x9: {  	s1 =	ssub.s32 $0x2, s1;
	s8 =	smul.u32 $0x500, s4;
	s4 =	simm.s32 $0x0  }
0xa: {  	s9 =	sshrl.u32 s7, $0x3;
	s22 =	sshrl.u32 s1, $0x1;
	s17 =	sadd.s32 s7, s2  }
0xb: {  	[smem:$0x7FF] =	sst s4;
	s9 =	sadd.s32 s9, s0;
	s5 =	sadd.s32 s5, s10  }
0xc: {  	s1 =	ssub.s32 s1, s22;
	s10 =	sshrl.u32 s23, $0x2;
	s17 =	sshrl.u32 s17, $0x3  }
0xd: {  	s22 =	simm.s32 $0x3;
	s23 =	simm.s32 $0x5;
	_ =	strace $0x8000004D  }
0xe: {  	s11 =	sadd.s32 s8, s0;
	s0 =	sadd.s32 s5, s0;
	s5 =	sshll.u32 s12, $0x6  }
0xf: {  	s9 =	sadd.s32 $0x2600, s9;
	s6 =	sadd.s32 s6, s8;
	s26 =	sadd.s32 s10, s3  }
0x10: {  	s10 =	sadd.s32 s7, s3;
	s16 =	smax.u32 s1, $0x1;
	s1 =	simm.s32 $0x7  }
0x11: {  	[dreg:$0x5] =	wrdreg s9;
	s24 =	sor.u32 $0x1C01, s5;
	s25 =	sadd.s32 $0xC600, s11  }
0x12: {  	[dreg:$0x8] =	wrdreg s6;
	s11 =	sadd.s32 $0x800, s26;
	s12 =	sadd.s32 $0x1000, s26  }
0x13: {  	s13 =	sadd.s32 $0x1800, s26;
	s14 =	sadd.s32 $0x2000, s26;
	s15 =	sadd.s32 $0x16600, s0  }
0x14: {  	s26 =	simm.s32 $0x5800;
	s0 =	simm.s32 $0x8;
	[dreg:$0x6] =	wrdreg s24  }
0x15: {  	v0 =	vimm.f32 $0.0e+00;
	[dreg:$0x7] =	wrdreg s25;
	s24 =	simm.s32 $0x80;
	s25 =	simm.s32 $0x5000  }
.LBB2_1:
0x16: {  	s6 =	simm.s32 $0x40;
	s7 =	simm.s32 $0x0  }
.LBB2_2:
0x17: {  	p0 =	sne.s32 s6, $0x1FC0;
	[tilespmem:s7+$0x7000] =	vst v0;
	s7 =	smov.u32 s6;
	s6 =	sadd.s32 $0x40, s6  }
.Ltmp0:
0x18: {  	(pc) =	sbr.rel @p0 .LBB2_2-.Ltmp0, $2  }
0x19: {  	_ =	sdelay $0x2  }
0x1a: {  	s7 =	sshra.s32 s7, $0x2  }
0x1b: {  	s6 =	rddreg [dreg:$0x5]  }
0x1c: {  	[tilespmem:s7+$0x7000] =	vst v0;
	s8 =	rddreg [dreg:$0x6]  }
0x1d: {  	[spmem:s17], [sflag:s8] =	dma.local [hbm:s6], $0x500  }
0x1e: {  	s6 =	simm.s32 $0x0;
	s7 =	rddreg [dreg:$0x7]  }
0x1f: {  	[tilespmem:s6], [sflag:$0x2] =	stream.linear.gather [hbm4b:s7+s6], $0x2800, $0x38;
	[tilespmem:$0xC800] =	vst v63  }
0x20: {  	s8 =	simm.s32 $0x2800;
	s9 =	rddreg [dreg:$0x8]  }
0x21: {  	[tilespmem:s8], [sflag:$0x3] =	stream.linear.gather [hbm4b:s9+s6], $0x2800, $0x38;
	[tilespmem:$0xC800] =	vst v63  }
0x22: {  	_ = 	snop  }
0x23: {  	[spmem:s10] =	stream.linear.scatter [tilespmem:s19], [sflag:$0x5], $0x800, $0x38;
	[tilespmem:$0xC800] =	vst v63  }
0x24: {  	_ = 	snop  }
0x25: {  	[spmem:s11] =	stream.linear.scatter [tilespmem:s19], [sflag:$0x5], $0x800, $0x38;
	[tilespmem:$0xC800] =	vst v63  }
0x26: {  	_ = 	snop  }
0x27: {  	[spmem:s12] =	stream.linear.scatter [tilespmem:s19], [sflag:$0x5], $0x800, $0x38;
	[tilespmem:$0xC800] =	vst v63  }
0x28: {  	_ = 	snop  }
0x29: {  	[spmem:s13] =	stream.linear.scatter [tilespmem:s19], [sflag:$0x5], $0x800, $0x38;
	[tilespmem:$0xC800] =	vst v63  }
0x2a: {  	_ = 	snop  }
0x2b: {  	[spmem:s14] =	stream.linear.scatter [tilespmem:s19], [sflag:$0x5], $0x800, $0x38;
	[tilespmem:$0xC800] =	vst v63  }
0x2c: {  	_ =	swait.ge [sflag:s20], $0x500  }
0x2d: {  	[sflag:s20] =	ssyncset.done $0x0  }
0x2e: {  	[sflag:s20] =	ssyncadd.s32 $0xFFFFFB00  }
0x2f: {  	_ =	swait.ge [sflag:s21], $0x2800  }
0x30: {  	[sflag:s21] =	ssyncset.done $0x0  }
0x31: {  	[sflag:s21] =	ssyncadd.s32 $0xFFFFD800  }
0x32: {  	_ =	swait.ge [sflag:s22], $0x2800  }
0x33: {  	[sflag:s22] =	ssyncset.done $0x0  }
0x34: {  	[sflag:s22] =	ssyncadd.s32 $0xFFFFD800  }
0x35: {  	_ =	swait.ge [sflag:s23], $0x800  }
0x36: {  	[sflag:s23] =	ssyncset.done $0x0  }
0x37: {  	[sflag:s23] =	ssyncadd.s32 $0xFFFFF800  }
0x38: {  	_ =	swait.ge [sflag:s23], $0x800  }
0x39: {  	[sflag:s23] =	ssyncset.done $0x0  }
0x3a: {  	[sflag:s23] =	ssyncadd.s32 $0xFFFFF800  }
0x3b: {  	_ =	swait.ge [sflag:s23], $0x800  }
0x3c: {  	[sflag:s23] =	ssyncset.done $0x0  }
0x3d: {  	[sflag:s23] =	ssyncadd.s32 $0xFFFFF800  }
0x3e: {  	_ =	swait.ge [sflag:s23], $0x800  }
0x3f: {  	[sflag:s23] =	ssyncset.done $0x0  }
0x40: {  	[sflag:s23] =	ssyncadd.s32 $0xFFFFF800  }
0x41: {  	_ =	swait.ge [sflag:s23], $0x800  }
0x42: {  	[sflag:s23] =	ssyncset.done $0x0  }
0x43: {  	[sflag:s23] =	ssyncadd.s32 $0xFFFFF800  }
0x44: {  	s8 =	simm.s32 $0x0;
	[bflag:$0x0] =	sbarrier.arrive $0xFFFF  }
0x45: {  	[tilespmem:s25], [sflag:$0x1] =	stream.indirect.gather [spmem:s2], $0x10, s8, s24, $0xb8;
	[tilespmem:$0xC800] =	vst v63  }
0x46: {  	s9 =	simm.s32 $0x80  }
0x47: {  	[tilespmem:s26], [sflag:$0x2] =	stream.indirect.gather [spmem:s2], $0x10, s9, s24, $0xb8;
	[tilespmem:$0xC800] =	vst v63  }
0x48: {  	s7 =	simm.s32 $0x100  }
0x49: {  	[tilespmem:s28], [sflag:$0x3] =	stream.indirect.gather [spmem:s2], $0x10, s7, s24, $0xb8;
	[tilespmem:$0xC800] =	vst v63  }
0x4a: {  	s8 =	simm.s32 $0x180  }
0x4b: {  	[tilespmem:s29], [sflag:$0x4] =	stream.indirect.gather [spmem:s2], $0x10, s8, s24, $0xb8;
	[tilespmem:$0xC800] =	vst v63  }
0x4c: {  	_ =	swait.ge [sflag:s20], $0x800  }
0x4d: {  	[sflag:s20] =	ssyncset.done $0x0  }
0x4e: {  	s9 =	simm.s32 $0x2800;
	[sflag:s20] =	ssyncadd.s32 $0xFFFFF800  }
0x4f: {  	[spmem:s3] =	stream.indirect.scatter.add.f32 [tilespmem:s25], [sflag:$0x5], $0x10, s9, s24, $0xb8;
	[tilespmem:$0xC800] =	vst v63  }
0x50: {  	_ =	swait.ge [sflag:s21], $0x800  }
0x51: {  	[sflag:s21] =	ssyncset.done $0x0  }
0x52: {  	s7 =	simm.s32 $0x2880;
	[sflag:s21] =	ssyncadd.s32 $0xFFFFF800  }
0x53: {  	[spmem:s3] =	stream.indirect.scatter.add.f32 [tilespmem:s26], [sflag:$0x6], $0x10, s7, s24, $0xb8;
	[tilespmem:$0xC800] =	vst v63  }
0x54: {  	_ =	swait.ge [sflag:s22], $0x800  }
0x55: {  	[sflag:s22] =	ssyncset.done $0x0  }
0x56: {  	s8 =	simm.s32 $0x2900;
	[sflag:s22] =	ssyncadd.s32 $0xFFFFF800  }
0x57: {  	[spmem:s3] =	stream.indirect.scatter.add.f32 [tilespmem:s28], [sflag:$0x7], $0x10, s8, s24, $0xb8;
	[tilespmem:$0xC800] =	vst v63  }
0x58: {  	_ =	swait.ge [sflag:s30], $0x800  }
0x59: {  	[sflag:s30] =	ssyncset.done $0x0  }
0x5a: {  	s9 =	simm.s32 $0x2980;
	[sflag:s30] =	ssyncadd.s32 $0xFFFFF800  }
0x5b: {  	[spmem:s3] =	stream.indirect.scatter.add.f32 [tilespmem:s29], [sflag:$0x8], $0x10, s9, s24, $0xb8;
	[tilespmem:$0xC800] =	vst v63  }
0x5c: {  	_ =	swait.ge [sflag:s23], $0x800  }
0x5d: {  	[sflag:s23] =	ssyncset.done $0x0  }
0x5e: {  	[sflag:s23] =	ssyncadd.s32 $0xFFFFF800  }
0x5f: {  	_ =	swait.ge [sflag:s31], $0x800  }
0x60: {  	[sflag:s31] =	ssyncset.done $0x0  }
0x61: {  	[sflag:s31] =	ssyncadd.s32 $0xFFFFF800  }
0x62: {  	_ =	swait.ge [sflag:s1], $0x800  }
0x63: {  	[sflag:s1] =	ssyncset.done $0x0  }
0x64: {  	[sflag:s1] =	ssyncadd.s32 $0xFFFFF800  }
0x65: {  	_ =	swait.ge [sflag:s0], $0x800  }
0x66: {  	s6 =	simm.s32 $0x800;
	s7 =	simm.s32 $0x1000;
	[sflag:s0] =	ssyncset.done $0x0  }
.LBB2_4:
0x67: {  	s9 =	sshra.s32 s6, $0x2  }
0x68: {  	[sflag:s0] =	ssyncadd.s32 $0xFFFFF800;
	s6 =	smov.u32 s7;
	s8 =	sadd.s32 $0x800, s7  }
0x69: {  	[tilespmem:s25], [sflag:$0x1] =	stream.indirect.gather [spmem:s2], $0x10, s9, s24, $0xb8;
	[tilespmem:$0xC800] =	vst v63  }
0x6a: {  	p0 =	sne.s32 s7, $0x9800;
	s7 =	sadd.s32 $0x80, s9  }
0x6b: {  	[tilespmem:s26], [sflag:$0x2] =	stream.indirect.gather [spmem:s2], $0x10, s7, s24, $0xb8;
	[tilespmem:$0xC800] =	vst v63  }
0x6c: {  	s7 =	sadd.s32 $0x100, s9  }
0x6d: {  	[tilespmem:s28], [sflag:$0x3] =	stream.indirect.gather [spmem:s2], $0x10, s7, s24, $0xb8;
	[tilespmem:$0xC800] =	vst v63  }
0x6e: {  	s7 =	sadd.s32 $0x180, s9  }
0x6f: {  	[tilespmem:s29], [sflag:$0x4] =	stream.indirect.gather [spmem:s2], $0x10, s7, s24, $0xb8;
	[tilespmem:$0xC800] =	vst v63  }
0x70: {  	_ =	swait.ge [sflag:s20], $0x800  }
0x71: {  	[sflag:s20] =	ssyncset.done $0x0  }
0x72: {  	s7 =	sadd.s32 $0x2800, s9;
	[sflag:s20] =	ssyncadd.s32 $0xFFFFF800  }
0x73: {  	[spmem:s3] =	stream.indirect.scatter.add.f32 [tilespmem:s25], [sflag:$0x5], $0x10, s7, s24, $0xb8;
	[tilespmem:$0xC800] =	vst v63  }
0x74: {  	_ =	swait.ge [sflag:s21], $0x800  }
0x75: {  	[sflag:s21] =	ssyncset.done $0x0  }
0x76: {  	s7 =	sadd.s32 $0x2880, s9;
	[sflag:s21] =	ssyncadd.s32 $0xFFFFF800  }
0x77: {  	[spmem:s3] =	stream.indirect.scatter.add.f32 [tilespmem:s26], [sflag:$0x6], $0x10, s7, s24, $0xb8;
	[tilespmem:$0xC800] =	vst v63  }
0x78: {  	_ =	swait.ge [sflag:s22], $0x800  }
0x79: {  	[sflag:s22] =	ssyncset.done $0x0  }
0x7a: {  	s7 =	sadd.s32 $0x2900, s9;
	[sflag:s22] =	ssyncadd.s32 $0xFFFFF800  }
0x7b: {  	[spmem:s3] =	stream.indirect.scatter.add.f32 [tilespmem:s28], [sflag:$0x7], $0x10, s7, s24, $0xb8;
	[tilespmem:$0xC800] =	vst v63  }
0x7c: {  	_ =	swait.ge [sflag:s30], $0x800  }
0x7d: {  	[sflag:s30] =	ssyncset.done $0x0  }
0x7e: {  	s7 =	sadd.s32 $0x2980, s9;
	[sflag:s30] =	ssyncadd.s32 $0xFFFFF800  }
0x7f: {  	[spmem:s3] =	stream.indirect.scatter.add.f32 [tilespmem:s29], [sflag:$0x8], $0x10, s7, s24, $0xb8;
	[tilespmem:$0xC800] =	vst v63  }
0x80: {  	_ =	swait.ge [sflag:s23], $0x800  }
0x81: {  	[sflag:s23] =	ssyncset.done $0x0  }
0x82: {  	[sflag:s23] =	ssyncadd.s32 $0xFFFFF800  }
0x83: {  	_ =	swait.ge [sflag:s31], $0x800  }
0x84: {  	[sflag:s31] =	ssyncset.done $0x0  }
0x85: {  	[sflag:s31] =	ssyncadd.s32 $0xFFFFF800  }
.Ltmp1:
0x86: {  	_ =	swait.ge [sflag:s1], $0x800;
	(pc) =	sbr.rel @p0 .LBB2_4-.Ltmp1, $4  }
0x87: {  	[sflag:s1] =	ssyncset.done $0x0  }
0x88: {  	[sflag:s1] =	ssyncadd.s32 $0xFFFFF800  }
0x89: {  	_ =	swait.ge [sflag:s0], $0x800  }
0x8a: {  	s7 =	smov.u32 s8;
	[sflag:s0] =	ssyncset.done $0x0  }
0x8b: {  	s6 =	sshra.s32 s6, $0x2;
	[sflag:s0] =	ssyncadd.s32 $0xFFFFF800  }
0x8c: {  	[tilespmem:s25], [sflag:$0x1] =	stream.indirect.gather [spmem:s2], $0x10, s6, s24, $0xb8;
	[tilespmem:$0xC800] =	vst v63  }
0x8d: {  	s7 =	sadd.s32 $0x80, s6  }
0x8e: {  	[tilespmem:s26], [sflag:$0x2] =	stream.indirect.gather [spmem:s2], $0x10, s7, s24, $0xb8;
	[tilespmem:$0xC800] =	vst v63  }
0x8f: {  	s9 =	sadd.s32 $0x100, s6  }
0x90: {  	[tilespmem:s28], [sflag:$0x3] =	stream.indirect.gather [spmem:s2], $0x10, s9, s24, $0xb8;
	[tilespmem:$0xC800] =	vst v63  }
0x91: {  	s8 =	sadd.s32 $0x180, s6  }
0x92: {  	[tilespmem:s29], [sflag:$0x4] =	stream.indirect.gather [spmem:s2], $0x10, s8, s24, $0xb8;
	[tilespmem:$0xC800] =	vst v63  }
0x93: {  	_ =	swait.ge [sflag:s20], $0x800  }
0x94: {  	[sflag:s20] =	ssyncset.done $0x0  }
0x95: {  	s9 =	sadd.s32 $0x2800, s6;
	[sflag:s20] =	ssyncadd.s32 $0xFFFFF800  }
0x96: {  	[spmem:s3] =	stream.indirect.scatter.add.f32 [tilespmem:s25], [sflag:$0x5], $0x10, s9, s24, $0xb8;
	[tilespmem:$0xC800] =	vst v63  }
0x97: {  	_ =	swait.ge [sflag:s21], $0x800  }
0x98: {  	[sflag:s21] =	ssyncset.done $0x0  }
0x99: {  	s8 =	sadd.s32 $0x2880, s6;
	[sflag:s21] =	ssyncadd.s32 $0xFFFFF800  }
0x9a: {  	[spmem:s3] =	stream.indirect.scatter.add.f32 [tilespmem:s26], [sflag:$0x6], $0x10, s8, s24, $0xb8;
	[tilespmem:$0xC800] =	vst v63  }
0x9b: {  	_ =	swait.ge [sflag:s22], $0x800  }
0x9c: {  	[sflag:s22] =	ssyncset.done $0x0  }
0x9d: {  	s9 =	sadd.s32 $0x2900, s6;
	[sflag:s22] =	ssyncadd.s32 $0xFFFFF800  }
0x9e: {  	[spmem:s3] =	stream.indirect.scatter.add.f32 [tilespmem:s28], [sflag:$0x7], $0x10, s9, s24, $0xb8;
	[tilespmem:$0xC800] =	vst v63  }
0x9f: {  	_ =	swait.ge [sflag:s30], $0x800  }
0xa0: {  	[sflag:s30] =	ssyncset.done $0x0  }
0xa1: {  	s6 =	sadd.s32 $0x2980, s6;
	[sflag:s30] =	ssyncadd.s32 $0xFFFFF800  }
0xa2: {  	[spmem:s3] =	stream.indirect.scatter.add.f32 [tilespmem:s29], [sflag:$0x8], $0x10, s6, s24, $0xb8;
	[tilespmem:$0xC800] =	vst v63  }
0xa3: {  	_ =	swait.ge [sflag:s23], $0x800  }
0xa4: {  	[sflag:s23] =	ssyncset.done $0x0  }
0xa5: {  	[sflag:s23] =	ssyncadd.s32 $0xFFFFF800  }
0xa6: {  	_ =	swait.ge [sflag:s31], $0x800  }
0xa7: {  	[sflag:s31] =	ssyncset.done $0x0  }
0xa8: {  	[sflag:s31] =	ssyncadd.s32 $0xFFFFF800  }
0xa9: {  	_ =	swait.ge [sflag:s1], $0x800  }
0xaa: {  	[sflag:s1] =	ssyncset.done $0x0  }
0xab: {  	[sflag:s1] =	ssyncadd.s32 $0xFFFFF800  }
0xac: {  	_ =	swait.ge [sflag:s0], $0x800  }
0xad: {  	s4 =	sadd.s32 $0x1, s4;
	[sflag:s0] =	ssyncset.done $0x0  }
0xae: {  	p0 =	sne.s32 s4, s16;
	s8 =	sor.u32 $0x1C09, s5;
	[sflag:s0] =	ssyncadd.s32 $0xFFFFF800  }
.Ltmp2:
0xaf: {  	s9 =	sshrl.u32 s10, $0x3;
	[bflag:$0x0] =	sbarrier.arrive $0xFFFF;
	(pc) =	sbr.rel @p0 .LBB2_1-.Ltmp2, $4  }
0xb0: {  	[hbm:s15], [sflag:s8] =	dma.local [spmem:s9], $0x500  }
0xb1: {  	_ =	swait.ge [sflag:s18], $0x500  }
0xb2: {  	[sflag:s18] =	ssyncset.done $0x0  }
0xb3: {  	[sflag:s18] =	ssyncadd.s32 $0xFFFFFB00  }
0xb4: {  	_ =	sfence.sel $0x180000  }
0xb5: {  	[bflag:$0x0] =	sbarrier.arrive $0xFFFF  }
0xb6: {  	_ =	strace $0x9000004D  }
0xb7: {  	s0 =	stileid.u32;
	[bflag:$0x2] =	sbarrier.arrive $0xFFFF  }
0xb8: {  	p0 =	sne.s32 s0, $0x0;
	s0 =	rddreg [dreg:$0x4]  }
0xb9: {  	s0 =	sadd.s32 @!p0 $0x100000, s0  }
0xba: {  	[sflag:s0] =	ssyncadd.tile.s32 @!p0 $0x1;
	_ =	shalt  }
.Lfunc_end2:
_tile_overlayer_lowered:
.L_overlay_start_2:
0xbb: {  	(tag) =	ssettag $0x2  }
0xbc: {  	s0 =	rddreg [dreg:$0x0];
	s2 =	stileid.u32  }
0xbd: {  	s1 =	rddreg [dreg:$0x1];
	p0 =	sne.s32 s2, $0x0  }
0xbe: {  	s3 =	rddreg [dreg:$0x2];
	[bflag:$0x3] =	sbarrier.arrive $0xFFFF;
	s2 =	simm.s32 @!p0 $0x1C09  }
0xbf: {  	[timem:s3], [sflag:s2] =	dma.local @!p0 [hbm:s0], s1  }
0xc0: {  	s0 =	simm.s32 @!p0 $0x9  }
0xc1: {  	_ =	swait.ge @!p0 [sflag:s0], s1  }
0xc2: {  	s1 =	ssub.s32 @!p0 $0x0, s1;
	[sflag:s0] =	ssyncset.done @!p0 $0x0  }
0xc3: {  	[sflag:s0] =	ssyncadd.s32 @!p0 s1  }
0xc4: {  	[bflag:$0x3] =	sbarrier.arrive $0xFFFF  }
0xc5: {  	_ =	shalt  }

// kernel: kernel.8.cloned.1.call-start
scs
__scs_entry_jumppad:
0x0: {  	(pc) =	sbr.rel $0x88, $3  }
0x1: {  	(tag) =	ssettag $0x0;
	lr =	simm.s32 $0x1  }
0x2: {  	[smem:$0x3F9B] =	sst lr;
	_ =	strace $0xD0000000  }
0x3: {  	_ = 	snop  }
0x4: {  	_ = 	snop  }
0x5: {  	_ = 	snop  }
0x6: {  	_ = 	snop  }
0x7: {  	_ = 	snop  }
__scs_overlays_trampoline_lowered:
0x8: {  	[smem:$0x3FAA] =	sst s0  }
0x9: {  	[smem:$0x3FAB] =	sst s1  }
0xa: {  	[smem:$0x3FAC] =	sst s2  }
0xb: {  	[smem:$0x3FAD] =	sst s3  }
0xc: {  	[smem:$0x3FAE] =	sst s4  }
0xd: {  	[smem:$0x3FAF] =	sst s5  }
0xe: {  	[smem:$0x3FB0] =	sst s6  }
0xf: {  	[smem:$0x3FB1] =	sst s7  }
0x10: {  	[smem:$0x3FB2] =	sst s8  }
0x11: {  	[smem:$0x3FB3] =	sst s9;
	s0 =	simm.s32 @!p0 $0x0  }
0x12: {  	s1 =	sld [smem:$0x3F99];
	s0 =	simm.s32 @p0 $0x1  }
0x13: {  	[smem:$0x3FB4] =	sst s0;
	s0 =	simm.s32 @!p1 $0x0  }
0x14: {  	s2 =	sld [smem:$0x3F98];
	s0 =	simm.s32 @p1 $0x1  }
0x15: {  	[smem:$0x3FB5] =	sst s0;
	s0 =	simm.s32 @!p2 $0x0  }
0x16: {  	s3 =	sld [smem:$0x3FDB];
	s0 =	simm.s32 @p2 $0x1  }
0x17: {  	s4 =	simm.s32 $0x1BF5;
	[smem:$0x3FB7] =	sst s0  }
0x18: {  	s0 =	sld [smem:$0x3F9A];
	_ =	swait.ge [sflag:s4], $0x0  }
0x19: {  	s7 =	sld [smem:$0x3F9B]  }
0x1a: {  	s8 =	sadd.s32 $0xFFFFE003, lr  }
0x1b: {  	s9 =	sadd.s32 $0xFFFFFEF7, lr;
	s5 =	simm.s32 $0xFFFFFFFF;
	p2 =	slt.u32 s8, $0xFFFFF086  }
0x1c: {  	p1 =	slt.u32 s9, $0xF7A;
	s5 =	simm.s32 @!p2 $0x0  }
0x1d: {  	s5 =	simm.s32 @p1 $0x1;
	p0 =	seq.s32 s7, s2  }
0x1e: {  	s7 =	smul.u32 @!p0 $0xF7A, s2;
	p2 =	seq.s32 @!p0 s5, $0x0  }
0x1f: {  	s9 =	smul.u32 $0xF7A, s1;
	s8 =	simm.s32 @!p0 $0x1BF5;
	p2 =	por !p2, p0  }
0x20: {  	[sflag:s8] =	ssyncset.s32 @!p0 $0xFFFFF086;
	s6 =	sadd.s32 @!p0 s3, s7;
	s7 =	simm.s32 @!p0 $0x108  }
0x21: {  	s3 =	sadd.s32 s3, s9;
	s6 =	sadd.s32 @!p0 $0x88, s6;
	s7 =	simm.s32 @p2 $0x1082  }
0x22: {  	[simem:s7], [sflag:s8] =	dma.local @!p0 [hbm:s6], $0xF7A  }
0x23: {  	s9 =	sor.u32 $0xD0000000, s2;
	s6 =	simm.s32 $0x108;
	_ =	swait.ge @!p0 [sflag:s8], $0x0  }
0x24: {  	s3 =	sadd.s32 $0x88, s3;
	s6 =	simm.s32 @!p1 $0x1082;
	[sflag:s4] =	ssyncset.s32 $0xFFFFF086  }
0x25: {  	[simem:s6], [sflag:s4] =	dma.local [hbm:s3], $0xF7A  }
0x26: {  	[smem:$0x3F9B] =	sst s1;
	(tag) =	ssettag s2;
	_ =	strace s9  }
0x27: {  	s1 =	sld [smem:$0x3FAB]  }
0x28: {  	s2 =	sld [smem:$0x3FAC]  }
0x29: {  	s4 =	sld [smem:$0x3FAE]  }
0x2a: {  	p0 =	seq.s32 s5, $0x0;
	s5 =	sld [smem:$0x3FAF]  }
0x2b: {  	s6 =	sld [smem:$0x3FB0]  }
0x2c: {  	s7 =	sld [smem:$0x3FB1]  }
0x2d: {  	s3 =	simm.s32 $0x108;
	s8 =	sld [smem:$0x3FB2]  }
0x2e: {  	s3 =	simm.s32 @!p0 $0x1082;
	s9 =	sld [smem:$0x3FB3]  }
0x2f: {  	lr =	sadd.s32 s0, s3;
	s0 =	sld [smem:$0x3FAA]  }
0x30: {  	s3 =	sld [smem:$0x3FAD]  }
0x31: {  	[smem:$0x3FB6] =	sst s10  }
0x32: {  	s10 =	sld [smem:$0x3FB4];
	_ =	sdelay $0x3  }
0x33: {  	p0 =	seq.s32 s10, $0x1;
	s10 =	sld [smem:$0x3FB6];
	_ =	sdelay $0x3  }
0x34: {  	[smem:$0x3FB6] =	sst s10  }
0x35: {  	s10 =	sld [smem:$0x3FB5];
	_ =	sdelay $0x3  }
0x36: {  	p1 =	seq.s32 s10, $0x1;
	s10 =	sld [smem:$0x3FB6];
	_ =	sdelay $0x3  }
0x37: {  	[smem:$0x3FB6] =	sst s10  }
0x38: {  	s10 =	sld [smem:$0x3FB7]  }
0x39: {  	_ = 	snop;
	(pc) =	sbr.ind lr, $3  }
0x3a: {  	_ = 	snop  }
0x3b: {  	_ = 	snop  }
0x3c: {  	p2 =	seq.s32 s10, $0x1;
	s10 =	sld [smem:$0x3FB6]  }
0x3d: {  	_ =	shalt  }
0x3e: {  	_ =	shalt  }
0x3f: {  	_ =	shalt  }
0x40: {  	_ =	shalt  }
0x41: {  	_ =	shalt  }
0x42: {  	_ =	shalt  }
0x43: {  	_ =	shalt  }
0x44: {  	_ =	shalt  }
0x45: {  	_ =	shalt  }
0x46: {  	_ =	shalt  }
0x47: {  	_ =	shalt  }
0x48: {  	_ =	shalt  }
0x49: {  	_ =	shalt  }
0x4a: {  	_ =	shalt  }
0x4b: {  	_ =	shalt  }
0x4c: {  	_ =	shalt  }
0x4d: {  	_ =	shalt  }
0x4e: {  	_ =	shalt  }
0x4f: {  	_ =	shalt  }
0x50: {  	_ =	shalt  }
0x51: {  	_ =	shalt  }
0x52: {  	_ =	shalt  }
0x53: {  	_ =	shalt  }
0x54: {  	_ =	shalt  }
0x55: {  	_ =	shalt  }
0x56: {  	_ =	shalt  }
0x57: {  	_ =	shalt  }
0x58: {  	_ =	shalt  }
0x59: {  	_ =	shalt  }
0x5a: {  	_ =	shalt  }
0x5b: {  	_ =	shalt  }
0x5c: {  	_ =	shalt  }
0x5d: {  	_ =	shalt  }
0x5e: {  	_ =	shalt  }
0x5f: {  	_ =	shalt  }
0x60: {  	_ =	shalt  }
0x61: {  	_ =	shalt  }
0x62: {  	_ =	shalt  }
0x63: {  	_ =	shalt  }
0x64: {  	_ =	shalt  }
0x65: {  	_ =	shalt  }
0x66: {  	_ =	shalt  }
0x67: {  	_ =	shalt  }
0x68: {  	_ =	shalt  }
0x69: {  	_ =	shalt  }
0x6a: {  	_ =	shalt  }
0x6b: {  	_ =	shalt  }
0x6c: {  	_ =	shalt  }
0x6d: {  	_ =	shalt  }
0x6e: {  	_ =	shalt  }
0x6f: {  	_ =	shalt  }
0x70: {  	_ =	shalt  }
0x71: {  	_ =	shalt  }
0x72: {  	_ =	shalt  }
0x73: {  	_ =	shalt  }
0x74: {  	_ =	shalt  }
0x75: {  	_ =	shalt  }
0x76: {  	_ =	shalt  }
0x77: {  	_ =	shalt  }
0x78: {  	_ =	shalt  }
0x79: {  	_ =	shalt  }
0x7a: {  	_ =	shalt  }
0x7b: {  	_ =	shalt  }
0x7c: {  	_ =	shalt  }
0x7d: {  	_ =	shalt  }
0x7e: {  	_ =	shalt  }
0x7f: {  	_ =	shalt  }
0x80: {  	_ =	shalt  }
0x81: {  	_ =	shalt  }
0x82: {  	_ =	shalt  }
0x83: {  	_ =	shalt  }
0x84: {  	_ =	shalt  }
0x85: {  	_ =	shalt  }
0x86: {  	_ =	shalt  }
0x87: {  	_ =	shalt  }
.Lfunc_end0:
.L_simem_size_0:
called_computation_lowered:
.L_overlay_start_0:
0x88: {  	s2 =	sld [smem:$0x3FD9]  }
0x89: {  	s3 =	sld [smem:$0x3FFE];
	_ =	sdelay $0x1  }
0x8a: {  	s1 =	srdreg.scid  }
0x8b: {  	s0 =	sand.u32 $0x1, s1  }
0x8c: {  	s17 =	sshll.u32 s0, $0xA;
	s2 =	sadd.s32 s3, s2  }
0x8d: {  	s2 =	sadd.s32 s2, s17  }
0x8e: {  	[smem:$0x3FC2] =	sst s2  }
0x8f: {  	_ = 	snop  }
0x90: {  	s2 =	sld [smem:$0x3FD0];
	(tm) =	ssettm $0x1  }
0x91: {  	s18 =	sld [smem:$0x3FFB];
	_ =	sdelay $0x3  }
0x92: {  	_ =	strace s18  }
0x93: {  	s3 =	sld [smem:$0x3FFC];
	_ =	sdelay $0x3  }
0x94: {  	_ =	strace s3  }
0x95: {  	s3 =	sld [smem:$0x3FFD];
	_ =	sdelay $0x3  }
0x96: {  	_ =	strace s3  }
0x97: {  	_ =	strace $0x8FFFFFFF  }
0x98: {  	s19 =	sld [smem:$0x3FDB];
	_ =	sdelay $0x1  }
0x99: {  	s4 =	simm.s32 $_scs_section_size  }
0x9a: {  	s5 =	simm.s32 $_size__tile_overlayer_lowered;
	s6 =	simm.s32 $_tile_overlayer_lowered  }
0x9b: {  	s22 =	simm.s32 $0x1BFF;
	s21 =	sshll.u32 s6, $0x1;
	s3 =	sadd.s32 s4, s19  }
0x9c: {  	s7 =	simm.s32 $0x0;
	s20 =	sshll.u32 s5, $0x1;
	s5 =	sadd.s32 s21, s3  }
0x9d: {  	[timem:s7], [sflag:s22] =	dma.local [hbm:s5], s20  }
0x9e: {  	_ =	swait.ge [sflag:s22], s20  }
0x9f: {  	s4 =	ssub.s32 $0x0, s20;
	[sflag:s22] =	ssyncset.done $0x0  }
0xa0: {  	[sflag:s22] =	ssyncadd.s32 s4;
	_ =	sdelay $0x1  }
0xa1: {  	s23 =	simm.s32 $0x1B8B  }
0xa2: {  	_ =	swait.ge [sflag:s23], $0x1  }
0xa3: {  	[sflag:s23] =	ssyncset.done $0x0  }
0xa4: {  	s25 =	simm.s32 $0x1B8E;
	s24 =	sld [smem:$0x3FFE];
	[sflag:s23] =	ssyncadd.s32 $0xFFFFFFFF  }
0xa5: {  	s26 =	simm.s32 $execute0_lowered;
	[smem:$0x3FD2] =	sst s25  }
0xa6: {  	s5 =	sshll.u32 s26, $0x1;
	_ =	strace $0x80000046;
	[dreg:$0x1] =	wrdreg $0xFFFFFFFF  }
0xa7: {  	s28 =	simm.s32 $_size_execute0_lowered;
	s3 =	sadd.s32 s3, s5;
	[dreg:$0x0] =	wrdreg $0x0  }
0xa8: {  	s5 =	sshll.u32 s28, $0x1;
	[dreg:$0x2] =	wrdreg s3  }
0xa9: {  	[dreg:$0x3] =	wrdreg s5  }
0xaa: {  	[dreg:$0x4] =	wrdreg $0xC0  }
0xab: {  	_ =	task [dreg:s7], $0x5FFFF  }
0xac: {  	[dreg:$0x1] =	wrdreg $0xFFFFFFFF  }
0xad: {  	[dreg:$0x0] =	wrdreg $0x60  }
0xae: {  	[dreg:$0x2] =	wrdreg s2  }
0xaf: {  	[dreg:$0x3] =	wrdreg s24  }
0xb0: {  	[dreg:$0x4] =	wrdreg $0x38000  }
0xb1: {  	[dreg:$0x5] =	wrdreg $0x9  }
0xb2: {  	_ =	task.clear_ibuf [dreg:s7], $0x6FFFF;
	_ =	strace $0x90000046  }
0xb3: {  	s29 =	simm.s32 $0x9;
	_ =	strace $0x80000048  }
0xb4: {  	_ =	swait.ge [sflag:s29], $0x1  }
0xb5: {  	[sflag:s29] =	ssyncadd.s32 $0xFFFFFFFF  }
0xb6: {  	_ =	strace $0x90000048  }
0xb7: {  	_ =	sfence  }
0xb8: {  	s30 =	sld [smem:$0x0];
	_ =	sdelay $0x2  }
0xb9: {  	s31 =	sshll.u32 s1, $0xD;
	s1 =	sshrl.u32 s1, $0x2  }
0xba: {  	s3 =	sand.u32 $0x4000, s31;
	s1 =	sadd.s32 s1, s30  }
0xbb: {  	s0 =	sor.u32 s3, s0;
	s1 =	sshll.u32 s1, $0x11  }
0xbc: {  	s0 =	sor.u32 s1, s0  }
0xbd: {  	s0 =	sadd.s32 $0x8F2B, s0  }
0xbe: {  	[sflag:s0] =	ssyncadd.remote.s32 $0x1  }
0xbf: {  	_ =	sfence.sel $0xFFFF  }
0xc0: {  	[dreg:$0x0] =	wrdreg $0xFFFFFFFF;
	(pc) =	sbr.abs _section_cstart, $3  }
0xc1: {  	[dreg:$0x1] =	wrdreg $0xFFFFFFFF  }
0xc2: {  	_ =	task.clear_ibuf [dreg:s7], $0x2FFFF;
	_ =	strace $0x9FFFFFFF  }
0xc3: {  	(tm) =	ssettm $0x7FFFFFFF  }
tec
execute0_lowered:
.L_overlay_start_1:
0x0: {  	(tag) =	ssettag $0x1  }
0x1: {  	s5 =	rddreg [dreg:$0x0]  }
0x2: {  	s4 =	rddreg [dreg:$0x1]  }
0x3: {  	s2 =	rddreg [dreg:$0x2]  }
0x4: {  	s0 =	rddreg [dreg:$0x3];
	s6 =	srdreg.scid  }
0x5: {  	s1 =	stileid.u32;
	s3 =	simm.s32 $0x0;
	s13 =	simm.s32 $0x1  }
0x6: {  	s14 =	simm.s32 $0x2;
	s15 =	simm.s32 $0x80;
	s16 =	simm.s32 $0x2800  }
0x7: {  	s17 =	simm.s32 $0x3;
	s18 =	simm.s32 $0x4;
	s21 =	simm.s32 $0x5  }
0x8: {  	s6 =	sand.u32 $0x1, s6;
	s7 =	smul.u32 $0x500, s1;
	[smem:$0x7FF] =	sst s3  }
0x9: {  	s9 =	sshll.u32 s1, $0x1;
	s10 =	smul.u32 $0xA000, s1;
	s19 =	sshll.u32 s1, $0x6  }
0xa: {  	s8 =	smul.u32 $0x5000, s6;
	_ =	strace $0x80000047;
	s30 =	ssub.s32 $0x2, s6  }
0xb: {  	s6 =	sor.u32 s6, s9;
	s19 =	sor.u32 $0x1C05, s19;
	s31 =	sshrl.u32 s30, $0x1  }
0xc: {  	s6 =	smul.u32 $0x500, s6;
	s10 =	sshrl.u32 s10, $0x2;
	s7 =	sadd.s32 s7, s8  }
0xd: {  	s12 =	ssub.s32 s30, s31;
	s11 =	sadd.s32 s7, s4;
	s4 =	sadd.s32 s10, s2  }
0xe: {  	s5 =	sadd.s32 s5, s6;
	s6 =	sadd.s32 $0x800, s4;
	s7 =	sadd.s32 $0x1000, s4  }
0xf: {  	s8 =	sadd.s32 $0x1800, s4;
	s9 =	sadd.s32 $0x2000, s4;
	s10 =	sadd.s32 $0x2600, s11  }
0x10: {  	v0 =	vimm.f32 $1.000000000e+00;
	v1 =	vimm.f32 $0.0e+00;
	s11 =	smax.u32 s12, $0x1;
	s12 =	simm.s32 $0x3000;
	s20 =	sshrl.u32 s4, $0x3  }
.LBB2_1:
0x11: {  	s22 =	simm.s32 $0x0  }
.LBB2_2:
0x12: {  	p0 =	sne.s32 s22, $0x1FC0  }
.Ltmp0:
0x13: {  	_ = 	snop;
	(pc) =	sbr.rel @p0 .LBB2_2-.Ltmp0, $3  }
0x14: {  	_ =	sdelay $0x1  }
0x15: {  	s23 =	sshra.s32 s22, $0x2  }
0x16: {  	s22 =	sadd.s32 $0x40, s22;
	[tilespmem:s23+$0x2800] =	vst v0  }
0x17: {  	s22 =	simm.s32 $0x40;
	s23 =	simm.s32 $0x0  }
.LBB2_4:
0x18: {  	p0 =	sne.s32 s22, $0x1FC0;
	[tilespmem:s23+$0x3000] =	vst v1;
	s23 =	smov.u32 s22;
	s22 =	sadd.s32 $0x40, s22  }
.Ltmp1:
0x19: {  	(pc) =	sbr.rel @p0 .LBB2_4-.Ltmp1, $2  }
0x1a: {  	_ =	sdelay $0x2  }
0x1b: {  	s23 =	sshra.s32 s23, $0x2  }
0x1c: {  	[tilespmem:s23+$0x3000] =	vst v1;
	s22 =	simm.s32 $0x0  }
0x1d: {  	[tilespmem:s22], [sflag:$0x1] =	stream.linear.gather [hbm4b:s5+s22], $0x2800, $0x38;
	[tilespmem:$0x6000] =	vst v63  }
0x1e: {  	_ = 	snop  }
0x1f: {  	[spmem:s4] =	stream.linear.scatter [tilespmem:s12], [sflag:$0x2], $0x800, $0x38;
	[tilespmem:$0x6000] =	vst v63  }
0x20: {  	_ = 	snop  }
0x21: {  	[spmem:s6] =	stream.linear.scatter [tilespmem:s12], [sflag:$0x2], $0x800, $0x38;
	[tilespmem:$0x6000] =	vst v63  }
0x22: {  	_ = 	snop  }
0x23: {  	[spmem:s7] =	stream.linear.scatter [tilespmem:s12], [sflag:$0x2], $0x800, $0x38;
	[tilespmem:$0x6000] =	vst v63  }
0x24: {  	_ = 	snop  }
0x25: {  	[spmem:s8] =	stream.linear.scatter [tilespmem:s12], [sflag:$0x2], $0x800, $0x38;
	[tilespmem:$0x6000] =	vst v63  }
0x26: {  	_ = 	snop  }
0x27: {  	[spmem:s9] =	stream.linear.scatter [tilespmem:s12], [sflag:$0x2], $0x800, $0x38;
	[tilespmem:$0x6000] =	vst v63  }
0x28: {  	_ =	swait.ge [sflag:s13], $0x2800  }
0x29: {  	[sflag:s13] =	ssyncset.done $0x0  }
0x2a: {  	[sflag:s13] =	ssyncadd.s32 $0xFFFFD800  }
0x2b: {  	_ =	swait.ge [sflag:s14], $0x800  }
0x2c: {  	[sflag:s14] =	ssyncset.done $0x0  }
0x2d: {  	[sflag:s14] =	ssyncadd.s32 $0xFFFFF800  }
0x2e: {  	_ =	swait.ge [sflag:s14], $0x800  }
0x2f: {  	[sflag:s14] =	ssyncset.done $0x0  }
0x30: {  	[sflag:s14] =	ssyncadd.s32 $0xFFFFF800  }
0x31: {  	_ =	swait.ge [sflag:s14], $0x800  }
0x32: {  	[sflag:s14] =	ssyncset.done $0x0  }
0x33: {  	[sflag:s14] =	ssyncadd.s32 $0xFFFFF800  }
0x34: {  	_ =	swait.ge [sflag:s14], $0x800  }
0x35: {  	[sflag:s14] =	ssyncset.done $0x0  }
0x36: {  	[sflag:s14] =	ssyncadd.s32 $0xFFFFF800  }
0x37: {  	_ =	swait.ge [sflag:s14], $0x800  }
0x38: {  	[sflag:s14] =	ssyncset.done $0x0  }
0x39: {  	[sflag:s14] =	ssyncadd.s32 $0xFFFFF800  }
0x3a: {  	s28 =	simm.s32 $0x0;
	[bflag:$0x0] =	sbarrier.arrive $0xFFFF  }
0x3b: {  	[spmem:s2] =	stream.indirect.scatter.add.f32 [tilespmem:s16], [sflag:$0x1], $0x10, s28, s15, $0xb8;
	[tilespmem:$0x6000] =	vst v63  }
0x3c: {  	s29 =	simm.s32 $0x80  }
0x3d: {  	[spmem:s2] =	stream.indirect.scatter.add.f32 [tilespmem:s16], [sflag:$0x2], $0x10, s29, s15, $0xb8;
	[tilespmem:$0x6000] =	vst v63  }
0x3e: {  	s30 =	simm.s32 $0x100  }
0x3f: {  	[spmem:s2] =	stream.indirect.scatter.add.f32 [tilespmem:s16], [sflag:$0x3], $0x10, s30, s15, $0xb8;
	[tilespmem:$0x6000] =	vst v63  }
0x40: {  	s31 =	simm.s32 $0x180  }
0x41: {  	[spmem:s2] =	stream.indirect.scatter.add.f32 [tilespmem:s16], [sflag:$0x4], $0x10, s31, s15, $0xb8;
	[tilespmem:$0x6000] =	vst v63  }
0x42: {  	_ =	swait.ge [sflag:s13], $0x800  }
0x43: {  	[sflag:s13] =	ssyncset.done $0x0  }
0x44: {  	[sflag:s13] =	ssyncadd.s32 $0xFFFFF800  }
0x45: {  	_ =	swait.ge [sflag:s14], $0x800  }
0x46: {  	[sflag:s14] =	ssyncset.done $0x0  }
0x47: {  	[sflag:s14] =	ssyncadd.s32 $0xFFFFF800  }
0x48: {  	_ =	swait.ge [sflag:s17], $0x800  }
0x49: {  	[sflag:s17] =	ssyncset.done $0x0  }
0x4a: {  	[sflag:s17] =	ssyncadd.s32 $0xFFFFF800  }
0x4b: {  	_ =	swait.ge [sflag:s18], $0x800  }
0x4c: {  	s23 =	simm.s32 $0x1000;
	s22 =	simm.s32 $0x800;
	[sflag:s18] =	ssyncset.done $0x0  }
.LBB2_6:
0x4d: {  	s24 =	sshra.s32 s22, $0x2  }
0x4e: {  	[sflag:s18] =	ssyncadd.s32 $0xFFFFF800;
	s22 =	smov.u32 s23;
	s25 =	sadd.s32 $0x800, s23  }
0x4f: {  	[spmem:s2] =	stream.indirect.scatter.add.f32 [tilespmem:s16], [sflag:$0x1], $0x10, s24, s15, $0xb8;
	[tilespmem:$0x6000] =	vst v63  }
0x50: {  	p0 =	sne.s32 s23, $0x9800;
	s23 =	sadd.s32 $0x80, s24  }
0x51: {  	[spmem:s2] =	stream.indirect.scatter.add.f32 [tilespmem:s16], [sflag:$0x2], $0x10, s23, s15, $0xb8;
	[tilespmem:$0x6000] =	vst v63  }
0x52: {  	s23 =	sadd.s32 $0x100, s24  }
0x53: {  	[spmem:s2] =	stream.indirect.scatter.add.f32 [tilespmem:s16], [sflag:$0x3], $0x10, s23, s15, $0xb8;
	[tilespmem:$0x6000] =	vst v63  }
0x54: {  	s23 =	sadd.s32 $0x180, s24  }
0x55: {  	[spmem:s2] =	stream.indirect.scatter.add.f32 [tilespmem:s16], [sflag:$0x4], $0x10, s23, s15, $0xb8;
	[tilespmem:$0x6000] =	vst v63  }
0x56: {  	_ =	swait.ge [sflag:s13], $0x800  }
0x57: {  	[sflag:s13] =	ssyncset.done $0x0  }
0x58: {  	[sflag:s13] =	ssyncadd.s32 $0xFFFFF800  }
0x59: {  	_ =	swait.ge [sflag:s14], $0x800  }
0x5a: {  	[sflag:s14] =	ssyncset.done $0x0  }
0x5b: {  	[sflag:s14] =	ssyncadd.s32 $0xFFFFF800  }
.Ltmp2:
0x5c: {  	_ =	swait.ge [sflag:s17], $0x800;
	(pc) =	sbr.rel @p0 .LBB2_6-.Ltmp2, $4  }
0x5d: {  	[sflag:s17] =	ssyncset.done $0x0  }
0x5e: {  	[sflag:s17] =	ssyncadd.s32 $0xFFFFF800  }
0x5f: {  	_ =	swait.ge [sflag:s18], $0x800  }
0x60: {  	s23 =	smov.u32 s25;
	[sflag:s18] =	ssyncset.done $0x0  }
0x61: {  	s22 =	sshra.s32 s22, $0x2;
	[sflag:s18] =	ssyncadd.s32 $0xFFFFF800  }
0x62: {  	[spmem:s2] =	stream.indirect.scatter.add.f32 [tilespmem:s16], [sflag:$0x1], $0x10, s22, s15, $0xb8;
	[tilespmem:$0x6000] =	vst v63  }
0x63: {  	s23 =	sadd.s32 $0x80, s22  }
0x64: {  	[spmem:s2] =	stream.indirect.scatter.add.f32 [tilespmem:s16], [sflag:$0x2], $0x10, s23, s15, $0xb8;
	[tilespmem:$0x6000] =	vst v63  }
0x65: {  	s31 =	sadd.s32 $0x100, s22  }
0x66: {  	[spmem:s2] =	stream.indirect.scatter.add.f32 [tilespmem:s16], [sflag:$0x3], $0x10, s31, s15, $0xb8;
	[tilespmem:$0x6000] =	vst v63  }
0x67: {  	s22 =	sadd.s32 $0x180, s22  }
0x68: {  	[spmem:s2] =	stream.indirect.scatter.add.f32 [tilespmem:s16], [sflag:$0x4], $0x10, s22, s15, $0xb8;
	[tilespmem:$0x6000] =	vst v63  }
0x69: {  	_ =	swait.ge [sflag:s13], $0x800  }
0x6a: {  	[sflag:s13] =	ssyncset.done $0x0  }
0x6b: {  	[sflag:s13] =	ssyncadd.s32 $0xFFFFF800  }
0x6c: {  	_ =	swait.ge [sflag:s14], $0x800  }
0x6d: {  	[sflag:s14] =	ssyncset.done $0x0  }
0x6e: {  	[sflag:s14] =	ssyncadd.s32 $0xFFFFF800  }
0x6f: {  	_ =	swait.ge [sflag:s17], $0x800  }
0x70: {  	[sflag:s17] =	ssyncset.done $0x0  }
0x71: {  	[sflag:s17] =	ssyncadd.s32 $0xFFFFF800  }
0x72: {  	_ =	swait.ge [sflag:s18], $0x800  }
0x73: {  	s3 =	sadd.s32 $0x1, s3;
	[sflag:s18] =	ssyncset.done $0x0  }
0x74: {  	p0 =	sne.s32 s3, s11;
	[sflag:s18] =	ssyncadd.s32 $0xFFFFF800  }
.Ltmp3:
0x75: {  	[bflag:$0x0] =	sbarrier.arrive $0xFFFF;
	(pc) =	sbr.rel @p0 .LBB2_1-.Ltmp3, $4  }
0x76: {  	[hbm:s10], [sflag:s19] =	dma.local [spmem:s20], $0x500  }
0x77: {  	_ =	swait.ge [sflag:s21], $0x500  }
0x78: {  	[sflag:s21] =	ssyncset.done $0x0  }
0x79: {  	[sflag:s21] =	ssyncadd.s32 $0xFFFFFB00  }
0x7a: {  	_ =	sfence.sel $0x180000  }
0x7b: {  	[bflag:$0x0] =	sbarrier.arrive $0xFFFF  }
0x7c: {  	p0 =	sne.s32 s1, $0x0;
	_ =	strace $0x90000047  }
0x7d: {  	s0 =	sadd.s32 @!p0 $0x100000, s0;
	[bflag:$0x2] =	sbarrier.arrive $0xFFFF  }
0x7e: {  	[sflag:s0] =	ssyncadd.tile.s32 @!p0 $0x1;
	_ =	shalt  }
.Lfunc_end2:
_tile_overlayer_lowered:
.L_overlay_start_2:
0x7f: {  	(tag) =	ssettag $0x2  }
0x80: {  	s0 =	rddreg [dreg:$0x0];
	s2 =	stileid.u32  }
0x81: {  	s1 =	rddreg [dreg:$0x1];
	p0 =	sne.s32 s2, $0x0  }
0x82: {  	s3 =	rddreg [dreg:$0x2];
	[bflag:$0x3] =	sbarrier.arrive $0xFFFF;
	s2 =	simm.s32 @!p0 $0x1C05  }
0x83: {  	[timem:s3], [sflag:s2] =	dma.local @!p0 [hbm:s0], s1  }
0x84: {  	s0 =	simm.s32 @!p0 $0x5  }
0x85: {  	_ =	swait.ge @!p0 [sflag:s0], s1  }
0x86: {  	s1 =	ssub.s32 @!p0 $0x0, s1;
	[sflag:s0] =	ssyncset.done @!p0 $0x0  }
0x87: {  	[sflag:s0] =	ssyncadd.s32 @!p0 s1  }
0x88: {  	[bflag:$0x3] =	sbarrier.arrive $0xFFFF  }
0x89: {  	_ =	shalt  }

</sc_bundles>
